<compile_context>
chip_gen: v7x
topology: tpu7x:2x2x1
jax: 0.10.2.dev20260603
libtpu: 0.0.44.dev20260713+nightly
codegen_flags: <defaults>
</compile_context>

<pallas_src>
import functools

import jax
import jax.numpy as jnp
from jax import lax
from jax.experimental import pallas as pl
from jax.experimental.pallas import tpu as pltpu
from jax.experimental.pallas import tpu_sc as plsc

N_FEATURES = 26
INPUT_DIM = 101
OUT_DIM = 3
BATCH = 16384
ROW = N_FEATURES * OUT_DIM
NUM_WORKERS = 32
COLS_PER_W = BATCH // NUM_WORKERS
NVEC = COLS_PER_W // 16


def _sc_embed(idx_t, tab_t):
    mesh = plsc.VectorSubcoreMesh(core_axis_name="c", subcore_axis_name="s")

    @functools.partial(
        pl.kernel,
        mesh=mesh,
        out_type=jax.ShapeDtypeStruct((ROW, BATCH), jnp.float32),
        compiler_params=pltpu.CompilerParams(
            needs_layout_passes=False,
            disable_bounds_checks=True,
        ),
        scratch_types=[
            pltpu.VMEM((N_FEATURES, COLS_PER_W), jnp.int32),
            pltpu.VMEM((OUT_DIM, N_FEATURES, INPUT_DIM), jnp.float32),
            pltpu.VMEM((ROW, COLS_PER_W), jnp.float32),
            pltpu.SemaphoreType.DMA,
            pltpu.SemaphoreType.DMA,
        ],
    )
    def k(idx_hbm, tab_hbm, out_hbm, idx_v, tab_v, out_v, s_idx, s_tab):
        wid = lax.axis_index("s") * 2 + lax.axis_index("c")
        base = wid * COLS_PER_W

        h_idx = pltpu.async_copy(
            idx_hbm.at[:, pl.ds(base, COLS_PER_W)], idx_v, s_idx)
        h_tab = pltpu.async_copy(tab_hbm, tab_v, s_tab)
        h_idx.wait()
        h_tab.wait()

        @plsc.parallel_loop(0, NVEC, unroll=1)
        def vec(v):
            c0 = v * 16
            for f in range(N_FEATURES):
                iv = idx_v[f, pl.ds(c0, 16)]
                for d in range(OUT_DIM):
                    e = plsc.load_gather(tab_v.at[d, f], [iv])
                    out_v[OUT_DIM * f + d, pl.ds(c0, 16)] = e

        pltpu.sync_copy(out_v, out_hbm.at[:, pl.ds(base, COLS_PER_W)])

    return k(idx_t, tab_t)


def kernel(inputs, tables):
    out_t = _sc_embed(inputs.T, tables.transpose(2, 0, 1))
    return out_t.T

# --- scband reference (transcript-rebuilt; emitter-appended) ---
"""Pipeline reference for scband-embedder-13228499271939 (READ-ONLY COPY).

The authoritative reference and input builder live on the scoring server;
editing this copy changes nothing except your own understanding.
"""

import jax, jax.numpy as jnp
import numpy as np

N_FEATURES = 26
N_CATEGORIES = 100  # len(encoding_dictionary[feature]) for every feature
INPUT_DIM = N_CATEGORIES + 1  # keras: n_categories + 1 -> 101
OUT_DIM = int(INPUT_DIM ** 0.25)  # fourth-root rule -> 3
BATCH = 16384


def setup_inputs(seed: int = 0) -> dict:
    key = jax.random.key(seed)
    kidx, ktab = jax.random.split(key)
    # indices per sparse field; int32 used so the module runs under default (non-x64) jax
    inputs = jax.random.randint(kidx, (BATCH, N_FEATURES), 0, N_CATEGORIES, dtype=jnp.int32)
    # one embedding table per feature; all features share (INPUT_DIM, OUT_DIM) here,
    # so they are packed into a single stacked parameter [N_FEATURES, INPUT_DIM, OUT_DIM].
    # keras 'uniform' initializer -> U(-0.05, 0.05)
    tables = jax.random.uniform(ktab, (N_FEATURES, INPUT_DIM, OUT_DIM), minval=-0.05, maxval=0.05, dtype=jnp.float32)
    return {"inputs": inputs, "tables": tables}


def reference(inputs, tables):
    # Faithful translation of Embedder._forward_call_embedder:
    # per-feature column gather through its own embedding table, then concat on axis 1.
    embedded_inputs = []
    for layer_idx in range(N_FEATURES):
        encoded_column = inputs[:, layer_idx]                       # get_encoded_column
        embedded_column = jnp.take(tables[layer_idx], encoded_column, axis=0)  # Embedding lookup -> [B, OUT_DIM]
        embedded_inputs.append(embedded_column)
    return jnp.concatenate(embedded_inputs, axis=1)                 # [B, N_FEATURES * OUT_DIM]

if __name__ == "__main__":
    import jax
    _d = setup_inputs()
    print(jax.jit(kernel)(*tuple(_d.values())))

</pallas_src>

<mosaic_0001>
#map = affine_map<(d0, d1) -> (0, 0)>
#map1 = affine_map<(d0, d1) -> (0, 0, 0)>
module attributes {stable_mosaic.version = 14 : i64} {
  func.func @k(%arg0: i32, %arg1: i32, %arg2: memref<26x16384xi32, #tpu.memory_space<hbm>>, %arg3: memref<3x26x101xf32, #tpu.memory_space<hbm>>, %arg4: memref<78x16384xf32, #tpu.memory_space<hbm>>, %arg5: memref<26x512xi32, #tpu.memory_space<vmem>>, %arg6: memref<3x26x101xf32, #tpu.memory_space<vmem>>, %arg7: memref<78x512xf32, #tpu.memory_space<vmem>>, %arg8: memref<!tpu.dma_semaphore, #tpu.memory_space<semaphore_mem>>, %arg9: memref<!tpu.dma_semaphore, #tpu.memory_space<semaphore_mem>>) attributes {dimension_semantics = [#tpu.dimension_semantics<core_parallel>, #tpu.dimension_semantics<subcore_parallel>], iteration_bounds = array<i64: 2, 16>, scalar_prefetch = 0 : i64, scratch_operands = 5 : i64, tpu.core_type = #tpu.core_type<sc_vector_subcore>, window_params = [{transform_indices = #map}, {transform_indices = #map1}, {transform_indices = #map}]} {
    %mul3A = arith.constant 2 : i32
    %mul3A_0 = arith.muli %arg1, %mul3A : i32
    %add3A = arith.addi %mul3A_0, %arg0 : i32
    %mul3A_1 = arith.constant 512 : i32
    %mul3A_2 = arith.muli %add3A, %mul3A_1 : i32
    %dma_start3A = arith.constant 0 : i32
    %dma_start3A_3 = tpu.memref_slice %arg2[%dma_start3A, %mul3A_2] : memref<26x16384xi32, #tpu.memory_space<hbm>> -> memref<26x512xi32, #tpu.memory_space<hbm>>
    %dma_start3A_4 = arith.constant 0 : i32
    %dma_start3A_5 = tpu.memref_slice %arg2[%dma_start3A_4, %mul3A_2] : memref<26x16384xi32, #tpu.memory_space<hbm>> -> memref<26x512xi32, #tpu.memory_space<hbm>>
    tpu.enqueue_dma source(%dma_start3A_5 : memref<26x512xi32, #tpu.memory_space<hbm>>) target(%arg5 : memref<26x512xi32, #tpu.memory_space<vmem>>) target_semaphore(%arg8 : memref<!tpu.dma_semaphore, #tpu.memory_space<semaphore_mem>>)
    tpu.enqueue_dma source(%arg3 : memref<3x26x101xf32, #tpu.memory_space<hbm>>) target(%arg6 : memref<3x26x101xf32, #tpu.memory_space<vmem>>) target_semaphore(%arg9 : memref<!tpu.dma_semaphore, #tpu.memory_space<semaphore_mem>>)
    %dma_wait3A = arith.constant 0 : i32
    %dma_wait3A_6 = tpu.memref_slice %arg2[%dma_wait3A, %mul3A_2] : memref<26x16384xi32, #tpu.memory_space<hbm>> -> memref<26x512xi32, #tpu.memory_space<hbm>>
    %dma_wait3A_7 = arith.constant 0 : i32
    %dma_wait3A_8 = tpu.memref_slice %arg2[%dma_wait3A_7, %mul3A_2] : memref<26x16384xi32, #tpu.memory_space<hbm>> -> memref<26x512xi32, #tpu.memory_space<hbm>>
    tpu.wait_dma2 semaphore(%arg8 : memref<!tpu.dma_semaphore, #tpu.memory_space<semaphore_mem>>) src(%dma_wait3A_8 : memref<26x512xi32, #tpu.memory_space<hbm>>) dst(%arg5 : memref<26x512xi32, #tpu.memory_space<vmem>>)
    tpu.wait_dma2 semaphore(%arg9 : memref<!tpu.dma_semaphore, #tpu.memory_space<semaphore_mem>>) src(%arg3 : memref<3x26x101xf32, #tpu.memory_space<hbm>>) dst(%arg6 : memref<3x26x101xf32, #tpu.memory_space<vmem>>)
    %parallel_loop3A = arith.constant 0 : i32
    %parallel_loop3A_9 = arith.constant 32 : i32
    %parallel_loop3A_10 = arith.constant 1 : i32
    scf.for %parallel_loop3A_11 = %parallel_loop3A to %parallel_loop3A_9 step %parallel_loop3A_10  : i32 {
      %parallel_loop3A_12 = arith.constant 16 : i32
      %parallel_loop3A_13 = arith.muli %parallel_loop3A_11, %parallel_loop3A_12 : i32
      %parallel_loop3A_14 = arith.constant 0 : i32
      %parallel_loop3A_15 = arith.index_cast %parallel_loop3A_14 : i32 to index
      %parallel_loop3A_16 = arith.index_cast %parallel_loop3A_13 : i32 to index
      %parallel_loop3A_17 = tpu.vector_load %arg5[%parallel_loop3A_15, %parallel_loop3A_16] {strides = array<i32>} : memref<26x512xi32, #tpu.memory_space<vmem>>, vector<16xi32>,
      %parallel_loop3A_18 = arith.constant 0 : i32
      %parallel_loop3A_19 = arith.constant 0 : i32
      %parallel_loop3A_20 = arith.constant 0 : i32
      %parallel_loop3A_21 = tpu.memref_slice %arg6[%parallel_loop3A_18, %parallel_loop3A_19, %parallel_loop3A_20] : memref<3x26x101xf32, #tpu.memory_space<vmem>> -> memref<1x1x101xf32, #tpu.memory_space<vmem>>
      %parallel_loop3A_22 = tpu.memref_squeeze %parallel_loop3A_21 : memref<1x1x101xf32, #tpu.memory_space<vmem>> -> memref<101xf32, #tpu.memory_space<vmem>>
      %parallel_loop3A_23 = tpu.vector_load_idx %parallel_loop3A_22[%parallel_loop3A_17] : memref<101xf32, #tpu.memory_space<vmem>>[vector<16xi32>], vector<16xf32>,
      %parallel_loop3A_24 = arith.constant 0 : i32
      %parallel_loop3A_25 = arith.index_cast %parallel_loop3A_24 : i32 to index
      %parallel_loop3A_26 = arith.index_cast %parallel_loop3A_13 : i32 to index
      %parallel_loop3A_27 = tpu.vector_load %arg7[%parallel_loop3A_25, %parallel_loop3A_26] {strides = array<i32>} : memref<78x512xf32, #tpu.memory_space<vmem>>, vector<16xf32>,
      tpu.vector_store %arg7[%parallel_loop3A_25, %parallel_loop3A_26], %parallel_loop3A_23 {strides = array<i32>} : memref<78x512xf32, #tpu.memory_space<vmem>>, vector<16xf32>,
      %parallel_loop3A_28 = arith.constant 1 : i32
      %parallel_loop3A_29 = arith.constant 0 : i32
      %parallel_loop3A_30 = arith.constant 0 : i32
      %parallel_loop3A_31 = tpu.memref_slice %arg6[%parallel_loop3A_28, %parallel_loop3A_29, %parallel_loop3A_30] : memref<3x26x101xf32, #tpu.memory_space<vmem>> -> memref<1x1x101xf32, #tpu.memory_space<vmem>>
      %parallel_loop3A_32 = tpu.memref_squeeze %parallel_loop3A_31 : memref<1x1x101xf32, #tpu.memory_space<vmem>> -> memref<101xf32, #tpu.memory_space<vmem>>
      %parallel_loop3A_33 = tpu.vector_load_idx %parallel_loop3A_32[%parallel_loop3A_17] : memref<101xf32, #tpu.memory_space<vmem>>[vector<16xi32>], vector<16xf32>,
      %parallel_loop3A_34 = arith.constant 1 : i32
      %parallel_loop3A_35 = arith.index_cast %parallel_loop3A_34 : i32 to index
      %parallel_loop3A_36 = arith.index_cast %parallel_loop3A_13 : i32 to index
      %parallel_loop3A_37 = tpu.vector_load %arg7[%parallel_loop3A_35, %parallel_loop3A_36] {strides = array<i32>} : memref<78x512xf32, #tpu.memory_space<vmem>>, vector<16xf32>,
      tpu.vector_store %arg7[%parallel_loop3A_35, %parallel_loop3A_36], %parallel_loop3A_33 {strides = array<i32>} : memref<78x512xf32, #tpu.memory_space<vmem>>, vector<16xf32>,
      %parallel_loop3A_38 = arith.constant 2 : i32
      %parallel_loop3A_39 = arith.constant 0 : i32
      %parallel_loop3A_40 = arith.constant 0 : i32
      %parallel_loop3A_41 = tpu.memref_slice %arg6[%parallel_loop3A_38, %parallel_loop3A_39, %parallel_loop3A_40] : memref<3x26x101xf32, #tpu.memory_space<vmem>> -> memref<1x1x101xf32, #tpu.memory_space<vmem>>
      %parallel_loop3A_42 = tpu.memref_squeeze %parallel_loop3A_41 : memref<1x1x101xf32, #tpu.memory_space<vmem>> -> memref<101xf32, #tpu.memory_space<vmem>>
      %parallel_loop3A_43 = tpu.vector_load_idx %parallel_loop3A_42[%parallel_loop3A_17] : memref<101xf32, #tpu.memory_space<vmem>>[vector<16xi32>], vector<16xf32>,
      %parallel_loop3A_44 = arith.constant 2 : i32
      %parallel_loop3A_45 = arith.index_cast %parallel_loop3A_44 : i32 to index
      %parallel_loop3A_46 = arith.index_cast %parallel_loop3A_13 : i32 to index
      %parallel_loop3A_47 = tpu.vector_load %arg7[%parallel_loop3A_45, %parallel_loop3A_46] {strides = array<i32>} : memref<78x512xf32, #tpu.memory_space<vmem>>, vector<16xf32>,
      tpu.vector_store %arg7[%parallel_loop3A_45, %parallel_loop3A_46], %parallel_loop3A_43 {strides = array<i32>} : memref<78x512xf32, #tpu.memory_space<vmem>>, vector<16xf32>,
      %parallel_loop3A_48 = arith.constant 1 : i32
      %parallel_loop3A_49 = arith.index_cast %parallel_loop3A_48 : i32 to index
      %parallel_loop3A_50 = arith.index_cast %parallel_loop3A_13 : i32 to index
      %parallel_loop3A_51 = tpu.vector_load %arg5[%parallel_loop3A_49, %parallel_loop3A_50] {strides = array<i32>} : memref<26x512xi32, #tpu.memory_space<vmem>>, vector<16xi32>,
      %parallel_loop3A_52 = arith.constant 0 : i32
      %parallel_loop3A_53 = arith.constant 1 : i32
      %parallel_loop3A_54 = arith.constant 0 : i32
      %parallel_loop3A_55 = tpu.memref_slice %arg6[%parallel_loop3A_52, %parallel_loop3A_53, %parallel_loop3A_54] : memref<3x26x101xf32, #tpu.memory_space<vmem>> -> memref<1x1x101xf32, #tpu.memory_space<vmem>>
      %parallel_loop3A_56 = tpu.memref_squeeze %parallel_loop3A_55 : memref<1x1x101xf32, #tpu.memory_space<vmem>> -> memref<101xf32, #tpu.memory_space<vmem>>
      %parallel_loop3A_57 = tpu.vector_load_idx %parallel_loop3A_56[%parallel_loop3A_51] : memref<101xf32, #tpu.memory_space<vmem>>[vector<16xi32>], vector<16xf32>,
      %parallel_loop3A_58 = arith.constant 3 : i32
      %parallel_loop3A_59 = arith.index_cast %parallel_loop3A_58 : i32 to index
      %parallel_loop3A_60 = arith.index_cast %parallel_loop3A_13 : i32 to index
      %parallel_loop3A_61 = tpu.vector_load %arg7[%parallel_loop3A_59, %parallel_loop3A_60] {strides = array<i32>} : memref<78x512xf32, #tpu.memory_space<vmem>>, vector<16xf32>,
      tpu.vector_store %arg7[%parallel_loop3A_59, %parallel_loop3A_60], %parallel_loop3A_57 {strides = array<i32>} : memref<78x512xf32, #tpu.memory_space<vmem>>, vector<16xf32>,
      %parallel_loop3A_62 = arith.constant 1 : i32
      %parallel_loop3A_63 = arith.constant 1 : i32
      %parallel_loop3A_64 = arith.constant 0 : i32
      %parallel_loop3A_65 = tpu.memref_slice %arg6[%parallel_loop3A_62, %parallel_loop3A_63, %parallel_loop3A_64] : memref<3x26x101xf32, #tpu.memory_space<vmem>> -> memref<1x1x101xf32, #tpu.memory_space<vmem>>
      %parallel_loop3A_66 = tpu.memref_squeeze %parallel_loop3A_65 : memref<1x1x101xf32, #tpu.memory_space<vmem>> -> memref<101xf32, #tpu.memory_space<vmem>>
      %parallel_loop3A_67 = tpu.vector_load_idx %parallel_loop3A_66[%parallel_loop3A_51] : memref<101xf32, #tpu.memory_space<vmem>>[vector<16xi32>], vector<16xf32>,
      %parallel_loop3A_68 = arith.constant 4 : i32
      %parallel_loop3A_69 = arith.index_cast %parallel_loop3A_68 : i32 to index
      %parallel_loop3A_70 = arith.index_cast %parallel_loop3A_13 : i32 to index
      %parallel_loop3A_71 = tpu.vector_load %arg7[%parallel_loop3A_69, %parallel_loop3A_70] {strides = array<i32>} : memref<78x512xf32, #tpu.memory_space<vmem>>, vector<16xf32>,
      tpu.vector_store %arg7[%parallel_loop3A_69, %parallel_loop3A_70], %parallel_loop3A_67 {strides = array<i32>} : memref<78x512xf32, #tpu.memory_space<vmem>>, vector<16xf32>,
      %parallel_loop3A_72 = arith.constant 2 : i32
      %parallel_loop3A_73 = arith.constant 1 : i32
      %parallel_loop3A_74 = arith.constant 0 : i32
      %parallel_loop3A_75 = tpu.memref_slice %arg6[%parallel_loop3A_72, %parallel_loop3A_73, %parallel_loop3A_74] : memref<3x26x101xf32, #tpu.memory_space<vmem>> -> memref<1x1x101xf32, #tpu.memory_space<vmem>>
      %parallel_loop3A_76 = tpu.memref_squeeze %parallel_loop3A_75 : memref<1x1x101xf32, #tpu.memory_space<vmem>> -> memref<101xf32, #tpu.memory_space<vmem>>
      %parallel_loop3A_77 = tpu.vector_load_idx %parallel_loop3A_76[%parallel_loop3A_51] : memref<101xf32, #tpu.memory_space<vmem>>[vector<16xi32>], vector<16xf32>,
      %parallel_loop3A_78 = arith.constant 5 : i32
      %parallel_loop3A_79 = arith.index_cast %parallel_loop3A_78 : i32 to index
      %parallel_loop3A_80 = arith.index_cast %parallel_loop3A_13 : i32 to index
      %parallel_loop3A_81 = tpu.vector_load %arg7[%parallel_loop3A_79, %parallel_loop3A_80] {strides = array<i32>} : memref<78x512xf32, #tpu.memory_space<vmem>>, vector<16xf32>,
      tpu.vector_store %arg7[%parallel_loop3A_79, %parallel_loop3A_80], %parallel_loop3A_77 {strides = array<i32>} : memref<78x512xf32, #tpu.memory_space<vmem>>, vector<16xf32>,
      %parallel_loop3A_82 = arith.constant 2 : i32
      %parallel_loop3A_83 = arith.index_cast %parallel_loop3A_82 : i32 to index
      %parallel_loop3A_84 = arith.index_cast %parallel_loop3A_13 : i32 to index
      %parallel_loop3A_85 = tpu.vector_load %arg5[%parallel_loop3A_83, %parallel_loop3A_84] {strides = array<i32>} : memref<26x512xi32, #tpu.memory_space<vmem>>, vector<16xi32>,
      %parallel_loop3A_86 = arith.constant 0 : i32
      %parallel_loop3A_87 = arith.constant 2 : i32
      %parallel_loop3A_88 = arith.constant 0 : i32
      %parallel_loop3A_89 = tpu.memref_slice %arg6[%parallel_loop3A_86, %parallel_loop3A_87, %parallel_loop3A_88] : memref<3x26x101xf32, #tpu.memory_space<vmem>> -> memref<1x1x101xf32, #tpu.memory_space<vmem>>
      %parallel_loop3A_90 = tpu.memref_squeeze %parallel_loop3A_89 : memref<1x1x101xf32, #tpu.memory_space<vmem>> -> memref<101xf32, #tpu.memory_space<vmem>>
      %parallel_loop3A_91 = tpu.vector_load_idx %parallel_loop3A_90[%parallel_loop3A_85] : memref<101xf32, #tpu.memory_space<vmem>>[vector<16xi32>], vector<16xf32>,
      %parallel_loop3A_92 = arith.constant 6 : i32
      %parallel_loop3A_93 = arith.index_cast %parallel_loop3A_92 : i32 to index
      %parallel_loop3A_94 = arith.index_cast %parallel_loop3A_13 : i32 to index
      %parallel_loop3A_95 = tpu.vector_load %arg7[%parallel_loop3A_93, %parallel_loop3A_94] {strides = array<i32>} : memref<78x512xf32, #tpu.memory_space<vmem>>, vector<16xf32>,
      tpu.vector_store %arg7[%parallel_loop3A_93, %parallel_loop3A_94], %parallel_loop3A_91 {strides = array<i32>} : memref<78x512xf32, #tpu.memory_space<vmem>>, vector<16xf32>,
      %parallel_loop3A_96 = arith.constant 1 : i32
      %parallel_loop3A_97 = arith.constant 2 : i32
      %parallel_loop3A_98 = arith.constant 0 : i32
      %parallel_loop3A_99 = tpu.memref_slice %arg6[%parallel_loop3A_96, %parallel_loop3A_97, %parallel_loop3A_98] : memref<3x26x101xf32, #tpu.memory_space<vmem>> -> memref<1x1x101xf32, #tpu.memory_space<vmem>>
      %parallel_loop3A_100 = tpu.memref_squeeze %parallel_loop3A_99 : memref<1x1x101xf32, #tpu.memory_space<vmem>> -> memref<101xf32, #tpu.memory_space<vmem>>
      %parallel_loop3A_101 = tpu.vector_load_idx %parallel_loop3A_100[%parallel_loop3A_85] : memref<101xf32, #tpu.memory_space<vmem>>[vector<16xi32>], vector<16xf32>,
      %parallel_loop3A_102 = arith.constant 7 : i32
      %parallel_loop3A_103 = arith.index_cast %parallel_loop3A_102 : i32 to index
      %parallel_loop3A_104 = arith.index_cast %parallel_loop3A_13 : i32 to index
      %parallel_loop3A_105 = tpu.vector_load %arg7[%parallel_loop3A_103, %parallel_loop3A_104] {strides = array<i32>} : memref<78x512xf32, #tpu.memory_space<vmem>>, vector<16xf32>,
      tpu.vector_store %arg7[%parallel_loop3A_103, %parallel_loop3A_104], %parallel_loop3A_101 {strides = array<i32>} : memref<78x512xf32, #tpu.memory_space<vmem>>, vector<16xf32>,
      %parallel_loop3A_106 = arith.constant 2 : i32
      %parallel_loop3A_107 = arith.constant 2 : i32
      %parallel_loop3A_108 = arith.constant 0 : i32
      %parallel_loop3A_109 = tpu.memref_slice %arg6[%parallel_loop3A_106, %parallel_loop3A_107, %parallel_loop3A_108] : memref<3x26x101xf32, #tpu.memory_space<vmem>> -> memref<1x1x101xf32, #tpu.memory_space<vmem>>
      %parallel_loop3A_110 = tpu.memref_squeeze %parallel_loop3A_109 : memref<1x1x101xf32, #tpu.memory_space<vmem>> -> memref<101xf32, #tpu.memory_space<vmem>>
      %parallel_loop3A_111 = tpu.vector_load_idx %parallel_loop3A_110[%parallel_loop3A_85] : memref<101xf32, #tpu.memory_space<vmem>>[vector<16xi32>], vector<16xf32>,
      %parallel_loop3A_112 = arith.constant 8 : i32
      %parallel_loop3A_113 = arith.index_cast %parallel_loop3A_112 : i32 to index
      %parallel_loop3A_114 = arith.index_cast %parallel_loop3A_13 : i32 to index
      %parallel_loop3A_115 = tpu.vector_load %arg7[%parallel_loop3A_113, %parallel_loop3A_114] {strides = array<i32>} : memref<78x512xf32, #tpu.memory_space<vmem>>, vector<16xf32>,
      tpu.vector_store %arg7[%parallel_loop3A_113, %parallel_loop3A_114], %parallel_loop3A_111 {strides = array<i32>} : memref<78x512xf32, #tpu.memory_space<vmem>>, vector<16xf32>,
      %parallel_loop3A_116 = arith.constant 3 : i32
      %parallel_loop3A_117 = arith.index_cast %parallel_loop3A_116 : i32 to index
      %parallel_loop3A_118 = arith.index_cast %parallel_loop3A_13 : i32 to index
      %parallel_loop3A_119 = tpu.vector_load %arg5[%parallel_loop3A_117, %parallel_loop3A_118] {strides = array<i32>} : memref<26x512xi32, #tpu.memory_space<vmem>>, vector<16xi32>,
      %parallel_loop3A_120 = arith.constant 0 : i32
      %parallel_loop3A_121 = arith.constant 3 : i32
      %parallel_loop3A_122 = arith.constant 0 : i32
      %parallel_loop3A_123 = tpu.memref_slice %arg6[%parallel_loop3A_120, %parallel_loop3A_121, %parallel_loop3A_122] : memref<3x26x101xf32, #tpu.memory_space<vmem>> -> memref<1x1x101xf32, #tpu.memory_space<vmem>>
      %parallel_loop3A_124 = tpu.memref_squeeze %parallel_loop3A_123 : memref<1x1x101xf32, #tpu.memory_space<vmem>> -> memref<101xf32, #tpu.memory_space<vmem>>
      %parallel_loop3A_125 = tpu.vector_load_idx %parallel_loop3A_124[%parallel_loop3A_119] : memref<101xf32, #tpu.memory_space<vmem>>[vector<16xi32>], vector<16xf32>,
      %parallel_loop3A_126 = arith.constant 9 : i32
      %parallel_loop3A_127 = arith.index_cast %parallel_loop3A_126 : i32 to index
      %parallel_loop3A_128 = arith.index_cast %parallel_loop3A_13 : i32 to index
      %parallel_loop3A_129 = tpu.vector_load %arg7[%parallel_loop3A_127, %parallel_loop3A_128] {strides = array<i32>} : memref<78x512xf32, #tpu.memory_space<vmem>>, vector<16xf32>,
      tpu.vector_store %arg7[%parallel_loop3A_127, %parallel_loop3A_128], %parallel_loop3A_125 {strides = array<i32>} : memref<78x512xf32, #tpu.memory_space<vmem>>, vector<16xf32>,
      %parallel_loop3A_130 = arith.constant 1 : i32
      %parallel_loop3A_131 = arith.constant 3 : i32
      %parallel_loop3A_132 = arith.constant 0 : i32
      %parallel_loop3A_133 = tpu.memref_slice %arg6[%parallel_loop3A_130, %parallel_loop3A_131, %parallel_loop3A_132] : memref<3x26x101xf32, #tpu.memory_space<vmem>> -> memref<1x1x101xf32, #tpu.memory_space<vmem>>
      %parallel_loop3A_134 = tpu.memref_squeeze %parallel_loop3A_133 : memref<1x1x101xf32, #tpu.memory_space<vmem>> -> memref<101xf32, #tpu.memory_space<vmem>>
      %parallel_loop3A_135 = tpu.vector_load_idx %parallel_loop3A_134[%parallel_loop3A_119] : memref<101xf32, #tpu.memory_space<vmem>>[vector<16xi32>], vector<16xf32>,
      %parallel_loop3A_136 = arith.constant 10 : i32
      %parallel_loop3A_137 = arith.index_cast %parallel_loop3A_136 : i32 to index
      %parallel_loop3A_138 = arith.index_cast %parallel_loop3A_13 : i32 to index
      %parallel_loop3A_139 = tpu.vector_load %arg7[%parallel_loop3A_137, %parallel_loop3A_138] {strides = array<i32>} : memref<78x512xf32, #tpu.memory_space<vmem>>, vector<16xf32>,
      tpu.vector_store %arg7[%parallel_loop3A_137, %parallel_loop3A_138], %parallel_loop3A_135 {strides = array<i32>} : memref<78x512xf32, #tpu.memory_space<vmem>>, vector<16xf32>,
      %parallel_loop3A_140 = arith.constant 2 : i32
      %parallel_loop3A_141 = arith.constant 3 : i32
      %parallel_loop3A_142 = arith.constant 0 : i32
      %parallel_loop3A_143 = tpu.memref_slice %arg6[%parallel_loop3A_140, %parallel_loop3A_141, %parallel_loop3A_142] : memref<3x26x101xf32, #tpu.memory_space<vmem>> -> memref<1x1x101xf32, #tpu.memory_space<vmem>>
      %parallel_loop3A_144 = tpu.memref_squeeze %parallel_loop3A_143 : memref<1x1x101xf32, #tpu.memory_space<vmem>> -> memref<101xf32, #tpu.memory_space<vmem>>
      %parallel_loop3A_145 = tpu.vector_load_idx %parallel_loop3A_144[%parallel_loop3A_119] : memref<101xf32, #tpu.memory_space<vmem>>[vector<16xi32>], vector<16xf32>,
      %parallel_loop3A_146 = arith.constant 11 : i32
      %parallel_loop3A_147 = arith.index_cast %parallel_loop3A_146 : i32 to index
      %parallel_loop3A_148 = arith.index_cast %parallel_loop3A_13 : i32 to index
      %parallel_loop3A_149 = tpu.vector_load %arg7[%parallel_loop3A_147, %parallel_loop3A_148] {strides = array<i32>} : memref<78x512xf32, #tpu.memory_space<vmem>>, vector<16xf32>,
      tpu.vector_store %arg7[%parallel_loop3A_147, %parallel_loop3A_148], %parallel_loop3A_145 {strides = array<i32>} : memref<78x512xf32, #tpu.memory_space<vmem>>, vector<16xf32>,
      %parallel_loop3A_150 = arith.constant 4 : i32
      %parallel_loop3A_151 = arith.index_cast %parallel_loop3A_150 : i32 to index
      %parallel_loop3A_152 = arith.index_cast %parallel_loop3A_13 : i32 to index
      %parallel_loop3A_153 = tpu.vector_load %arg5[%parallel_loop3A_151, %parallel_loop3A_152] {strides = array<i32>} : memref<26x512xi32, #tpu.memory_space<vmem>>, vector<16xi32>,
      %parallel_loop3A_154 = arith.constant 0 : i32
      %parallel_loop3A_155 = arith.constant 4 : i32
      %parallel_loop3A_156 = arith.constant 0 : i32
      %parallel_loop3A_157 = tpu.memref_slice %arg6[%parallel_loop3A_154, %parallel_loop3A_155, %parallel_loop3A_156] : memref<3x26x101xf32, #tpu.memory_space<vmem>> -> memref<1x1x101xf32, #tpu.memory_space<vmem>>
      %parallel_loop3A_158 = tpu.memref_squeeze %parallel_loop3A_157 : memref<1x1x101xf32, #tpu.memory_space<vmem>> -> memref<101xf32, #tpu.memory_space<vmem>>
      %parallel_loop3A_159 = tpu.vector_load_idx %parallel_loop3A_158[%parallel_loop3A_153] : memref<101xf32, #tpu.memory_space<vmem>>[vector<16xi32>], vector<16xf32>,
      %parallel_loop3A_160 = arith.constant 12 : i32
      %parallel_loop3A_161 = arith.index_cast %parallel_loop3A_160 : i32 to index
      %parallel_loop3A_162 = arith.index_cast %parallel_loop3A_13 : i32 to index
      %parallel_loop3A_163 = tpu.vector_load %arg7[%parallel_loop3A_161, %parallel_loop3A_162] {strides = array<i32>} : memref<78x512xf32, #tpu.memory_space<vmem>>, vector<16xf32>,
      tpu.vector_store %arg7[%parallel_loop3A_161, %parallel_loop3A_162], %parallel_loop3A_159 {strides = array<i32>} : memref<78x512xf32, #tpu.memory_space<vmem>>, vector<16xf32>,
      %parallel_loop3A_164 = arith.constant 1 : i32
      %parallel_loop3A_165 = arith.constant 4 : i32
      %parallel_loop3A_166 = arith.constant 0 : i32
      %parallel_loop3A_167 = tpu.memref_slice %arg6[%parallel_loop3A_164, %parallel_loop3A_165, %parallel_loop3A_166] : memref<3x26x101xf32, #tpu.memory_space<vmem>> -> memref<1x1x101xf32, #tpu.memory_space<vmem>>
      %parallel_loop3A_168 = tpu.memref_squeeze %parallel_loop3A_167 : memref<1x1x101xf32, #tpu.memory_space<vmem>> -> memref<101xf32, #tpu.memory_space<vmem>>
      %parallel_loop3A_169 = tpu.vector_load_idx %parallel_loop3A_168[%parallel_loop3A_153] : memref<101xf32, #tpu.memory_space<vmem>>[vector<16xi32>], vector<16xf32>,
      %parallel_loop3A_170 = arith.constant 13 : i32
      %parallel_loop3A_171 = arith.index_cast %parallel_loop3A_170 : i32 to index
      %parallel_loop3A_172 = arith.index_cast %parallel_loop3A_13 : i32 to index
      %parallel_loop3A_173 = tpu.vector_load %arg7[%parallel_loop3A_171, %parallel_loop3A_172] {strides = array<i32>} : memref<78x512xf32, #tpu.memory_space<vmem>>, vector<16xf32>,
      tpu.vector_store %arg7[%parallel_loop3A_171, %parallel_loop3A_172], %parallel_loop3A_169 {strides = array<i32>} : memref<78x512xf32, #tpu.memory_space<vmem>>, vector<16xf32>,
      %parallel_loop3A_174 = arith.constant 2 : i32
      %parallel_loop3A_175 = arith.constant 4 : i32
      %parallel_loop3A_176 = arith.constant 0 : i32
      %parallel_loop3A_177 = tpu.memref_slice %arg6[%parallel_loop3A_174, %parallel_loop3A_175, %parallel_loop3A_176] : memref<3x26x101xf32, #tpu.memory_space<vmem>> -> memref<1x1x101xf32, #tpu.memory_space<vmem>>
      %parallel_loop3A_178 = tpu.memref_squeeze %parallel_loop3A_177 : memref<1x1x101xf32, #tpu.memory_space<vmem>> -> memref<101xf32, #tpu.memory_space<vmem>>
      %parallel_loop3A_179 = tpu.vector_load_idx %parallel_loop3A_178[%parallel_loop3A_153] : memref<101xf32, #tpu.memory_space<vmem>>[vector<16xi32>], vector<16xf32>,
      %parallel_loop3A_180 = arith.constant 14 : i32
      %parallel_loop3A_181 = arith.index_cast %parallel_loop3A_180 : i32 to index
      %parallel_loop3A_182 = arith.index_cast %parallel_loop3A_13 : i32 to index
      %parallel_loop3A_183 = tpu.vector_load %arg7[%parallel_loop3A_181, %parallel_loop3A_182] {strides = array<i32>} : memref<78x512xf32, #tpu.memory_space<vmem>>, vector<16xf32>,
      tpu.vector_store %arg7[%parallel_loop3A_181, %parallel_loop3A_182], %parallel_loop3A_179 {strides = array<i32>} : memref<78x512xf32, #tpu.memory_space<vmem>>, vector<16xf32>,
      %parallel_loop3A_184 = arith.constant 5 : i32
      %parallel_loop3A_185 = arith.index_cast %parallel_loop3A_184 : i32 to index
      %parallel_loop3A_186 = arith.index_cast %parallel_loop3A_13 : i32 to index
      %parallel_loop3A_187 = tpu.vector_load %arg5[%parallel_loop3A_185, %parallel_loop3A_186] {strides = array<i32>} : memref<26x512xi32, #tpu.memory_space<vmem>>, vector<16xi32>,
      %parallel_loop3A_188 = arith.constant 0 : i32
      %parallel_loop3A_189 = arith.constant 5 : i32
      %parallel_loop3A_190 = arith.constant 0 : i32
      %parallel_loop3A_191 = tpu.memref_slice %arg6[%parallel_loop3A_188, %parallel_loop3A_189, %parallel_loop3A_190] : memref<3x26x101xf32, #tpu.memory_space<vmem>> -> memref<1x1x101xf32, #tpu.memory_space<vmem>>
      %parallel_loop3A_192 = tpu.memref_squeeze %parallel_loop3A_191 : memref<1x1x101xf32, #tpu.memory_space<vmem>> -> memref<101xf32, #tpu.memory_space<vmem>>
      %parallel_loop3A_193 = tpu.vector_load_idx %parallel_loop3A_192[%parallel_loop3A_187] : memref<101xf32, #tpu.memory_space<vmem>>[vector<16xi32>], vector<16xf32>,
      %parallel_loop3A_194 = arith.constant 15 : i32
      %parallel_loop3A_195 = arith.index_cast %parallel_loop3A_194 : i32 to index
      %parallel_loop3A_196 = arith.index_cast %parallel_loop3A_13 : i32 to index
      %parallel_loop3A_197 = tpu.vector_load %arg7[%parallel_loop3A_195, %parallel_loop3A_196] {strides = array<i32>} : memref<78x512xf32, #tpu.memory_space<vmem>>, vector<16xf32>,
      tpu.vector_store %arg7[%parallel_loop3A_195, %parallel_loop3A_196], %parallel_loop3A_193 {strides = array<i32>} : memref<78x512xf32, #tpu.memory_space<vmem>>, vector<16xf32>,
      %parallel_loop3A_198 = arith.constant 1 : i32
      %parallel_loop3A_199 = arith.constant 5 : i32
      %parallel_loop3A_200 = arith.constant 0 : i32
      %parallel_loop3A_201 = tpu.memref_slice %arg6[%parallel_loop3A_198, %parallel_loop3A_199, %parallel_loop3A_200] : memref<3x26x101xf32, #tpu.memory_space<vmem>> -> memref<1x1x101xf32, #tpu.memory_space<vmem>>
      %parallel_loop3A_202 = tpu.memref_squeeze %parallel_loop3A_201 : memref<1x1x101xf32, #tpu.memory_space<vmem>> -> memref<101xf32, #tpu.memory_space<vmem>>
      %parallel_loop3A_203 = tpu.vector_load_idx %parallel_loop3A_202[%parallel_loop3A_187] : memref<101xf32, #tpu.memory_space<vmem>>[vector<16xi32>], vector<16xf32>,
      %parallel_loop3A_204 = arith.constant 16 : i32
      %parallel_loop3A_205 = arith.index_cast %parallel_loop3A_204 : i32 to index
      %parallel_loop3A_206 = arith.index_cast %parallel_loop3A_13 : i32 to index
      %parallel_loop3A_207 = tpu.vector_load %arg7[%parallel_loop3A_205, %parallel_loop3A_206] {strides = array<i32>} : memref<78x512xf32, #tpu.memory_space<vmem>>, vector<16xf32>,
      tpu.vector_store %arg7[%parallel_loop3A_205, %parallel_loop3A_206], %parallel_loop3A_203 {strides = array<i32>} : memref<78x512xf32, #tpu.memory_space<vmem>>, vector<16xf32>,
      %parallel_loop3A_208 = arith.constant 2 : i32
      %parallel_loop3A_209 = arith.constant 5 : i32
      %parallel_loop3A_210 = arith.constant 0 : i32
      %parallel_loop3A_211 = tpu.memref_slice %arg6[%parallel_loop3A_208, %parallel_loop3A_209, %parallel_loop3A_210] : memref<3x26x101xf32, #tpu.memory_space<vmem>> -> memref<1x1x101xf32, #tpu.memory_space<vmem>>
      %parallel_loop3A_212 = tpu.memref_squeeze %parallel_loop3A_211 : memref<1x1x101xf32, #tpu.memory_space<vmem>> -> memref<101xf32, #tpu.memory_space<vmem>>
      %parallel_loop3A_213 = tpu.vector_load_idx %parallel_loop3A_212[%parallel_loop3A_187] : memref<101xf32, #tpu.memory_space<vmem>>[vector<16xi32>], vector<16xf32>,
      %parallel_loop3A_214 = arith.constant 17 : i32
      %parallel_loop3A_215 = arith.index_cast %parallel_loop3A_214 : i32 to index
      %parallel_loop3A_216 = arith.index_cast %parallel_loop3A_13 : i32 to index
      %parallel_loop3A_217 = tpu.vector_load %arg7[%parallel_loop3A_215, %parallel_loop3A_216] {strides = array<i32>} : memref<78x512xf32, #tpu.memory_space<vmem>>, vector<16xf32>,
      tpu.vector_store %arg7[%parallel_loop3A_215, %parallel_loop3A_216], %parallel_loop3A_213 {strides = array<i32>} : memref<78x512xf32, #tpu.memory_space<vmem>>, vector<16xf32>,
      %parallel_loop3A_218 = arith.constant 6 : i32
      %parallel_loop3A_219 = arith.index_cast %parallel_loop3A_218 : i32 to index
      %parallel_loop3A_220 = arith.index_cast %parallel_loop3A_13 : i32 to index
      %parallel_loop3A_221 = tpu.vector_load %arg5[%parallel_loop3A_219, %parallel_loop3A_220] {strides = array<i32>} : memref<26x512xi32, #tpu.memory_space<vmem>>, vector<16xi32>,
      %parallel_loop3A_222 = arith.constant 0 : i32
      %parallel_loop3A_223 = arith.constant 6 : i32
      %parallel_loop3A_224 = arith.constant 0 : i32
      %parallel_loop3A_225 = tpu.memref_slice %arg6[%parallel_loop3A_222, %parallel_loop3A_223, %parallel_loop3A_224] : memref<3x26x101xf32, #tpu.memory_space<vmem>> -> memref<1x1x101xf32, #tpu.memory_space<vmem>>
      %parallel_loop3A_226 = tpu.memref_squeeze %parallel_loop3A_225 : memref<1x1x101xf32, #tpu.memory_space<vmem>> -> memref<101xf32, #tpu.memory_space<vmem>>
      %parallel_loop3A_227 = tpu.vector_load_idx %parallel_loop3A_226[%parallel_loop3A_221] : memref<101xf32, #tpu.memory_space<vmem>>[vector<16xi32>], vector<16xf32>,
      %parallel_loop3A_228 = arith.constant 18 : i32
      %parallel_loop3A_229 = arith.index_cast %parallel_loop3A_228 : i32 to index
      %parallel_loop3A_230 = arith.index_cast %parallel_loop3A_13 : i32 to index
      %parallel_loop3A_231 = tpu.vector_load %arg7[%parallel_loop3A_229, %parallel_loop3A_230] {strides = array<i32>} : memref<78x512xf32, #tpu.memory_space<vmem>>, vector<16xf32>,
      tpu.vector_store %arg7[%parallel_loop3A_229, %parallel_loop3A_230], %parallel_loop3A_227 {strides = array<i32>} : memref<78x512xf32, #tpu.memory_space<vmem>>, vector<16xf32>,
      %parallel_loop3A_232 = arith.constant 1 : i32
      %parallel_loop3A_233 = arith.constant 6 : i32
      %parallel_loop3A_234 = arith.constant 0 : i32
      %parallel_loop3A_235 = tpu.memref_slice %arg6[%parallel_loop3A_232, %parallel_loop3A_233, %parallel_loop3A_234] : memref<3x26x101xf32, #tpu.memory_space<vmem>> -> memref<1x1x101xf32, #tpu.memory_space<vmem>>
      %parallel_loop3A_236 = tpu.memref_squeeze %parallel_loop3A_235 : memref<1x1x101xf32, #tpu.memory_space<vmem>> -> memref<101xf32, #tpu.memory_space<vmem>>
      %parallel_loop3A_237 = tpu.vector_load_idx %parallel_loop3A_236[%parallel_loop3A_221] : memref<101xf32, #tpu.memory_space<vmem>>[vector<16xi32>], vector<16xf32>,
      %parallel_loop3A_238 = arith.constant 19 : i32
      %parallel_loop3A_239 = arith.index_cast %parallel_loop3A_238 : i32 to index
      %parallel_loop3A_240 = arith.index_cast %parallel_loop3A_13 : i32 to index
      %parallel_loop3A_241 = tpu.vector_load %arg7[%parallel_loop3A_239, %parallel_loop3A_240] {strides = array<i32>} : memref<78x512xf32, #tpu.memory_space<vmem>>, vector<16xf32>,
      tpu.vector_store %arg7[%parallel_loop3A_239, %parallel_loop3A_240], %parallel_loop3A_237 {strides = array<i32>} : memref<78x512xf32, #tpu.memory_space<vmem>>, vector<16xf32>,
      %parallel_loop3A_242 = arith.constant 2 : i32
      %parallel_loop3A_243 = arith.constant 6 : i32
      %parallel_loop3A_244 = arith.constant 0 : i32
      %parallel_loop3A_245 = tpu.memref_slice %arg6[%parallel_loop3A_242, %parallel_loop3A_243, %parallel_loop3A_244] : memref<3x26x101xf32, #tpu.memory_space<vmem>> -> memref<1x1x101xf32, #tpu.memory_space<vmem>>
      %parallel_loop3A_246 = tpu.memref_squeeze %parallel_loop3A_245 : memref<1x1x101xf32, #tpu.memory_space<vmem>> -> memref<101xf32, #tpu.memory_space<vmem>>
      %parallel_loop3A_247 = tpu.vector_load_idx %parallel_loop3A_246[%parallel_loop3A_221] : memref<101xf32, #tpu.memory_space<vmem>>[vector<16xi32>], vector<16xf32>,
      %parallel_loop3A_248 = arith.constant 20 : i32
      %parallel_loop3A_249 = arith.index_cast %parallel_loop3A_248 : i32 to index
      %parallel_loop3A_250 = arith.index_cast %parallel_loop3A_13 : i32 to index
      %parallel_loop3A_251 = tpu.vector_load %arg7[%parallel_loop3A_249, %parallel_loop3A_250] {strides = array<i32>} : memref<78x512xf32, #tpu.memory_space<vmem>>, vector<16xf32>,
      tpu.vector_store %arg7[%parallel_loop3A_249, %parallel_loop3A_250], %parallel_loop3A_247 {strides = array<i32>} : memref<78x512xf32, #tpu.memory_space<vmem>>, vector<16xf32>,
      %parallel_loop3A_252 = arith.constant 7 : i32
      %parallel_loop3A_253 = arith.index_cast %parallel_loop3A_252 : i32 to index
      %parallel_loop3A_254 = arith.index_cast %parallel_loop3A_13 : i32 to index
      %parallel_loop3A_255 = tpu.vector_load %arg5[%parallel_loop3A_253, %parallel_loop3A_254] {strides = array<i32>} : memref<26x512xi32, #tpu.memory_space<vmem>>, vector<16xi32>,
      %parallel_loop3A_256 = arith.constant 0 : i32
      %parallel_loop3A_257 = arith.constant 7 : i32
      %parallel_loop3A_258 = arith.constant 0 : i32
      %parallel_loop3A_259 = tpu.memref_slice %arg6[%parallel_loop3A_256, %parallel_loop3A_257, %parallel_loop3A_258] : memref<3x26x101xf32, #tpu.memory_space<vmem>> -> memref<1x1x101xf32, #tpu.memory_space<vmem>>
      %parallel_loop3A_260 = tpu.memref_squeeze %parallel_loop3A_259 : memref<1x1x101xf32, #tpu.memory_space<vmem>> -> memref<101xf32, #tpu.memory_space<vmem>>
      %parallel_loop3A_261 = tpu.vector_load_idx %parallel_loop3A_260[%parallel_loop3A_255] : memref<101xf32, #tpu.memory_space<vmem>>[vector<16xi32>], vector<16xf32>,
      %parallel_loop3A_262 = arith.constant 21 : i32
      %parallel_loop3A_263 = arith.index_cast %parallel_loop3A_262 : i32 to index
      %parallel_loop3A_264 = arith.index_cast %parallel_loop3A_13 : i32 to index
      %parallel_loop3A_265 = tpu.vector_load %arg7[%parallel_loop3A_263, %parallel_loop3A_264] {strides = array<i32>} : memref<78x512xf32, #tpu.memory_space<vmem>>, vector<16xf32>,
      tpu.vector_store %arg7[%parallel_loop3A_263, %parallel_loop3A_264], %parallel_loop3A_261 {strides = array<i32>} : memref<78x512xf32, #tpu.memory_space<vmem>>, vector<16xf32>,
      %parallel_loop3A_266 = arith.constant 1 : i32
      %parallel_loop3A_267 = arith.constant 7 : i32
      %parallel_loop3A_268 = arith.constant 0 : i32
      %parallel_loop3A_269 = tpu.memref_slice %arg6[%parallel_loop3A_266, %parallel_loop3A_267, %parallel_loop3A_268] : memref<3x26x101xf32, #tpu.memory_space<vmem>> -> memref<1x1x101xf32, #tpu.memory_space<vmem>>
      %parallel_loop3A_270 = tpu.memref_squeeze %parallel_loop3A_269 : memref<1x1x101xf32, #tpu.memory_space<vmem>> -> memref<101xf32, #tpu.memory_space<vmem>>
      %parallel_loop3A_271 = tpu.vector_load_idx %parallel_loop3A_270[%parallel_loop3A_255] : memref<101xf32, #tpu.memory_space<vmem>>[vector<16xi32>], vector<16xf32>,
      %parallel_loop3A_272 = arith.constant 22 : i32
      %parallel_loop3A_273 = arith.index_cast %parallel_loop3A_272 : i32 to index
      %parallel_loop3A_274 = arith.index_cast %parallel_loop3A_13 : i32 to index
      %parallel_loop3A_275 = tpu.vector_load %arg7[%parallel_loop3A_273, %parallel_loop3A_274] {strides = array<i32>} : memref<78x512xf32, #tpu.memory_space<vmem>>, vector<16xf32>,
      tpu.vector_store %arg7[%parallel_loop3A_273, %parallel_loop3A_274], %parallel_loop3A_271 {strides = array<i32>} : memref<78x512xf32, #tpu.memory_space<vmem>>, vector<16xf32>,
      %parallel_loop3A_276 = arith.constant 2 : i32
      %parallel_loop3A_277 = arith.constant 7 : i32
      %parallel_loop3A_278 = arith.constant 0 : i32
      %parallel_loop3A_279 = tpu.memref_slice %arg6[%parallel_loop3A_276, %parallel_loop3A_277, %parallel_loop3A_278] : memref<3x26x101xf32, #tpu.memory_space<vmem>> -> memref<1x1x101xf32, #tpu.memory_space<vmem>>
      %parallel_loop3A_280 = tpu.memref_squeeze %parallel_loop3A_279 : memref<1x1x101xf32, #tpu.memory_space<vmem>> -> memref<101xf32, #tpu.memory_space<vmem>>
      %parallel_loop3A_281 = tpu.vector_load_idx %parallel_loop3A_280[%parallel_loop3A_255] : memref<101xf32, #tpu.memory_space<vmem>>[vector<16xi32>], vector<16xf32>,
      %parallel_loop3A_282 = arith.constant 23 : i32
      %parallel_loop3A_283 = arith.index_cast %parallel_loop3A_282 : i32 to index
      %parallel_loop3A_284 = arith.index_cast %parallel_loop3A_13 : i32 to index
      %parallel_loop3A_285 = tpu.vector_load %arg7[%parallel_loop3A_283, %parallel_loop3A_284] {strides = array<i32>} : memref<78x512xf32, #tpu.memory_space<vmem>>, vector<16xf32>,
      tpu.vector_store %arg7[%parallel_loop3A_283, %parallel_loop3A_284], %parallel_loop3A_281 {strides = array<i32>} : memref<78x512xf32, #tpu.memory_space<vmem>>, vector<16xf32>,
      %parallel_loop3A_286 = arith.constant 8 : i32
      %parallel_loop3A_287 = arith.index_cast %parallel_loop3A_286 : i32 to index
      %parallel_loop3A_288 = arith.index_cast %parallel_loop3A_13 : i32 to index
      %parallel_loop3A_289 = tpu.vector_load %arg5[%parallel_loop3A_287, %parallel_loop3A_288] {strides = array<i32>} : memref<26x512xi32, #tpu.memory_space<vmem>>, vector<16xi32>,
      %parallel_loop3A_290 = arith.constant 0 : i32
      %parallel_loop3A_291 = arith.constant 8 : i32
      %parallel_loop3A_292 = arith.constant 0 : i32
      %parallel_loop3A_293 = tpu.memref_slice %arg6[%parallel_loop3A_290, %parallel_loop3A_291, %parallel_loop3A_292] : memref<3x26x101xf32, #tpu.memory_space<vmem>> -> memref<1x1x101xf32, #tpu.memory_space<vmem>>
      %parallel_loop3A_294 = tpu.memref_squeeze %parallel_loop3A_293 : memref<1x1x101xf32, #tpu.memory_space<vmem>> -> memref<101xf32, #tpu.memory_space<vmem>>
      %parallel_loop3A_295 = tpu.vector_load_idx %parallel_loop3A_294[%parallel_loop3A_289] : memref<101xf32, #tpu.memory_space<vmem>>[vector<16xi32>], vector<16xf32>,
      %parallel_loop3A_296 = arith.constant 24 : i32
      %parallel_loop3A_297 = arith.index_cast %parallel_loop3A_296 : i32 to index
      %parallel_loop3A_298 = arith.index_cast %parallel_loop3A_13 : i32 to index
      %parallel_loop3A_299 = tpu.vector_load %arg7[%parallel_loop3A_297, %parallel_loop3A_298] {strides = array<i32>} : memref<78x512xf32, #tpu.memory_space<vmem>>, vector<16xf32>,
      tpu.vector_store %arg7[%parallel_loop3A_297, %parallel_loop3A_298], %parallel_loop3A_295 {strides = array<i32>} : memref<78x512xf32, #tpu.memory_space<vmem>>, vector<16xf32>,
      %parallel_loop3A_300 = arith.constant 1 : i32
      %parallel_loop3A_301 = arith.constant 8 : i32
      %parallel_loop3A_302 = arith.constant 0 : i32
      %parallel_loop3A_303 = tpu.memref_slice %arg6[%parallel_loop3A_300, %parallel_loop3A_301, %parallel_loop3A_302] : memref<3x26x101xf32, #tpu.memory_space<vmem>> -> memref<1x1x101xf32, #tpu.memory_space<vmem>>
      %parallel_loop3A_304 = tpu.memref_squeeze %parallel_loop3A_303 : memref<1x1x101xf32, #tpu.memory_space<vmem>> -> memref<101xf32, #tpu.memory_space<vmem>>
      %parallel_loop3A_305 = tpu.vector_load_idx %parallel_loop3A_304[%parallel_loop3A_289] : memref<101xf32, #tpu.memory_space<vmem>>[vector<16xi32>], vector<16xf32>,
      %parallel_loop3A_306 = arith.constant 25 : i32
      %parallel_loop3A_307 = arith.index_cast %parallel_loop3A_306 : i32 to index
      %parallel_loop3A_308 = arith.index_cast %parallel_loop3A_13 : i32 to index
      %parallel_loop3A_309 = tpu.vector_load %arg7[%parallel_loop3A_307, %parallel_loop3A_308] {strides = array<i32>} : memref<78x512xf32, #tpu.memory_space<vmem>>, vector<16xf32>,
      tpu.vector_store %arg7[%parallel_loop3A_307, %parallel_loop3A_308], %parallel_loop3A_305 {strides = array<i32>} : memref<78x512xf32, #tpu.memory_space<vmem>>, vector<16xf32>,
      %parallel_loop3A_310 = arith.constant 2 : i32
      %parallel_loop3A_311 = arith.constant 8 : i32
      %parallel_loop3A_312 = arith.constant 0 : i32
      %parallel_loop3A_313 = tpu.memref_slice %arg6[%parallel_loop3A_310, %parallel_loop3A_311, %parallel_loop3A_312] : memref<3x26x101xf32, #tpu.memory_space<vmem>> -> memref<1x1x101xf32, #tpu.memory_space<vmem>>
      %parallel_loop3A_314 = tpu.memref_squeeze %parallel_loop3A_313 : memref<1x1x101xf32, #tpu.memory_space<vmem>> -> memref<101xf32, #tpu.memory_space<vmem>>
      %parallel_loop3A_315 = tpu.vector_load_idx %parallel_loop3A_314[%parallel_loop3A_289] : memref<101xf32, #tpu.memory_space<vmem>>[vector<16xi32>], vector<16xf32>,
      %parallel_loop3A_316 = arith.constant 26 : i32
      %parallel_loop3A_317 = arith.index_cast %parallel_loop3A_316 : i32 to index
      %parallel_loop3A_318 = arith.index_cast %parallel_loop3A_13 : i32 to index
      %parallel_loop3A_319 = tpu.vector_load %arg7[%parallel_loop3A_317, %parallel_loop3A_318] {strides = array<i32>} : memref<78x512xf32, #tpu.memory_space<vmem>>, vector<16xf32>,
      tpu.vector_store %arg7[%parallel_loop3A_317, %parallel_loop3A_318], %parallel_loop3A_315 {strides = array<i32>} : memref<78x512xf32, #tpu.memory_space<vmem>>, vector<16xf32>,
      %parallel_loop3A_320 = arith.constant 9 : i32
      %parallel_loop3A_321 = arith.index_cast %parallel_loop3A_320 : i32 to index
      %parallel_loop3A_322 = arith.index_cast %parallel_loop3A_13 : i32 to index
      %parallel_loop3A_323 = tpu.vector_load %arg5[%parallel_loop3A_321, %parallel_loop3A_322] {strides = array<i32>} : memref<26x512xi32, #tpu.memory_space<vmem>>, vector<16xi32>,
      %parallel_loop3A_324 = arith.constant 0 : i32
      %parallel_loop3A_325 = arith.constant 9 : i32
      %parallel_loop3A_326 = arith.constant 0 : i32
      %parallel_loop3A_327 = tpu.memref_slice %arg6[%parallel_loop3A_324, %parallel_loop3A_325, %parallel_loop3A_326] : memref<3x26x101xf32, #tpu.memory_space<vmem>> -> memref<1x1x101xf32, #tpu.memory_space<vmem>>
      %parallel_loop3A_328 = tpu.memref_squeeze %parallel_loop3A_327 : memref<1x1x101xf32, #tpu.memory_space<vmem>> -> memref<101xf32, #tpu.memory_space<vmem>>
      %parallel_loop3A_329 = tpu.vector_load_idx %parallel_loop3A_328[%parallel_loop3A_323] : memref<101xf32, #tpu.memory_space<vmem>>[vector<16xi32>], vector<16xf32>,
      %parallel_loop3A_330 = arith.constant 27 : i32
      %parallel_loop3A_331 = arith.index_cast %parallel_loop3A_330 : i32 to index
      %parallel_loop3A_332 = arith.index_cast %parallel_loop3A_13 : i32 to index
      %parallel_loop3A_333 = tpu.vector_load %arg7[%parallel_loop3A_331, %parallel_loop3A_332] {strides = array<i32>} : memref<78x512xf32, #tpu.memory_space<vmem>>, vector<16xf32>,
      tpu.vector_store %arg7[%parallel_loop3A_331, %parallel_loop3A_332], %parallel_loop3A_329 {strides = array<i32>} : memref<78x512xf32, #tpu.memory_space<vmem>>, vector<16xf32>,
      %parallel_loop3A_334 = arith.constant 1 : i32
      %parallel_loop3A_335 = arith.constant 9 : i32
      %parallel_loop3A_336 = arith.constant 0 : i32
      %parallel_loop3A_337 = tpu.memref_slice %arg6[%parallel_loop3A_334, %parallel_loop3A_335, %parallel_loop3A_336] : memref<3x26x101xf32, #tpu.memory_space<vmem>> -> memref<1x1x101xf32, #tpu.memory_space<vmem>>
      %parallel_loop3A_338 = tpu.memref_squeeze %parallel_loop3A_337 : memref<1x1x101xf32, #tpu.memory_space<vmem>> -> memref<101xf32, #tpu.memory_space<vmem>>
      %parallel_loop3A_339 = tpu.vector_load_idx %parallel_loop3A_338[%parallel_loop3A_323] : memref<101xf32, #tpu.memory_space<vmem>>[vector<16xi32>], vector<16xf32>,
      %parallel_loop3A_340 = arith.constant 28 : i32
      %parallel_loop3A_341 = arith.index_cast %parallel_loop3A_340 : i32 to index
      %parallel_loop3A_342 = arith.index_cast %parallel_loop3A_13 : i32 to index
      %parallel_loop3A_343 = tpu.vector_load %arg7[%parallel_loop3A_341, %parallel_loop3A_342] {strides = array<i32>} : memref<78x512xf32, #tpu.memory_space<vmem>>, vector<16xf32>,
      tpu.vector_store %arg7[%parallel_loop3A_341, %parallel_loop3A_342], %parallel_loop3A_339 {strides = array<i32>} : memref<78x512xf32, #tpu.memory_space<vmem>>, vector<16xf32>,
      %parallel_loop3A_344 = arith.constant 2 : i32
      %parallel_loop3A_345 = arith.constant 9 : i32
      %parallel_loop3A_346 = arith.constant 0 : i32
      %parallel_loop3A_347 = tpu.memref_slice %arg6[%parallel_loop3A_344, %parallel_loop3A_345, %parallel_loop3A_346] : memref<3x26x101xf32, #tpu.memory_space<vmem>> -> memref<1x1x101xf32, #tpu.memory_space<vmem>>
      %parallel_loop3A_348 = tpu.memref_squeeze %parallel_loop3A_347 : memref<1x1x101xf32, #tpu.memory_space<vmem>> -> memref<101xf32, #tpu.memory_space<vmem>>
      %parallel_loop3A_349 = tpu.vector_load_idx %parallel_loop3A_348[%parallel_loop3A_323] : memref<101xf32, #tpu.memory_space<vmem>>[vector<16xi32>], vector<16xf32>,
      %parallel_loop3A_350 = arith.constant 29 : i32
      %parallel_loop3A_351 = arith.index_cast %parallel_loop3A_350 : i32 to index
      %parallel_loop3A_352 = arith.index_cast %parallel_loop3A_13 : i32 to index
      %parallel_loop3A_353 = tpu.vector_load %arg7[%parallel_loop3A_351, %parallel_loop3A_352] {strides = array<i32>} : memref<78x512xf32, #tpu.memory_space<vmem>>, vector<16xf32>,
      tpu.vector_store %arg7[%parallel_loop3A_351, %parallel_loop3A_352], %parallel_loop3A_349 {strides = array<i32>} : memref<78x512xf32, #tpu.memory_space<vmem>>, vector<16xf32>,
      %parallel_loop3A_354 = arith.constant 10 : i32
      %parallel_loop3A_355 = arith.index_cast %parallel_loop3A_354 : i32 to index
      %parallel_loop3A_356 = arith.index_cast %parallel_loop3A_13 : i32 to index
      %parallel_loop3A_357 = tpu.vector_load %arg5[%parallel_loop3A_355, %parallel_loop3A_356] {strides = array<i32>} : memref<26x512xi32, #tpu.memory_space<vmem>>, vector<16xi32>,
      %parallel_loop3A_358 = arith.constant 0 : i32
      %parallel_loop3A_359 = arith.constant 10 : i32
      %parallel_loop3A_360 = arith.constant 0 : i32
      %parallel_loop3A_361 = tpu.memref_slice %arg6[%parallel_loop3A_358, %parallel_loop3A_359, %parallel_loop3A_360] : memref<3x26x101xf32, #tpu.memory_space<vmem>> -> memref<1x1x101xf32, #tpu.memory_space<vmem>>
      %parallel_loop3A_362 = tpu.memref_squeeze %parallel_loop3A_361 : memref<1x1x101xf32, #tpu.memory_space<vmem>> -> memref<101xf32, #tpu.memory_space<vmem>>
      %parallel_loop3A_363 = tpu.vector_load_idx %parallel_loop3A_362[%parallel_loop3A_357] : memref<101xf32, #tpu.memory_space<vmem>>[vector<16xi32>], vector<16xf32>,
      %parallel_loop3A_364 = arith.constant 30 : i32
      %parallel_loop3A_365 = arith.index_cast %parallel_loop3A_364 : i32 to index
      %parallel_loop3A_366 = arith.index_cast %parallel_loop3A_13 : i32 to index
      %parallel_loop3A_367 = tpu.vector_load %arg7[%parallel_loop3A_365, %parallel_loop3A_366] {strides = array<i32>} : memref<78x512xf32, #tpu.memory_space<vmem>>, vector<16xf32>,
      tpu.vector_store %arg7[%parallel_loop3A_365, %parallel_loop3A_366], %parallel_loop3A_363 {strides = array<i32>} : memref<78x512xf32, #tpu.memory_space<vmem>>, vector<16xf32>,
      %parallel_loop3A_368 = arith.constant 1 : i32
      %parallel_loop3A_369 = arith.constant 10 : i32
      %parallel_loop3A_370 = arith.constant 0 : i32
      %parallel_loop3A_371 = tpu.memref_slice %arg6[%parallel_loop3A_368, %parallel_loop3A_369, %parallel_loop3A_370] : memref<3x26x101xf32, #tpu.memory_space<vmem>> -> memref<1x1x101xf32, #tpu.memory_space<vmem>>
      %parallel_loop3A_372 = tpu.memref_squeeze %parallel_loop3A_371 : memref<1x1x101xf32, #tpu.memory_space<vmem>> -> memref<101xf32, #tpu.memory_space<vmem>>
      %parallel_loop3A_373 = tpu.vector_load_idx %parallel_loop3A_372[%parallel_loop3A_357] : memref<101xf32, #tpu.memory_space<vmem>>[vector<16xi32>], vector<16xf32>,
      %parallel_loop3A_374 = arith.constant 31 : i32
      %parallel_loop3A_375 = arith.index_cast %parallel_loop3A_374 : i32 to index
      %parallel_loop3A_376 = arith.index_cast %parallel_loop3A_13 : i32 to index
      %parallel_loop3A_377 = tpu.vector_load %arg7[%parallel_loop3A_375, %parallel_loop3A_376] {strides = array<i32>} : memref<78x512xf32, #tpu.memory_space<vmem>>, vector<16xf32>,
      tpu.vector_store %arg7[%parallel_loop3A_375, %parallel_loop3A_376], %parallel_loop3A_373 {strides = array<i32>} : memref<78x512xf32, #tpu.memory_space<vmem>>, vector<16xf32>,
      %parallel_loop3A_378 = arith.constant 2 : i32
      %parallel_loop3A_379 = arith.constant 10 : i32
      %parallel_loop3A_380 = arith.constant 0 : i32
      %parallel_loop3A_381 = tpu.memref_slice %arg6[%parallel_loop3A_378, %parallel_loop3A_379, %parallel_loop3A_380] : memref<3x26x101xf32, #tpu.memory_space<vmem>> -> memref<1x1x101xf32, #tpu.memory_space<vmem>>
      %parallel_loop3A_382 = tpu.memref_squeeze %parallel_loop3A_381 : memref<1x1x101xf32, #tpu.memory_space<vmem>> -> memref<101xf32, #tpu.memory_space<vmem>>
      %parallel_loop3A_383 = tpu.vector_load_idx %parallel_loop3A_382[%parallel_loop3A_357] : memref<101xf32, #tpu.memory_space<vmem>>[vector<16xi32>], vector<16xf32>,
      %parallel_loop3A_384 = arith.constant 32 : i32
      %parallel_loop3A_385 = arith.index_cast %parallel_loop3A_384 : i32 to index
      %parallel_loop3A_386 = arith.index_cast %parallel_loop3A_13 : i32 to index
      %parallel_loop3A_387 = tpu.vector_load %arg7[%parallel_loop3A_385, %parallel_loop3A_386] {strides = array<i32>} : memref<78x512xf32, #tpu.memory_space<vmem>>, vector<16xf32>,
      tpu.vector_store %arg7[%parallel_loop3A_385, %parallel_loop3A_386], %parallel_loop3A_383 {strides = array<i32>} : memref<78x512xf32, #tpu.memory_space<vmem>>, vector<16xf32>,
      %parallel_loop3A_388 = arith.constant 11 : i32
      %parallel_loop3A_389 = arith.index_cast %parallel_loop3A_388 : i32 to index
      %parallel_loop3A_390 = arith.index_cast %parallel_loop3A_13 : i32 to index
      %parallel_loop3A_391 = tpu.vector_load %arg5[%parallel_loop3A_389, %parallel_loop3A_390] {strides = array<i32>} : memref<26x512xi32, #tpu.memory_space<vmem>>, vector<16xi32>,
      %parallel_loop3A_392 = arith.constant 0 : i32
      %parallel_loop3A_393 = arith.constant 11 : i32
      %parallel_loop3A_394 = arith.constant 0 : i32
      %parallel_loop3A_395 = tpu.memref_slice %arg6[%parallel_loop3A_392, %parallel_loop3A_393, %parallel_loop3A_394] : memref<3x26x101xf32, #tpu.memory_space<vmem>> -> memref<1x1x101xf32, #tpu.memory_space<vmem>>
      %parallel_loop3A_396 = tpu.memref_squeeze %parallel_loop3A_395 : memref<1x1x101xf32, #tpu.memory_space<vmem>> -> memref<101xf32, #tpu.memory_space<vmem>>
      %parallel_loop3A_397 = tpu.vector_load_idx %parallel_loop3A_396[%parallel_loop3A_391] : memref<101xf32, #tpu.memory_space<vmem>>[vector<16xi32>], vector<16xf32>,
      %parallel_loop3A_398 = arith.constant 33 : i32
      %parallel_loop3A_399 = arith.index_cast %parallel_loop3A_398 : i32 to index
      %parallel_loop3A_400 = arith.index_cast %parallel_loop3A_13 : i32 to index
      %parallel_loop3A_401 = tpu.vector_load %arg7[%parallel_loop3A_399, %parallel_loop3A_400] {strides = array<i32>} : memref<78x512xf32, #tpu.memory_space<vmem>>, vector<16xf32>,
      tpu.vector_store %arg7[%parallel_loop3A_399, %parallel_loop3A_400], %parallel_loop3A_397 {strides = array<i32>} : memref<78x512xf32, #tpu.memory_space<vmem>>, vector<16xf32>,
      %parallel_loop3A_402 = arith.constant 1 : i32
      %parallel_loop3A_403 = arith.constant 11 : i32
      %parallel_loop3A_404 = arith.constant 0 : i32
      %parallel_loop3A_405 = tpu.memref_slice %arg6[%parallel_loop3A_402, %parallel_loop3A_403, %parallel_loop3A_404] : memref<3x26x101xf32, #tpu.memory_space<vmem>> -> memref<1x1x101xf32, #tpu.memory_space<vmem>>
      %parallel_loop3A_406 = tpu.memref_squeeze %parallel_loop3A_405 : memref<1x1x101xf32, #tpu.memory_space<vmem>> -> memref<101xf32, #tpu.memory_space<vmem>>
      %parallel_loop3A_407 = tpu.vector_load_idx %parallel_loop3A_406[%parallel_loop3A_391] : memref<101xf32, #tpu.memory_space<vmem>>[vector<16xi32>], vector<16xf32>,
      %parallel_loop3A_408 = arith.constant 34 : i32
      %parallel_loop3A_409 = arith.index_cast %parallel_loop3A_408 : i32 to index
      %parallel_loop3A_410 = arith.index_cast %parallel_loop3A_13 : i32 to index
      %parallel_loop3A_411 = tpu.vector_load %arg7[%parallel_loop3A_409, %parallel_loop3A_410] {strides = array<i32>} : memref<78x512xf32, #tpu.memory_space<vmem>>, vector<16xf32>,
      tpu.vector_store %arg7[%parallel_loop3A_409, %parallel_loop3A_410], %parallel_loop3A_407 {strides = array<i32>} : memref<78x512xf32, #tpu.memory_space<vmem>>, vector<16xf32>,
      %parallel_loop3A_412 = arith.constant 2 : i32
      %parallel_loop3A_413 = arith.constant 11 : i32
      %parallel_loop3A_414 = arith.constant 0 : i32
      %parallel_loop3A_415 = tpu.memref_slice %arg6[%parallel_loop3A_412, %parallel_loop3A_413, %parallel_loop3A_414] : memref<3x26x101xf32, #tpu.memory_space<vmem>> -> memref<1x1x101xf32, #tpu.memory_space<vmem>>
      %parallel_loop3A_416 = tpu.memref_squeeze %parallel_loop3A_415 : memref<1x1x101xf32, #tpu.memory_space<vmem>> -> memref<101xf32, #tpu.memory_space<vmem>>
      %parallel_loop3A_417 = tpu.vector_load_idx %parallel_loop3A_416[%parallel_loop3A_391] : memref<101xf32, #tpu.memory_space<vmem>>[vector<16xi32>], vector<16xf32>,
      %parallel_loop3A_418 = arith.constant 35 : i32
      %parallel_loop3A_419 = arith.index_cast %parallel_loop3A_418 : i32 to index
      %parallel_loop3A_420 = arith.index_cast %parallel_loop3A_13 : i32 to index
      %parallel_loop3A_421 = tpu.vector_load %arg7[%parallel_loop3A_419, %parallel_loop3A_420] {strides = array<i32>} : memref<78x512xf32, #tpu.memory_space<vmem>>, vector<16xf32>,
      tpu.vector_store %arg7[%parallel_loop3A_419, %parallel_loop3A_420], %parallel_loop3A_417 {strides = array<i32>} : memref<78x512xf32, #tpu.memory_space<vmem>>, vector<16xf32>,
      %parallel_loop3A_422 = arith.constant 12 : i32
      %parallel_loop3A_423 = arith.index_cast %parallel_loop3A_422 : i32 to index
      %parallel_loop3A_424 = arith.index_cast %parallel_loop3A_13 : i32 to index
      %parallel_loop3A_425 = tpu.vector_load %arg5[%parallel_loop3A_423, %parallel_loop3A_424] {strides = array<i32>} : memref<26x512xi32, #tpu.memory_space<vmem>>, vector<16xi32>,
      %parallel_loop3A_426 = arith.constant 0 : i32
      %parallel_loop3A_427 = arith.constant 12 : i32
      %parallel_loop3A_428 = arith.constant 0 : i32
      %parallel_loop3A_429 = tpu.memref_slice %arg6[%parallel_loop3A_426, %parallel_loop3A_427, %parallel_loop3A_428] : memref<3x26x101xf32, #tpu.memory_space<vmem>> -> memref<1x1x101xf32, #tpu.memory_space<vmem>>
      %parallel_loop3A_430 = tpu.memref_squeeze %parallel_loop3A_429 : memref<1x1x101xf32, #tpu.memory_space<vmem>> -> memref<101xf32, #tpu.memory_space<vmem>>
      %parallel_loop3A_431 = tpu.vector_load_idx %parallel_loop3A_430[%parallel_loop3A_425] : memref<101xf32, #tpu.memory_space<vmem>>[vector<16xi32>], vector<16xf32>,
      %parallel_loop3A_432 = arith.constant 36 : i32
      %parallel_loop3A_433 = arith.index_cast %parallel_loop3A_432 : i32 to index
      %parallel_loop3A_434 = arith.index_cast %parallel_loop3A_13 : i32 to index
      %parallel_loop3A_435 = tpu.vector_load %arg7[%parallel_loop3A_433, %parallel_loop3A_434] {strides = array<i32>} : memref<78x512xf32, #tpu.memory_space<vmem>>, vector<16xf32>,
      tpu.vector_store %arg7[%parallel_loop3A_433, %parallel_loop3A_434], %parallel_loop3A_431 {strides = array<i32>} : memref<78x512xf32, #tpu.memory_space<vmem>>, vector<16xf32>,
      %parallel_loop3A_436 = arith.constant 1 : i32
      %parallel_loop3A_437 = arith.constant 12 : i32
      %parallel_loop3A_438 = arith.constant 0 : i32
      %parallel_loop3A_439 = tpu.memref_slice %arg6[%parallel_loop3A_436, %parallel_loop3A_437, %parallel_loop3A_438] : memref<3x26x101xf32, #tpu.memory_space<vmem>> -> memref<1x1x101xf32, #tpu.memory_space<vmem>>
      %parallel_loop3A_440 = tpu.memref_squeeze %parallel_loop3A_439 : memref<1x1x101xf32, #tpu.memory_space<vmem>> -> memref<101xf32, #tpu.memory_space<vmem>>
      %parallel_loop3A_441 = tpu.vector_load_idx %parallel_loop3A_440[%parallel_loop3A_425] : memref<101xf32, #tpu.memory_space<vmem>>[vector<16xi32>], vector<16xf32>,
      %parallel_loop3A_442 = arith.constant 37 : i32
      %parallel_loop3A_443 = arith.index_cast %parallel_loop3A_442 : i32 to index
      %parallel_loop3A_444 = arith.index_cast %parallel_loop3A_13 : i32 to index
      %parallel_loop3A_445 = tpu.vector_load %arg7[%parallel_loop3A_443, %parallel_loop3A_444] {strides = array<i32>} : memref<78x512xf32, #tpu.memory_space<vmem>>, vector<16xf32>,
      tpu.vector_store %arg7[%parallel_loop3A_443, %parallel_loop3A_444], %parallel_loop3A_441 {strides = array<i32>} : memref<78x512xf32, #tpu.memory_space<vmem>>, vector<16xf32>,
      %parallel_loop3A_446 = arith.constant 2 : i32
      %parallel_loop3A_447 = arith.constant 12 : i32
      %parallel_loop3A_448 = arith.constant 0 : i32
      %parallel_loop3A_449 = tpu.memref_slice %arg6[%parallel_loop3A_446, %parallel_loop3A_447, %parallel_loop3A_448] : memref<3x26x101xf32, #tpu.memory_space<vmem>> -> memref<1x1x101xf32, #tpu.memory_space<vmem>>
      %parallel_loop3A_450 = tpu.memref_squeeze %parallel_loop3A_449 : memref<1x1x101xf32, #tpu.memory_space<vmem>> -> memref<101xf32, #tpu.memory_space<vmem>>
      %parallel_loop3A_451 = tpu.vector_load_idx %parallel_loop3A_450[%parallel_loop3A_425] : memref<101xf32, #tpu.memory_space<vmem>>[vector<16xi32>], vector<16xf32>,
      %parallel_loop3A_452 = arith.constant 38 : i32
      %parallel_loop3A_453 = arith.index_cast %parallel_loop3A_452 : i32 to index
      %parallel_loop3A_454 = arith.index_cast %parallel_loop3A_13 : i32 to index
      %parallel_loop3A_455 = tpu.vector_load %arg7[%parallel_loop3A_453, %parallel_loop3A_454] {strides = array<i32>} : memref<78x512xf32, #tpu.memory_space<vmem>>, vector<16xf32>,
      tpu.vector_store %arg7[%parallel_loop3A_453, %parallel_loop3A_454], %parallel_loop3A_451 {strides = array<i32>} : memref<78x512xf32, #tpu.memory_space<vmem>>, vector<16xf32>,
      %parallel_loop3A_456 = arith.constant 13 : i32
      %parallel_loop3A_457 = arith.index_cast %parallel_loop3A_456 : i32 to index
      %parallel_loop3A_458 = arith.index_cast %parallel_loop3A_13 : i32 to index
      %parallel_loop3A_459 = tpu.vector_load %arg5[%parallel_loop3A_457, %parallel_loop3A_458] {strides = array<i32>} : memref<26x512xi32, #tpu.memory_space<vmem>>, vector<16xi32>,
      %parallel_loop3A_460 = arith.constant 0 : i32
      %parallel_loop3A_461 = arith.constant 13 : i32
      %parallel_loop3A_462 = arith.constant 0 : i32
      %parallel_loop3A_463 = tpu.memref_slice %arg6[%parallel_loop3A_460, %parallel_loop3A_461, %parallel_loop3A_462] : memref<3x26x101xf32, #tpu.memory_space<vmem>> -> memref<1x1x101xf32, #tpu.memory_space<vmem>>
      %parallel_loop3A_464 = tpu.memref_squeeze %parallel_loop3A_463 : memref<1x1x101xf32, #tpu.memory_space<vmem>> -> memref<101xf32, #tpu.memory_space<vmem>>
      %parallel_loop3A_465 = tpu.vector_load_idx %parallel_loop3A_464[%parallel_loop3A_459] : memref<101xf32, #tpu.memory_space<vmem>>[vector<16xi32>], vector<16xf32>,
      %parallel_loop3A_466 = arith.constant 39 : i32
      %parallel_loop3A_467 = arith.index_cast %parallel_loop3A_466 : i32 to index
      %parallel_loop3A_468 = arith.index_cast %parallel_loop3A_13 : i32 to index
      %parallel_loop3A_469 = tpu.vector_load %arg7[%parallel_loop3A_467, %parallel_loop3A_468] {strides = array<i32>} : memref<78x512xf32, #tpu.memory_space<vmem>>, vector<16xf32>,
      tpu.vector_store %arg7[%parallel_loop3A_467, %parallel_loop3A_468], %parallel_loop3A_465 {strides = array<i32>} : memref<78x512xf32, #tpu.memory_space<vmem>>, vector<16xf32>,
      %parallel_loop3A_470 = arith.constant 1 : i32
      %parallel_loop3A_471 = arith.constant 13 : i32
      %parallel_loop3A_472 = arith.constant 0 : i32
      %parallel_loop3A_473 = tpu.memref_slice %arg6[%parallel_loop3A_470, %parallel_loop3A_471, %parallel_loop3A_472] : memref<3x26x101xf32, #tpu.memory_space<vmem>> -> memref<1x1x101xf32, #tpu.memory_space<vmem>>
      %parallel_loop3A_474 = tpu.memref_squeeze %parallel_loop3A_473 : memref<1x1x101xf32, #tpu.memory_space<vmem>> -> memref<101xf32, #tpu.memory_space<vmem>>
      %parallel_loop3A_475 = tpu.vector_load_idx %parallel_loop3A_474[%parallel_loop3A_459] : memref<101xf32, #tpu.memory_space<vmem>>[vector<16xi32>], vector<16xf32>,
      %parallel_loop3A_476 = arith.constant 40 : i32
      %parallel_loop3A_477 = arith.index_cast %parallel_loop3A_476 : i32 to index
      %parallel_loop3A_478 = arith.index_cast %parallel_loop3A_13 : i32 to index
      %parallel_loop3A_479 = tpu.vector_load %arg7[%parallel_loop3A_477, %parallel_loop3A_478] {strides = array<i32>} : memref<78x512xf32, #tpu.memory_space<vmem>>, vector<16xf32>,
      tpu.vector_store %arg7[%parallel_loop3A_477, %parallel_loop3A_478], %parallel_loop3A_475 {strides = array<i32>} : memref<78x512xf32, #tpu.memory_space<vmem>>, vector<16xf32>,
      %parallel_loop3A_480 = arith.constant 2 : i32
      %parallel_loop3A_481 = arith.constant 13 : i32
      %parallel_loop3A_482 = arith.constant 0 : i32
      %parallel_loop3A_483 = tpu.memref_slice %arg6[%parallel_loop3A_480, %parallel_loop3A_481, %parallel_loop3A_482] : memref<3x26x101xf32, #tpu.memory_space<vmem>> -> memref<1x1x101xf32, #tpu.memory_space<vmem>>
      %parallel_loop3A_484 = tpu.memref_squeeze %parallel_loop3A_483 : memref<1x1x101xf32, #tpu.memory_space<vmem>> -> memref<101xf32, #tpu.memory_space<vmem>>
      %parallel_loop3A_485 = tpu.vector_load_idx %parallel_loop3A_484[%parallel_loop3A_459] : memref<101xf32, #tpu.memory_space<vmem>>[vector<16xi32>], vector<16xf32>,
      %parallel_loop3A_486 = arith.constant 41 : i32
      %parallel_loop3A_487 = arith.index_cast %parallel_loop3A_486 : i32 to index
      %parallel_loop3A_488 = arith.index_cast %parallel_loop3A_13 : i32 to index
      %parallel_loop3A_489 = tpu.vector_load %arg7[%parallel_loop3A_487, %parallel_loop3A_488] {strides = array<i32>} : memref<78x512xf32, #tpu.memory_space<vmem>>, vector<16xf32>,
      tpu.vector_store %arg7[%parallel_loop3A_487, %parallel_loop3A_488], %parallel_loop3A_485 {strides = array<i32>} : memref<78x512xf32, #tpu.memory_space<vmem>>, vector<16xf32>,
      %parallel_loop3A_490 = arith.constant 14 : i32
      %parallel_loop3A_491 = arith.index_cast %parallel_loop3A_490 : i32 to index
      %parallel_loop3A_492 = arith.index_cast %parallel_loop3A_13 : i32 to index
      %parallel_loop3A_493 = tpu.vector_load %arg5[%parallel_loop3A_491, %parallel_loop3A_492] {strides = array<i32>} : memref<26x512xi32, #tpu.memory_space<vmem>>, vector<16xi32>,
      %parallel_loop3A_494 = arith.constant 0 : i32
      %parallel_loop3A_495 = arith.constant 14 : i32
      %parallel_loop3A_496 = arith.constant 0 : i32
      %parallel_loop3A_497 = tpu.memref_slice %arg6[%parallel_loop3A_494, %parallel_loop3A_495, %parallel_loop3A_496] : memref<3x26x101xf32, #tpu.memory_space<vmem>> -> memref<1x1x101xf32, #tpu.memory_space<vmem>>
      %parallel_loop3A_498 = tpu.memref_squeeze %parallel_loop3A_497 : memref<1x1x101xf32, #tpu.memory_space<vmem>> -> memref<101xf32, #tpu.memory_space<vmem>>
      %parallel_loop3A_499 = tpu.vector_load_idx %parallel_loop3A_498[%parallel_loop3A_493] : memref<101xf32, #tpu.memory_space<vmem>>[vector<16xi32>], vector<16xf32>,
      %parallel_loop3A_500 = arith.constant 42 : i32
      %parallel_loop3A_501 = arith.index_cast %parallel_loop3A_500 : i32 to index
      %parallel_loop3A_502 = arith.index_cast %parallel_loop3A_13 : i32 to index
      %parallel_loop3A_503 = tpu.vector_load %arg7[%parallel_loop3A_501, %parallel_loop3A_502] {strides = array<i32>} : memref<78x512xf32, #tpu.memory_space<vmem>>, vector<16xf32>,
      tpu.vector_store %arg7[%parallel_loop3A_501, %parallel_loop3A_502], %parallel_loop3A_499 {strides = array<i32>} : memref<78x512xf32, #tpu.memory_space<vmem>>, vector<16xf32>,
      %parallel_loop3A_504 = arith.constant 1 : i32
      %parallel_loop3A_505 = arith.constant 14 : i32
      %parallel_loop3A_506 = arith.constant 0 : i32
      %parallel_loop3A_507 = tpu.memref_slice %arg6[%parallel_loop3A_504, %parallel_loop3A_505, %parallel_loop3A_506] : memref<3x26x101xf32, #tpu.memory_space<vmem>> -> memref<1x1x101xf32, #tpu.memory_space<vmem>>
      %parallel_loop3A_508 = tpu.memref_squeeze %parallel_loop3A_507 : memref<1x1x101xf32, #tpu.memory_space<vmem>> -> memref<101xf32, #tpu.memory_space<vmem>>
      %parallel_loop3A_509 = tpu.vector_load_idx %parallel_loop3A_508[%parallel_loop3A_493] : memref<101xf32, #tpu.memory_space<vmem>>[vector<16xi32>], vector<16xf32>,
      %parallel_loop3A_510 = arith.constant 43 : i32
      %parallel_loop3A_511 = arith.index_cast %parallel_loop3A_510 : i32 to index
      %parallel_loop3A_512 = arith.index_cast %parallel_loop3A_13 : i32 to index
      %parallel_loop3A_513 = tpu.vector_load %arg7[%parallel_loop3A_511, %parallel_loop3A_512] {strides = array<i32>} : memref<78x512xf32, #tpu.memory_space<vmem>>, vector<16xf32>,
      tpu.vector_store %arg7[%parallel_loop3A_511, %parallel_loop3A_512], %parallel_loop3A_509 {strides = array<i32>} : memref<78x512xf32, #tpu.memory_space<vmem>>, vector<16xf32>,
      %parallel_loop3A_514 = arith.constant 2 : i32
      %parallel_loop3A_515 = arith.constant 14 : i32
      %parallel_loop3A_516 = arith.constant 0 : i32
      %parallel_loop3A_517 = tpu.memref_slice %arg6[%parallel_loop3A_514, %parallel_loop3A_515, %parallel_loop3A_516] : memref<3x26x101xf32, #tpu.memory_space<vmem>> -> memref<1x1x101xf32, #tpu.memory_space<vmem>>
      %parallel_loop3A_518 = tpu.memref_squeeze %parallel_loop3A_517 : memref<1x1x101xf32, #tpu.memory_space<vmem>> -> memref<101xf32, #tpu.memory_space<vmem>>
      %parallel_loop3A_519 = tpu.vector_load_idx %parallel_loop3A_518[%parallel_loop3A_493] : memref<101xf32, #tpu.memory_space<vmem>>[vector<16xi32>], vector<16xf32>,
      %parallel_loop3A_520 = arith.constant 44 : i32
      %parallel_loop3A_521 = arith.index_cast %parallel_loop3A_520 : i32 to index
      %parallel_loop3A_522 = arith.index_cast %parallel_loop3A_13 : i32 to index
      %parallel_loop3A_523 = tpu.vector_load %arg7[%parallel_loop3A_521, %parallel_loop3A_522] {strides = array<i32>} : memref<78x512xf32, #tpu.memory_space<vmem>>, vector<16xf32>,
      tpu.vector_store %arg7[%parallel_loop3A_521, %parallel_loop3A_522], %parallel_loop3A_519 {strides = array<i32>} : memref<78x512xf32, #tpu.memory_space<vmem>>, vector<16xf32>,
      %parallel_loop3A_524 = arith.constant 15 : i32
      %parallel_loop3A_525 = arith.index_cast %parallel_loop3A_524 : i32 to index
      %parallel_loop3A_526 = arith.index_cast %parallel_loop3A_13 : i32 to index
      %parallel_loop3A_527 = tpu.vector_load %arg5[%parallel_loop3A_525, %parallel_loop3A_526] {strides = array<i32>} : memref<26x512xi32, #tpu.memory_space<vmem>>, vector<16xi32>,
      %parallel_loop3A_528 = arith.constant 0 : i32
      %parallel_loop3A_529 = arith.constant 15 : i32
      %parallel_loop3A_530 = arith.constant 0 : i32
      %parallel_loop3A_531 = tpu.memref_slice %arg6[%parallel_loop3A_528, %parallel_loop3A_529, %parallel_loop3A_530] : memref<3x26x101xf32, #tpu.memory_space<vmem>> -> memref<1x1x101xf32, #tpu.memory_space<vmem>>
      %parallel_loop3A_532 = tpu.memref_squeeze %parallel_loop3A_531 : memref<1x1x101xf32, #tpu.memory_space<vmem>> -> memref<101xf32, #tpu.memory_space<vmem>>
      %parallel_loop3A_533 = tpu.vector_load_idx %parallel_loop3A_532[%parallel_loop3A_527] : memref<101xf32, #tpu.memory_space<vmem>>[vector<16xi32>], vector<16xf32>,
      %parallel_loop3A_534 = arith.constant 45 : i32
      %parallel_loop3A_535 = arith.index_cast %parallel_loop3A_534 : i32 to index
      %parallel_loop3A_536 = arith.index_cast %parallel_loop3A_13 : i32 to index
      %parallel_loop3A_537 = tpu.vector_load %arg7[%parallel_loop3A_535, %parallel_loop3A_536] {strides = array<i32>} : memref<78x512xf32, #tpu.memory_space<vmem>>, vector<16xf32>,
      tpu.vector_store %arg7[%parallel_loop3A_535, %parallel_loop3A_536], %parallel_loop3A_533 {strides = array<i32>} : memref<78x512xf32, #tpu.memory_space<vmem>>, vector<16xf32>,
      %parallel_loop3A_538 = arith.constant 1 : i32
      %parallel_loop3A_539 = arith.constant 15 : i32
      %parallel_loop3A_540 = arith.constant 0 : i32
      %parallel_loop3A_541 = tpu.memref_slice %arg6[%parallel_loop3A_538, %parallel_loop3A_539, %parallel_loop3A_540] : memref<3x26x101xf32, #tpu.memory_space<vmem>> -> memref<1x1x101xf32, #tpu.memory_space<vmem>>
      %parallel_loop3A_542 = tpu.memref_squeeze %parallel_loop3A_541 : memref<1x1x101xf32, #tpu.memory_space<vmem>> -> memref<101xf32, #tpu.memory_space<vmem>>
      %parallel_loop3A_543 = tpu.vector_load_idx %parallel_loop3A_542[%parallel_loop3A_527] : memref<101xf32, #tpu.memory_space<vmem>>[vector<16xi32>], vector<16xf32>,
      %parallel_loop3A_544 = arith.constant 46 : i32
      %parallel_loop3A_545 = arith.index_cast %parallel_loop3A_544 : i32 to index
      %parallel_loop3A_546 = arith.index_cast %parallel_loop3A_13 : i32 to index
      %parallel_loop3A_547 = tpu.vector_load %arg7[%parallel_loop3A_545, %parallel_loop3A_546] {strides = array<i32>} : memref<78x512xf32, #tpu.memory_space<vmem>>, vector<16xf32>,
      tpu.vector_store %arg7[%parallel_loop3A_545, %parallel_loop3A_546], %parallel_loop3A_543 {strides = array<i32>} : memref<78x512xf32, #tpu.memory_space<vmem>>, vector<16xf32>,
      %parallel_loop3A_548 = arith.constant 2 : i32
      %parallel_loop3A_549 = arith.constant 15 : i32
      %parallel_loop3A_550 = arith.constant 0 : i32
      %parallel_loop3A_551 = tpu.memref_slice %arg6[%parallel_loop3A_548, %parallel_loop3A_549, %parallel_loop3A_550] : memref<3x26x101xf32, #tpu.memory_space<vmem>> -> memref<1x1x101xf32, #tpu.memory_space<vmem>>
      %parallel_loop3A_552 = tpu.memref_squeeze %parallel_loop3A_551 : memref<1x1x101xf32, #tpu.memory_space<vmem>> -> memref<101xf32, #tpu.memory_space<vmem>>
      %parallel_loop3A_553 = tpu.vector_load_idx %parallel_loop3A_552[%parallel_loop3A_527] : memref<101xf32, #tpu.memory_space<vmem>>[vector<16xi32>], vector<16xf32>,
      %parallel_loop3A_554 = arith.constant 47 : i32
      %parallel_loop3A_555 = arith.index_cast %parallel_loop3A_554 : i32 to index
      %parallel_loop3A_556 = arith.index_cast %parallel_loop3A_13 : i32 to index
      %parallel_loop3A_557 = tpu.vector_load %arg7[%parallel_loop3A_555, %parallel_loop3A_556] {strides = array<i32>} : memref<78x512xf32, #tpu.memory_space<vmem>>, vector<16xf32>,
      tpu.vector_store %arg7[%parallel_loop3A_555, %parallel_loop3A_556], %parallel_loop3A_553 {strides = array<i32>} : memref<78x512xf32, #tpu.memory_space<vmem>>, vector<16xf32>,
      %parallel_loop3A_558 = arith.constant 16 : i32
      %parallel_loop3A_559 = arith.index_cast %parallel_loop3A_558 : i32 to index
      %parallel_loop3A_560 = arith.index_cast %parallel_loop3A_13 : i32 to index
      %parallel_loop3A_561 = tpu.vector_load %arg5[%parallel_loop3A_559, %parallel_loop3A_560] {strides = array<i32>} : memref<26x512xi32, #tpu.memory_space<vmem>>, vector<16xi32>,
      %parallel_loop3A_562 = arith.constant 0 : i32
      %parallel_loop3A_563 = arith.constant 16 : i32
      %parallel_loop3A_564 = arith.constant 0 : i32
      %parallel_loop3A_565 = tpu.memref_slice %arg6[%parallel_loop3A_562, %parallel_loop3A_563, %parallel_loop3A_564] : memref<3x26x101xf32, #tpu.memory_space<vmem>> -> memref<1x1x101xf32, #tpu.memory_space<vmem>>
      %parallel_loop3A_566 = tpu.memref_squeeze %parallel_loop3A_565 : memref<1x1x101xf32, #tpu.memory_space<vmem>> -> memref<101xf32, #tpu.memory_space<vmem>>
      %parallel_loop3A_567 = tpu.vector_load_idx %parallel_loop3A_566[%parallel_loop3A_561] : memref<101xf32, #tpu.memory_space<vmem>>[vector<16xi32>], vector<16xf32>,
      %parallel_loop3A_568 = arith.constant 48 : i32
      %parallel_loop3A_569 = arith.index_cast %parallel_loop3A_568 : i32 to index
      %parallel_loop3A_570 = arith.index_cast %parallel_loop3A_13 : i32 to index
      %parallel_loop3A_571 = tpu.vector_load %arg7[%parallel_loop3A_569, %parallel_loop3A_570] {strides = array<i32>} : memref<78x512xf32, #tpu.memory_space<vmem>>, vector<16xf32>,
      tpu.vector_store %arg7[%parallel_loop3A_569, %parallel_loop3A_570], %parallel_loop3A_567 {strides = array<i32>} : memref<78x512xf32, #tpu.memory_space<vmem>>, vector<16xf32>,
      %parallel_loop3A_572 = arith.constant 1 : i32
      %parallel_loop3A_573 = arith.constant 16 : i32
      %parallel_loop3A_574 = arith.constant 0 : i32
      %parallel_loop3A_575 = tpu.memref_slice %arg6[%parallel_loop3A_572, %parallel_loop3A_573, %parallel_loop3A_574] : memref<3x26x101xf32, #tpu.memory_space<vmem>> -> memref<1x1x101xf32, #tpu.memory_space<vmem>>
      %parallel_loop3A_576 = tpu.memref_squeeze %parallel_loop3A_575 : memref<1x1x101xf32, #tpu.memory_space<vmem>> -> memref<101xf32, #tpu.memory_space<vmem>>
      %parallel_loop3A_577 = tpu.vector_load_idx %parallel_loop3A_576[%parallel_loop3A_561] : memref<101xf32, #tpu.memory_space<vmem>>[vector<16xi32>], vector<16xf32>,
      %parallel_loop3A_578 = arith.constant 49 : i32
      %parallel_loop3A_579 = arith.index_cast %parallel_loop3A_578 : i32 to index
      %parallel_loop3A_580 = arith.index_cast %parallel_loop3A_13 : i32 to index
      %parallel_loop3A_581 = tpu.vector_load %arg7[%parallel_loop3A_579, %parallel_loop3A_580] {strides = array<i32>} : memref<78x512xf32, #tpu.memory_space<vmem>>, vector<16xf32>,
      tpu.vector_store %arg7[%parallel_loop3A_579, %parallel_loop3A_580], %parallel_loop3A_577 {strides = array<i32>} : memref<78x512xf32, #tpu.memory_space<vmem>>, vector<16xf32>,
      %parallel_loop3A_582 = arith.constant 2 : i32
      %parallel_loop3A_583 = arith.constant 16 : i32
      %parallel_loop3A_584 = arith.constant 0 : i32
      %parallel_loop3A_585 = tpu.memref_slice %arg6[%parallel_loop3A_582, %parallel_loop3A_583, %parallel_loop3A_584] : memref<3x26x101xf32, #tpu.memory_space<vmem>> -> memref<1x1x101xf32, #tpu.memory_space<vmem>>
      %parallel_loop3A_586 = tpu.memref_squeeze %parallel_loop3A_585 : memref<1x1x101xf32, #tpu.memory_space<vmem>> -> memref<101xf32, #tpu.memory_space<vmem>>
      %parallel_loop3A_587 = tpu.vector_load_idx %parallel_loop3A_586[%parallel_loop3A_561] : memref<101xf32, #tpu.memory_space<vmem>>[vector<16xi32>], vector<16xf32>,
      %parallel_loop3A_588 = arith.constant 50 : i32
      %parallel_loop3A_589 = arith.index_cast %parallel_loop3A_588 : i32 to index
      %parallel_loop3A_590 = arith.index_cast %parallel_loop3A_13 : i32 to index
      %parallel_loop3A_591 = tpu.vector_load %arg7[%parallel_loop3A_589, %parallel_loop3A_590] {strides = array<i32>} : memref<78x512xf32, #tpu.memory_space<vmem>>, vector<16xf32>,
      tpu.vector_store %arg7[%parallel_loop3A_589, %parallel_loop3A_590], %parallel_loop3A_587 {strides = array<i32>} : memref<78x512xf32, #tpu.memory_space<vmem>>, vector<16xf32>,
      %parallel_loop3A_592 = arith.constant 17 : i32
      %parallel_loop3A_593 = arith.index_cast %parallel_loop3A_592 : i32 to index
      %parallel_loop3A_594 = arith.index_cast %parallel_loop3A_13 : i32 to index
      %parallel_loop3A_595 = tpu.vector_load %arg5[%parallel_loop3A_593, %parallel_loop3A_594] {strides = array<i32>} : memref<26x512xi32, #tpu.memory_space<vmem>>, vector<16xi32>,
      %parallel_loop3A_596 = arith.constant 0 : i32
      %parallel_loop3A_597 = arith.constant 17 : i32
      %parallel_loop3A_598 = arith.constant 0 : i32
      %parallel_loop3A_599 = tpu.memref_slice %arg6[%parallel_loop3A_596, %parallel_loop3A_597, %parallel_loop3A_598] : memref<3x26x101xf32, #tpu.memory_space<vmem>> -> memref<1x1x101xf32, #tpu.memory_space<vmem>>
      %parallel_loop3A_600 = tpu.memref_squeeze %parallel_loop3A_599 : memref<1x1x101xf32, #tpu.memory_space<vmem>> -> memref<101xf32, #tpu.memory_space<vmem>>
      %parallel_loop3A_601 = tpu.vector_load_idx %parallel_loop3A_600[%parallel_loop3A_595] : memref<101xf32, #tpu.memory_space<vmem>>[vector<16xi32>], vector<16xf32>,
      %parallel_loop3A_602 = arith.constant 51 : i32
      %parallel_loop3A_603 = arith.index_cast %parallel_loop3A_602 : i32 to index
      %parallel_loop3A_604 = arith.index_cast %parallel_loop3A_13 : i32 to index
      %parallel_loop3A_605 = tpu.vector_load %arg7[%parallel_loop3A_603, %parallel_loop3A_604] {strides = array<i32>} : memref<78x512xf32, #tpu.memory_space<vmem>>, vector<16xf32>,
      tpu.vector_store %arg7[%parallel_loop3A_603, %parallel_loop3A_604], %parallel_loop3A_601 {strides = array<i32>} : memref<78x512xf32, #tpu.memory_space<vmem>>, vector<16xf32>,
      %parallel_loop3A_606 = arith.constant 1 : i32
      %parallel_loop3A_607 = arith.constant 17 : i32
      %parallel_loop3A_608 = arith.constant 0 : i32
      %parallel_loop3A_609 = tpu.memref_slice %arg6[%parallel_loop3A_606, %parallel_loop3A_607, %parallel_loop3A_608] : memref<3x26x101xf32, #tpu.memory_space<vmem>> -> memref<1x1x101xf32, #tpu.memory_space<vmem>>
      %parallel_loop3A_610 = tpu.memref_squeeze %parallel_loop3A_609 : memref<1x1x101xf32, #tpu.memory_space<vmem>> -> memref<101xf32, #tpu.memory_space<vmem>>
      %parallel_loop3A_611 = tpu.vector_load_idx %parallel_loop3A_610[%parallel_loop3A_595] : memref<101xf32, #tpu.memory_space<vmem>>[vector<16xi32>], vector<16xf32>,
      %parallel_loop3A_612 = arith.constant 52 : i32
      %parallel_loop3A_613 = arith.index_cast %parallel_loop3A_612 : i32 to index
      %parallel_loop3A_614 = arith.index_cast %parallel_loop3A_13 : i32 to index
      %parallel_loop3A_615 = tpu.vector_load %arg7[%parallel_loop3A_613, %parallel_loop3A_614] {strides = array<i32>} : memref<78x512xf32, #tpu.memory_space<vmem>>, vector<16xf32>,
      tpu.vector_store %arg7[%parallel_loop3A_613, %parallel_loop3A_614], %parallel_loop3A_611 {strides = array<i32>} : memref<78x512xf32, #tpu.memory_space<vmem>>, vector<16xf32>,
      %parallel_loop3A_616 = arith.constant 2 : i32
      %parallel_loop3A_617 = arith.constant 17 : i32
      %parallel_loop3A_618 = arith.constant 0 : i32
      %parallel_loop3A_619 = tpu.memref_slice %arg6[%parallel_loop3A_616, %parallel_loop3A_617, %parallel_loop3A_618] : memref<3x26x101xf32, #tpu.memory_space<vmem>> -> memref<1x1x101xf32, #tpu.memory_space<vmem>>
      %parallel_loop3A_620 = tpu.memref_squeeze %parallel_loop3A_619 : memref<1x1x101xf32, #tpu.memory_space<vmem>> -> memref<101xf32, #tpu.memory_space<vmem>>
      %parallel_loop3A_621 = tpu.vector_load_idx %parallel_loop3A_620[%parallel_loop3A_595] : memref<101xf32, #tpu.memory_space<vmem>>[vector<16xi32>], vector<16xf32>,
      %parallel_loop3A_622 = arith.constant 53 : i32
      %parallel_loop3A_623 = arith.index_cast %parallel_loop3A_622 : i32 to index
      %parallel_loop3A_624 = arith.index_cast %parallel_loop3A_13 : i32 to index
      %parallel_loop3A_625 = tpu.vector_load %arg7[%parallel_loop3A_623, %parallel_loop3A_624] {strides = array<i32>} : memref<78x512xf32, #tpu.memory_space<vmem>>, vector<16xf32>,
      tpu.vector_store %arg7[%parallel_loop3A_623, %parallel_loop3A_624], %parallel_loop3A_621 {strides = array<i32>} : memref<78x512xf32, #tpu.memory_space<vmem>>, vector<16xf32>,
      %parallel_loop3A_626 = arith.constant 18 : i32
      %parallel_loop3A_627 = arith.index_cast %parallel_loop3A_626 : i32 to index
      %parallel_loop3A_628 = arith.index_cast %parallel_loop3A_13 : i32 to index
      %parallel_loop3A_629 = tpu.vector_load %arg5[%parallel_loop3A_627, %parallel_loop3A_628] {strides = array<i32>} : memref<26x512xi32, #tpu.memory_space<vmem>>, vector<16xi32>,
      %parallel_loop3A_630 = arith.constant 0 : i32
      %parallel_loop3A_631 = arith.constant 18 : i32
      %parallel_loop3A_632 = arith.constant 0 : i32
      %parallel_loop3A_633 = tpu.memref_slice %arg6[%parallel_loop3A_630, %parallel_loop3A_631, %parallel_loop3A_632] : memref<3x26x101xf32, #tpu.memory_space<vmem>> -> memref<1x1x101xf32, #tpu.memory_space<vmem>>
      %parallel_loop3A_634 = tpu.memref_squeeze %parallel_loop3A_633 : memref<1x1x101xf32, #tpu.memory_space<vmem>> -> memref<101xf32, #tpu.memory_space<vmem>>
      %parallel_loop3A_635 = tpu.vector_load_idx %parallel_loop3A_634[%parallel_loop3A_629] : memref<101xf32, #tpu.memory_space<vmem>>[vector<16xi32>], vector<16xf32>,
      %parallel_loop3A_636 = arith.constant 54 : i32
      %parallel_loop3A_637 = arith.index_cast %parallel_loop3A_636 : i32 to index
      %parallel_loop3A_638 = arith.index_cast %parallel_loop3A_13 : i32 to index
      %parallel_loop3A_639 = tpu.vector_load %arg7[%parallel_loop3A_637, %parallel_loop3A_638] {strides = array<i32>} : memref<78x512xf32, #tpu.memory_space<vmem>>, vector<16xf32>,
      tpu.vector_store %arg7[%parallel_loop3A_637, %parallel_loop3A_638], %parallel_loop3A_635 {strides = array<i32>} : memref<78x512xf32, #tpu.memory_space<vmem>>, vector<16xf32>,
      %parallel_loop3A_640 = arith.constant 1 : i32
      %parallel_loop3A_641 = arith.constant 18 : i32
      %parallel_loop3A_642 = arith.constant 0 : i32
      %parallel_loop3A_643 = tpu.memref_slice %arg6[%parallel_loop3A_640, %parallel_loop3A_641, %parallel_loop3A_642] : memref<3x26x101xf32, #tpu.memory_space<vmem>> -> memref<1x1x101xf32, #tpu.memory_space<vmem>>
      %parallel_loop3A_644 = tpu.memref_squeeze %parallel_loop3A_643 : memref<1x1x101xf32, #tpu.memory_space<vmem>> -> memref<101xf32, #tpu.memory_space<vmem>>
      %parallel_loop3A_645 = tpu.vector_load_idx %parallel_loop3A_644[%parallel_loop3A_629] : memref<101xf32, #tpu.memory_space<vmem>>[vector<16xi32>], vector<16xf32>,
      %parallel_loop3A_646 = arith.constant 55 : i32
      %parallel_loop3A_647 = arith.index_cast %parallel_loop3A_646 : i32 to index
      %parallel_loop3A_648 = arith.index_cast %parallel_loop3A_13 : i32 to index
      %parallel_loop3A_649 = tpu.vector_load %arg7[%parallel_loop3A_647, %parallel_loop3A_648] {strides = array<i32>} : memref<78x512xf32, #tpu.memory_space<vmem>>, vector<16xf32>,
      tpu.vector_store %arg7[%parallel_loop3A_647, %parallel_loop3A_648], %parallel_loop3A_645 {strides = array<i32>} : memref<78x512xf32, #tpu.memory_space<vmem>>, vector<16xf32>,
      %parallel_loop3A_650 = arith.constant 2 : i32
      %parallel_loop3A_651 = arith.constant 18 : i32
      %parallel_loop3A_652 = arith.constant 0 : i32
      %parallel_loop3A_653 = tpu.memref_slice %arg6[%parallel_loop3A_650, %parallel_loop3A_651, %parallel_loop3A_652] : memref<3x26x101xf32, #tpu.memory_space<vmem>> -> memref<1x1x101xf32, #tpu.memory_space<vmem>>
      %parallel_loop3A_654 = tpu.memref_squeeze %parallel_loop3A_653 : memref<1x1x101xf32, #tpu.memory_space<vmem>> -> memref<101xf32, #tpu.memory_space<vmem>>
      %parallel_loop3A_655 = tpu.vector_load_idx %parallel_loop3A_654[%parallel_loop3A_629] : memref<101xf32, #tpu.memory_space<vmem>>[vector<16xi32>], vector<16xf32>,
      %parallel_loop3A_656 = arith.constant 56 : i32
      %parallel_loop3A_657 = arith.index_cast %parallel_loop3A_656 : i32 to index
      %parallel_loop3A_658 = arith.index_cast %parallel_loop3A_13 : i32 to index
      %parallel_loop3A_659 = tpu.vector_load %arg7[%parallel_loop3A_657, %parallel_loop3A_658] {strides = array<i32>} : memref<78x512xf32, #tpu.memory_space<vmem>>, vector<16xf32>,
      tpu.vector_store %arg7[%parallel_loop3A_657, %parallel_loop3A_658], %parallel_loop3A_655 {strides = array<i32>} : memref<78x512xf32, #tpu.memory_space<vmem>>, vector<16xf32>,
      %parallel_loop3A_660 = arith.constant 19 : i32
      %parallel_loop3A_661 = arith.index_cast %parallel_loop3A_660 : i32 to index
      %parallel_loop3A_662 = arith.index_cast %parallel_loop3A_13 : i32 to index
      %parallel_loop3A_663 = tpu.vector_load %arg5[%parallel_loop3A_661, %parallel_loop3A_662] {strides = array<i32>} : memref<26x512xi32, #tpu.memory_space<vmem>>, vector<16xi32>,
      %parallel_loop3A_664 = arith.constant 0 : i32
      %parallel_loop3A_665 = arith.constant 19 : i32
      %parallel_loop3A_666 = arith.constant 0 : i32
      %parallel_loop3A_667 = tpu.memref_slice %arg6[%parallel_loop3A_664, %parallel_loop3A_665, %parallel_loop3A_666] : memref<3x26x101xf32, #tpu.memory_space<vmem>> -> memref<1x1x101xf32, #tpu.memory_space<vmem>>
      %parallel_loop3A_668 = tpu.memref_squeeze %parallel_loop3A_667 : memref<1x1x101xf32, #tpu.memory_space<vmem>> -> memref<101xf32, #tpu.memory_space<vmem>>
      %parallel_loop3A_669 = tpu.vector_load_idx %parallel_loop3A_668[%parallel_loop3A_663] : memref<101xf32, #tpu.memory_space<vmem>>[vector<16xi32>], vector<16xf32>,
      %parallel_loop3A_670 = arith.constant 57 : i32
      %parallel_loop3A_671 = arith.index_cast %parallel_loop3A_670 : i32 to index
      %parallel_loop3A_672 = arith.index_cast %parallel_loop3A_13 : i32 to index
      %parallel_loop3A_673 = tpu.vector_load %arg7[%parallel_loop3A_671, %parallel_loop3A_672] {strides = array<i32>} : memref<78x512xf32, #tpu.memory_space<vmem>>, vector<16xf32>,
      tpu.vector_store %arg7[%parallel_loop3A_671, %parallel_loop3A_672], %parallel_loop3A_669 {strides = array<i32>} : memref<78x512xf32, #tpu.memory_space<vmem>>, vector<16xf32>,
      %parallel_loop3A_674 = arith.constant 1 : i32
      %parallel_loop3A_675 = arith.constant 19 : i32
      %parallel_loop3A_676 = arith.constant 0 : i32
      %parallel_loop3A_677 = tpu.memref_slice %arg6[%parallel_loop3A_674, %parallel_loop3A_675, %parallel_loop3A_676] : memref<3x26x101xf32, #tpu.memory_space<vmem>> -> memref<1x1x101xf32, #tpu.memory_space<vmem>>
      %parallel_loop3A_678 = tpu.memref_squeeze %parallel_loop3A_677 : memref<1x1x101xf32, #tpu.memory_space<vmem>> -> memref<101xf32, #tpu.memory_space<vmem>>
      %parallel_loop3A_679 = tpu.vector_load_idx %parallel_loop3A_678[%parallel_loop3A_663] : memref<101xf32, #tpu.memory_space<vmem>>[vector<16xi32>], vector<16xf32>,
      %parallel_loop3A_680 = arith.constant 58 : i32
      %parallel_loop3A_681 = arith.index_cast %parallel_loop3A_680 : i32 to index
      %parallel_loop3A_682 = arith.index_cast %parallel_loop3A_13 : i32 to index
      %parallel_loop3A_683 = tpu.vector_load %arg7[%parallel_loop3A_681, %parallel_loop3A_682] {strides = array<i32>} : memref<78x512xf32, #tpu.memory_space<vmem>>, vector<16xf32>,
      tpu.vector_store %arg7[%parallel_loop3A_681, %parallel_loop3A_682], %parallel_loop3A_679 {strides = array<i32>} : memref<78x512xf32, #tpu.memory_space<vmem>>, vector<16xf32>,
      %parallel_loop3A_684 = arith.constant 2 : i32
      %parallel_loop3A_685 = arith.constant 19 : i32
      %parallel_loop3A_686 = arith.constant 0 : i32
      %parallel_loop3A_687 = tpu.memref_slice %arg6[%parallel_loop3A_684, %parallel_loop3A_685, %parallel_loop3A_686] : memref<3x26x101xf32, #tpu.memory_space<vmem>> -> memref<1x1x101xf32, #tpu.memory_space<vmem>>
      %parallel_loop3A_688 = tpu.memref_squeeze %parallel_loop3A_687 : memref<1x1x101xf32, #tpu.memory_space<vmem>> -> memref<101xf32, #tpu.memory_space<vmem>>
      %parallel_loop3A_689 = tpu.vector_load_idx %parallel_loop3A_688[%parallel_loop3A_663] : memref<101xf32, #tpu.memory_space<vmem>>[vector<16xi32>], vector<16xf32>,
      %parallel_loop3A_690 = arith.constant 59 : i32
      %parallel_loop3A_691 = arith.index_cast %parallel_loop3A_690 : i32 to index
      %parallel_loop3A_692 = arith.index_cast %parallel_loop3A_13 : i32 to index
      %parallel_loop3A_693 = tpu.vector_load %arg7[%parallel_loop3A_691, %parallel_loop3A_692] {strides = array<i32>} : memref<78x512xf32, #tpu.memory_space<vmem>>, vector<16xf32>,
      tpu.vector_store %arg7[%parallel_loop3A_691, %parallel_loop3A_692], %parallel_loop3A_689 {strides = array<i32>} : memref<78x512xf32, #tpu.memory_space<vmem>>, vector<16xf32>,
      %parallel_loop3A_694 = arith.constant 20 : i32
      %parallel_loop3A_695 = arith.index_cast %parallel_loop3A_694 : i32 to index
      %parallel_loop3A_696 = arith.index_cast %parallel_loop3A_13 : i32 to index
      %parallel_loop3A_697 = tpu.vector_load %arg5[%parallel_loop3A_695, %parallel_loop3A_696] {strides = array<i32>} : memref<26x512xi32, #tpu.memory_space<vmem>>, vector<16xi32>,
      %parallel_loop3A_698 = arith.constant 0 : i32
      %parallel_loop3A_699 = arith.constant 20 : i32
      %parallel_loop3A_700 = arith.constant 0 : i32
      %parallel_loop3A_701 = tpu.memref_slice %arg6[%parallel_loop3A_698, %parallel_loop3A_699, %parallel_loop3A_700] : memref<3x26x101xf32, #tpu.memory_space<vmem>> -> memref<1x1x101xf32, #tpu.memory_space<vmem>>
      %parallel_loop3A_702 = tpu.memref_squeeze %parallel_loop3A_701 : memref<1x1x101xf32, #tpu.memory_space<vmem>> -> memref<101xf32, #tpu.memory_space<vmem>>
      %parallel_loop3A_703 = tpu.vector_load_idx %parallel_loop3A_702[%parallel_loop3A_697] : memref<101xf32, #tpu.memory_space<vmem>>[vector<16xi32>], vector<16xf32>,
      %parallel_loop3A_704 = arith.constant 60 : i32
      %parallel_loop3A_705 = arith.index_cast %parallel_loop3A_704 : i32 to index
      %parallel_loop3A_706 = arith.index_cast %parallel_loop3A_13 : i32 to index
      %parallel_loop3A_707 = tpu.vector_load %arg7[%parallel_loop3A_705, %parallel_loop3A_706] {strides = array<i32>} : memref<78x512xf32, #tpu.memory_space<vmem>>, vector<16xf32>,
      tpu.vector_store %arg7[%parallel_loop3A_705, %parallel_loop3A_706], %parallel_loop3A_703 {strides = array<i32>} : memref<78x512xf32, #tpu.memory_space<vmem>>, vector<16xf32>,
      %parallel_loop3A_708 = arith.constant 1 : i32
      %parallel_loop3A_709 = arith.constant 20 : i32
      %parallel_loop3A_710 = arith.constant 0 : i32
      %parallel_loop3A_711 = tpu.memref_slice %arg6[%parallel_loop3A_708, %parallel_loop3A_709, %parallel_loop3A_710] : memref<3x26x101xf32, #tpu.memory_space<vmem>> -> memref<1x1x101xf32, #tpu.memory_space<vmem>>
      %parallel_loop3A_712 = tpu.memref_squeeze %parallel_loop3A_711 : memref<1x1x101xf32, #tpu.memory_space<vmem>> -> memref<101xf32, #tpu.memory_space<vmem>>
      %parallel_loop3A_713 = tpu.vector_load_idx %parallel_loop3A_712[%parallel_loop3A_697] : memref<101xf32, #tpu.memory_space<vmem>>[vector<16xi32>], vector<16xf32>,
      %parallel_loop3A_714 = arith.constant 61 : i32
      %parallel_loop3A_715 = arith.index_cast %parallel_loop3A_714 : i32 to index
      %parallel_loop3A_716 = arith.index_cast %parallel_loop3A_13 : i32 to index
      %parallel_loop3A_717 = tpu.vector_load %arg7[%parallel_loop3A_715, %parallel_loop3A_716] {strides = array<i32>} : memref<78x512xf32, #tpu.memory_space<vmem>>, vector<16xf32>,
      tpu.vector_store %arg7[%parallel_loop3A_715, %parallel_loop3A_716], %parallel_loop3A_713 {strides = array<i32>} : memref<78x512xf32, #tpu.memory_space<vmem>>, vector<16xf32>,
      %parallel_loop3A_718 = arith.constant 2 : i32
      %parallel_loop3A_719 = arith.constant 20 : i32
      %parallel_loop3A_720 = arith.constant 0 : i32
      %parallel_loop3A_721 = tpu.memref_slice %arg6[%parallel_loop3A_718, %parallel_loop3A_719, %parallel_loop3A_720] : memref<3x26x101xf32, #tpu.memory_space<vmem>> -> memref<1x1x101xf32, #tpu.memory_space<vmem>>
      %parallel_loop3A_722 = tpu.memref_squeeze %parallel_loop3A_721 : memref<1x1x101xf32, #tpu.memory_space<vmem>> -> memref<101xf32, #tpu.memory_space<vmem>>
      %parallel_loop3A_723 = tpu.vector_load_idx %parallel_loop3A_722[%parallel_loop3A_697] : memref<101xf32, #tpu.memory_space<vmem>>[vector<16xi32>], vector<16xf32>,
      %parallel_loop3A_724 = arith.constant 62 : i32
      %parallel_loop3A_725 = arith.index_cast %parallel_loop3A_724 : i32 to index
      %parallel_loop3A_726 = arith.index_cast %parallel_loop3A_13 : i32 to index
      %parallel_loop3A_727 = tpu.vector_load %arg7[%parallel_loop3A_725, %parallel_loop3A_726] {strides = array<i32>} : memref<78x512xf32, #tpu.memory_space<vmem>>, vector<16xf32>,
      tpu.vector_store %arg7[%parallel_loop3A_725, %parallel_loop3A_726], %parallel_loop3A_723 {strides = array<i32>} : memref<78x512xf32, #tpu.memory_space<vmem>>, vector<16xf32>,
      %parallel_loop3A_728 = arith.constant 21 : i32
      %parallel_loop3A_729 = arith.index_cast %parallel_loop3A_728 : i32 to index
      %parallel_loop3A_730 = arith.index_cast %parallel_loop3A_13 : i32 to index
      %parallel_loop3A_731 = tpu.vector_load %arg5[%parallel_loop3A_729, %parallel_loop3A_730] {strides = array<i32>} : memref<26x512xi32, #tpu.memory_space<vmem>>, vector<16xi32>,
      %parallel_loop3A_732 = arith.constant 0 : i32
      %parallel_loop3A_733 = arith.constant 21 : i32
      %parallel_loop3A_734 = arith.constant 0 : i32
      %parallel_loop3A_735 = tpu.memref_slice %arg6[%parallel_loop3A_732, %parallel_loop3A_733, %parallel_loop3A_734] : memref<3x26x101xf32, #tpu.memory_space<vmem>> -> memref<1x1x101xf32, #tpu.memory_space<vmem>>
      %parallel_loop3A_736 = tpu.memref_squeeze %parallel_loop3A_735 : memref<1x1x101xf32, #tpu.memory_space<vmem>> -> memref<101xf32, #tpu.memory_space<vmem>>
      %parallel_loop3A_737 = tpu.vector_load_idx %parallel_loop3A_736[%parallel_loop3A_731] : memref<101xf32, #tpu.memory_space<vmem>>[vector<16xi32>], vector<16xf32>,
      %parallel_loop3A_738 = arith.constant 63 : i32
      %parallel_loop3A_739 = arith.index_cast %parallel_loop3A_738 : i32 to index
      %parallel_loop3A_740 = arith.index_cast %parallel_loop3A_13 : i32 to index
      %parallel_loop3A_741 = tpu.vector_load %arg7[%parallel_loop3A_739, %parallel_loop3A_740] {strides = array<i32>} : memref<78x512xf32, #tpu.memory_space<vmem>>, vector<16xf32>,
      tpu.vector_store %arg7[%parallel_loop3A_739, %parallel_loop3A_740], %parallel_loop3A_737 {strides = array<i32>} : memref<78x512xf32, #tpu.memory_space<vmem>>, vector<16xf32>,
      %parallel_loop3A_742 = arith.constant 1 : i32
      %parallel_loop3A_743 = arith.constant 21 : i32
      %parallel_loop3A_744 = arith.constant 0 : i32
      %parallel_loop3A_745 = tpu.memref_slice %arg6[%parallel_loop3A_742, %parallel_loop3A_743, %parallel_loop3A_744] : memref<3x26x101xf32, #tpu.memory_space<vmem>> -> memref<1x1x101xf32, #tpu.memory_space<vmem>>
      %parallel_loop3A_746 = tpu.memref_squeeze %parallel_loop3A_745 : memref<1x1x101xf32, #tpu.memory_space<vmem>> -> memref<101xf32, #tpu.memory_space<vmem>>
      %parallel_loop3A_747 = tpu.vector_load_idx %parallel_loop3A_746[%parallel_loop3A_731] : memref<101xf32, #tpu.memory_space<vmem>>[vector<16xi32>], vector<16xf32>,
      %parallel_loop3A_748 = arith.constant 64 : i32
      %parallel_loop3A_749 = arith.index_cast %parallel_loop3A_748 : i32 to index
      %parallel_loop3A_750 = arith.index_cast %parallel_loop3A_13 : i32 to index
      %parallel_loop3A_751 = tpu.vector_load %arg7[%parallel_loop3A_749, %parallel_loop3A_750] {strides = array<i32>} : memref<78x512xf32, #tpu.memory_space<vmem>>, vector<16xf32>,
      tpu.vector_store %arg7[%parallel_loop3A_749, %parallel_loop3A_750], %parallel_loop3A_747 {strides = array<i32>} : memref<78x512xf32, #tpu.memory_space<vmem>>, vector<16xf32>,
      %parallel_loop3A_752 = arith.constant 2 : i32
      %parallel_loop3A_753 = arith.constant 21 : i32
      %parallel_loop3A_754 = arith.constant 0 : i32
      %parallel_loop3A_755 = tpu.memref_slice %arg6[%parallel_loop3A_752, %parallel_loop3A_753, %parallel_loop3A_754] : memref<3x26x101xf32, #tpu.memory_space<vmem>> -> memref<1x1x101xf32, #tpu.memory_space<vmem>>
      %parallel_loop3A_756 = tpu.memref_squeeze %parallel_loop3A_755 : memref<1x1x101xf32, #tpu.memory_space<vmem>> -> memref<101xf32, #tpu.memory_space<vmem>>
      %parallel_loop3A_757 = tpu.vector_load_idx %parallel_loop3A_756[%parallel_loop3A_731] : memref<101xf32, #tpu.memory_space<vmem>>[vector<16xi32>], vector<16xf32>,
      %parallel_loop3A_758 = arith.constant 65 : i32
      %parallel_loop3A_759 = arith.index_cast %parallel_loop3A_758 : i32 to index
      %parallel_loop3A_760 = arith.index_cast %parallel_loop3A_13 : i32 to index
      %parallel_loop3A_761 = tpu.vector_load %arg7[%parallel_loop3A_759, %parallel_loop3A_760] {strides = array<i32>} : memref<78x512xf32, #tpu.memory_space<vmem>>, vector<16xf32>,
      tpu.vector_store %arg7[%parallel_loop3A_759, %parallel_loop3A_760], %parallel_loop3A_757 {strides = array<i32>} : memref<78x512xf32, #tpu.memory_space<vmem>>, vector<16xf32>,
      %parallel_loop3A_762 = arith.constant 22 : i32
      %parallel_loop3A_763 = arith.index_cast %parallel_loop3A_762 : i32 to index
      %parallel_loop3A_764 = arith.index_cast %parallel_loop3A_13 : i32 to index
      %parallel_loop3A_765 = tpu.vector_load %arg5[%parallel_loop3A_763, %parallel_loop3A_764] {strides = array<i32>} : memref<26x512xi32, #tpu.memory_space<vmem>>, vector<16xi32>,
      %parallel_loop3A_766 = arith.constant 0 : i32
      %parallel_loop3A_767 = arith.constant 22 : i32
      %parallel_loop3A_768 = arith.constant 0 : i32
      %parallel_loop3A_769 = tpu.memref_slice %arg6[%parallel_loop3A_766, %parallel_loop3A_767, %parallel_loop3A_768] : memref<3x26x101xf32, #tpu.memory_space<vmem>> -> memref<1x1x101xf32, #tpu.memory_space<vmem>>
      %parallel_loop3A_770 = tpu.memref_squeeze %parallel_loop3A_769 : memref<1x1x101xf32, #tpu.memory_space<vmem>> -> memref<101xf32, #tpu.memory_space<vmem>>
      %parallel_loop3A_771 = tpu.vector_load_idx %parallel_loop3A_770[%parallel_loop3A_765] : memref<101xf32, #tpu.memory_space<vmem>>[vector<16xi32>], vector<16xf32>,
      %parallel_loop3A_772 = arith.constant 66 : i32
      %parallel_loop3A_773 = arith.index_cast %parallel_loop3A_772 : i32 to index
      %parallel_loop3A_774 = arith.index_cast %parallel_loop3A_13 : i32 to index
      %parallel_loop3A_775 = tpu.vector_load %arg7[%parallel_loop3A_773, %parallel_loop3A_774] {strides = array<i32>} : memref<78x512xf32, #tpu.memory_space<vmem>>, vector<16xf32>,
      tpu.vector_store %arg7[%parallel_loop3A_773, %parallel_loop3A_774], %parallel_loop3A_771 {strides = array<i32>} : memref<78x512xf32, #tpu.memory_space<vmem>>, vector<16xf32>,
      %parallel_loop3A_776 = arith.constant 1 : i32
      %parallel_loop3A_777 = arith.constant 22 : i32
      %parallel_loop3A_778 = arith.constant 0 : i32
      %parallel_loop3A_779 = tpu.memref_slice %arg6[%parallel_loop3A_776, %parallel_loop3A_777, %parallel_loop3A_778] : memref<3x26x101xf32, #tpu.memory_space<vmem>> -> memref<1x1x101xf32, #tpu.memory_space<vmem>>
      %parallel_loop3A_780 = tpu.memref_squeeze %parallel_loop3A_779 : memref<1x1x101xf32, #tpu.memory_space<vmem>> -> memref<101xf32, #tpu.memory_space<vmem>>
      %parallel_loop3A_781 = tpu.vector_load_idx %parallel_loop3A_780[%parallel_loop3A_765] : memref<101xf32, #tpu.memory_space<vmem>>[vector<16xi32>], vector<16xf32>,
      %parallel_loop3A_782 = arith.constant 67 : i32
      %parallel_loop3A_783 = arith.index_cast %parallel_loop3A_782 : i32 to index
      %parallel_loop3A_784 = arith.index_cast %parallel_loop3A_13 : i32 to index
      %parallel_loop3A_785 = tpu.vector_load %arg7[%parallel_loop3A_783, %parallel_loop3A_784] {strides = array<i32>} : memref<78x512xf32, #tpu.memory_space<vmem>>, vector<16xf32>,
      tpu.vector_store %arg7[%parallel_loop3A_783, %parallel_loop3A_784], %parallel_loop3A_781 {strides = array<i32>} : memref<78x512xf32, #tpu.memory_space<vmem>>, vector<16xf32>,
      %parallel_loop3A_786 = arith.constant 2 : i32
      %parallel_loop3A_787 = arith.constant 22 : i32
      %parallel_loop3A_788 = arith.constant 0 : i32
      %parallel_loop3A_789 = tpu.memref_slice %arg6[%parallel_loop3A_786, %parallel_loop3A_787, %parallel_loop3A_788] : memref<3x26x101xf32, #tpu.memory_space<vmem>> -> memref<1x1x101xf32, #tpu.memory_space<vmem>>
      %parallel_loop3A_790 = tpu.memref_squeeze %parallel_loop3A_789 : memref<1x1x101xf32, #tpu.memory_space<vmem>> -> memref<101xf32, #tpu.memory_space<vmem>>
      %parallel_loop3A_791 = tpu.vector_load_idx %parallel_loop3A_790[%parallel_loop3A_765] : memref<101xf32, #tpu.memory_space<vmem>>[vector<16xi32>], vector<16xf32>,
      %parallel_loop3A_792 = arith.constant 68 : i32
      %parallel_loop3A_793 = arith.index_cast %parallel_loop3A_792 : i32 to index
      %parallel_loop3A_794 = arith.index_cast %parallel_loop3A_13 : i32 to index
      %parallel_loop3A_795 = tpu.vector_load %arg7[%parallel_loop3A_793, %parallel_loop3A_794] {strides = array<i32>} : memref<78x512xf32, #tpu.memory_space<vmem>>, vector<16xf32>,
      tpu.vector_store %arg7[%parallel_loop3A_793, %parallel_loop3A_794], %parallel_loop3A_791 {strides = array<i32>} : memref<78x512xf32, #tpu.memory_space<vmem>>, vector<16xf32>,
      %parallel_loop3A_796 = arith.constant 23 : i32
      %parallel_loop3A_797 = arith.index_cast %parallel_loop3A_796 : i32 to index
      %parallel_loop3A_798 = arith.index_cast %parallel_loop3A_13 : i32 to index
      %parallel_loop3A_799 = tpu.vector_load %arg5[%parallel_loop3A_797, %parallel_loop3A_798] {strides = array<i32>} : memref<26x512xi32, #tpu.memory_space<vmem>>, vector<16xi32>,
      %parallel_loop3A_800 = arith.constant 0 : i32
      %parallel_loop3A_801 = arith.constant 23 : i32
      %parallel_loop3A_802 = arith.constant 0 : i32
      %parallel_loop3A_803 = tpu.memref_slice %arg6[%parallel_loop3A_800, %parallel_loop3A_801, %parallel_loop3A_802] : memref<3x26x101xf32, #tpu.memory_space<vmem>> -> memref<1x1x101xf32, #tpu.memory_space<vmem>>
      %parallel_loop3A_804 = tpu.memref_squeeze %parallel_loop3A_803 : memref<1x1x101xf32, #tpu.memory_space<vmem>> -> memref<101xf32, #tpu.memory_space<vmem>>
      %parallel_loop3A_805 = tpu.vector_load_idx %parallel_loop3A_804[%parallel_loop3A_799] : memref<101xf32, #tpu.memory_space<vmem>>[vector<16xi32>], vector<16xf32>,
      %parallel_loop3A_806 = arith.constant 69 : i32
      %parallel_loop3A_807 = arith.index_cast %parallel_loop3A_806 : i32 to index
      %parallel_loop3A_808 = arith.index_cast %parallel_loop3A_13 : i32 to index
      %parallel_loop3A_809 = tpu.vector_load %arg7[%parallel_loop3A_807, %parallel_loop3A_808] {strides = array<i32>} : memref<78x512xf32, #tpu.memory_space<vmem>>, vector<16xf32>,
      tpu.vector_store %arg7[%parallel_loop3A_807, %parallel_loop3A_808], %parallel_loop3A_805 {strides = array<i32>} : memref<78x512xf32, #tpu.memory_space<vmem>>, vector<16xf32>,
      %parallel_loop3A_810 = arith.constant 1 : i32
      %parallel_loop3A_811 = arith.constant 23 : i32
      %parallel_loop3A_812 = arith.constant 0 : i32
      %parallel_loop3A_813 = tpu.memref_slice %arg6[%parallel_loop3A_810, %parallel_loop3A_811, %parallel_loop3A_812] : memref<3x26x101xf32, #tpu.memory_space<vmem>> -> memref<1x1x101xf32, #tpu.memory_space<vmem>>
      %parallel_loop3A_814 = tpu.memref_squeeze %parallel_loop3A_813 : memref<1x1x101xf32, #tpu.memory_space<vmem>> -> memref<101xf32, #tpu.memory_space<vmem>>
      %parallel_loop3A_815 = tpu.vector_load_idx %parallel_loop3A_814[%parallel_loop3A_799] : memref<101xf32, #tpu.memory_space<vmem>>[vector<16xi32>], vector<16xf32>,
      %parallel_loop3A_816 = arith.constant 70 : i32
      %parallel_loop3A_817 = arith.index_cast %parallel_loop3A_816 : i32 to index
      %parallel_loop3A_818 = arith.index_cast %parallel_loop3A_13 : i32 to index
      %parallel_loop3A_819 = tpu.vector_load %arg7[%parallel_loop3A_817, %parallel_loop3A_818] {strides = array<i32>} : memref<78x512xf32, #tpu.memory_space<vmem>>, vector<16xf32>,
      tpu.vector_store %arg7[%parallel_loop3A_817, %parallel_loop3A_818], %parallel_loop3A_815 {strides = array<i32>} : memref<78x512xf32, #tpu.memory_space<vmem>>, vector<16xf32>,
      %parallel_loop3A_820 = arith.constant 2 : i32
      %parallel_loop3A_821 = arith.constant 23 : i32
      %parallel_loop3A_822 = arith.constant 0 : i32
      %parallel_loop3A_823 = tpu.memref_slice %arg6[%parallel_loop3A_820, %parallel_loop3A_821, %parallel_loop3A_822] : memref<3x26x101xf32, #tpu.memory_space<vmem>> -> memref<1x1x101xf32, #tpu.memory_space<vmem>>
      %parallel_loop3A_824 = tpu.memref_squeeze %parallel_loop3A_823 : memref<1x1x101xf32, #tpu.memory_space<vmem>> -> memref<101xf32, #tpu.memory_space<vmem>>
      %parallel_loop3A_825 = tpu.vector_load_idx %parallel_loop3A_824[%parallel_loop3A_799] : memref<101xf32, #tpu.memory_space<vmem>>[vector<16xi32>], vector<16xf32>,
      %parallel_loop3A_826 = arith.constant 71 : i32
      %parallel_loop3A_827 = arith.index_cast %parallel_loop3A_826 : i32 to index
      %parallel_loop3A_828 = arith.index_cast %parallel_loop3A_13 : i32 to index
      %parallel_loop3A_829 = tpu.vector_load %arg7[%parallel_loop3A_827, %parallel_loop3A_828] {strides = array<i32>} : memref<78x512xf32, #tpu.memory_space<vmem>>, vector<16xf32>,
      tpu.vector_store %arg7[%parallel_loop3A_827, %parallel_loop3A_828], %parallel_loop3A_825 {strides = array<i32>} : memref<78x512xf32, #tpu.memory_space<vmem>>, vector<16xf32>,
      %parallel_loop3A_830 = arith.constant 24 : i32
      %parallel_loop3A_831 = arith.index_cast %parallel_loop3A_830 : i32 to index
      %parallel_loop3A_832 = arith.index_cast %parallel_loop3A_13 : i32 to index
      %parallel_loop3A_833 = tpu.vector_load %arg5[%parallel_loop3A_831, %parallel_loop3A_832] {strides = array<i32>} : memref<26x512xi32, #tpu.memory_space<vmem>>, vector<16xi32>,
      %parallel_loop3A_834 = arith.constant 0 : i32
      %parallel_loop3A_835 = arith.constant 24 : i32
      %parallel_loop3A_836 = arith.constant 0 : i32
      %parallel_loop3A_837 = tpu.memref_slice %arg6[%parallel_loop3A_834, %parallel_loop3A_835, %parallel_loop3A_836] : memref<3x26x101xf32, #tpu.memory_space<vmem>> -> memref<1x1x101xf32, #tpu.memory_space<vmem>>
      %parallel_loop3A_838 = tpu.memref_squeeze %parallel_loop3A_837 : memref<1x1x101xf32, #tpu.memory_space<vmem>> -> memref<101xf32, #tpu.memory_space<vmem>>
      %parallel_loop3A_839 = tpu.vector_load_idx %parallel_loop3A_838[%parallel_loop3A_833] : memref<101xf32, #tpu.memory_space<vmem>>[vector<16xi32>], vector<16xf32>,
      %parallel_loop3A_840 = arith.constant 72 : i32
      %parallel_loop3A_841 = arith.index_cast %parallel_loop3A_840 : i32 to index
      %parallel_loop3A_842 = arith.index_cast %parallel_loop3A_13 : i32 to index
      %parallel_loop3A_843 = tpu.vector_load %arg7[%parallel_loop3A_841, %parallel_loop3A_842] {strides = array<i32>} : memref<78x512xf32, #tpu.memory_space<vmem>>, vector<16xf32>,
      tpu.vector_store %arg7[%parallel_loop3A_841, %parallel_loop3A_842], %parallel_loop3A_839 {strides = array<i32>} : memref<78x512xf32, #tpu.memory_space<vmem>>, vector<16xf32>,
      %parallel_loop3A_844 = arith.constant 1 : i32
      %parallel_loop3A_845 = arith.constant 24 : i32
      %parallel_loop3A_846 = arith.constant 0 : i32
      %parallel_loop3A_847 = tpu.memref_slice %arg6[%parallel_loop3A_844, %parallel_loop3A_845, %parallel_loop3A_846] : memref<3x26x101xf32, #tpu.memory_space<vmem>> -> memref<1x1x101xf32, #tpu.memory_space<vmem>>
      %parallel_loop3A_848 = tpu.memref_squeeze %parallel_loop3A_847 : memref<1x1x101xf32, #tpu.memory_space<vmem>> -> memref<101xf32, #tpu.memory_space<vmem>>
      %parallel_loop3A_849 = tpu.vector_load_idx %parallel_loop3A_848[%parallel_loop3A_833] : memref<101xf32, #tpu.memory_space<vmem>>[vector<16xi32>], vector<16xf32>,
      %parallel_loop3A_850 = arith.constant 73 : i32
      %parallel_loop3A_851 = arith.index_cast %parallel_loop3A_850 : i32 to index
      %parallel_loop3A_852 = arith.index_cast %parallel_loop3A_13 : i32 to index
      %parallel_loop3A_853 = tpu.vector_load %arg7[%parallel_loop3A_851, %parallel_loop3A_852] {strides = array<i32>} : memref<78x512xf32, #tpu.memory_space<vmem>>, vector<16xf32>,
      tpu.vector_store %arg7[%parallel_loop3A_851, %parallel_loop3A_852], %parallel_loop3A_849 {strides = array<i32>} : memref<78x512xf32, #tpu.memory_space<vmem>>, vector<16xf32>,
      %parallel_loop3A_854 = arith.constant 2 : i32
      %parallel_loop3A_855 = arith.constant 24 : i32
      %parallel_loop3A_856 = arith.constant 0 : i32
      %parallel_loop3A_857 = tpu.memref_slice %arg6[%parallel_loop3A_854, %parallel_loop3A_855, %parallel_loop3A_856] : memref<3x26x101xf32, #tpu.memory_space<vmem>> -> memref<1x1x101xf32, #tpu.memory_space<vmem>>
      %parallel_loop3A_858 = tpu.memref_squeeze %parallel_loop3A_857 : memref<1x1x101xf32, #tpu.memory_space<vmem>> -> memref<101xf32, #tpu.memory_space<vmem>>
      %parallel_loop3A_859 = tpu.vector_load_idx %parallel_loop3A_858[%parallel_loop3A_833] : memref<101xf32, #tpu.memory_space<vmem>>[vector<16xi32>], vector<16xf32>,
      %parallel_loop3A_860 = arith.constant 74 : i32
      %parallel_loop3A_861 = arith.index_cast %parallel_loop3A_860 : i32 to index
      %parallel_loop3A_862 = arith.index_cast %parallel_loop3A_13 : i32 to index
      %parallel_loop3A_863 = tpu.vector_load %arg7[%parallel_loop3A_861, %parallel_loop3A_862] {strides = array<i32>} : memref<78x512xf32, #tpu.memory_space<vmem>>, vector<16xf32>,
      tpu.vector_store %arg7[%parallel_loop3A_861, %parallel_loop3A_862], %parallel_loop3A_859 {strides = array<i32>} : memref<78x512xf32, #tpu.memory_space<vmem>>, vector<16xf32>,
      %parallel_loop3A_864 = arith.constant 25 : i32
      %parallel_loop3A_865 = arith.index_cast %parallel_loop3A_864 : i32 to index
      %parallel_loop3A_866 = arith.index_cast %parallel_loop3A_13 : i32 to index
      %parallel_loop3A_867 = tpu.vector_load %arg5[%parallel_loop3A_865, %parallel_loop3A_866] {strides = array<i32>} : memref<26x512xi32, #tpu.memory_space<vmem>>, vector<16xi32>,
      %parallel_loop3A_868 = arith.constant 0 : i32
      %parallel_loop3A_869 = arith.constant 25 : i32
      %parallel_loop3A_870 = arith.constant 0 : i32
      %parallel_loop3A_871 = tpu.memref_slice %arg6[%parallel_loop3A_868, %parallel_loop3A_869, %parallel_loop3A_870] : memref<3x26x101xf32, #tpu.memory_space<vmem>> -> memref<1x1x101xf32, #tpu.memory_space<vmem>>
      %parallel_loop3A_872 = tpu.memref_squeeze %parallel_loop3A_871 : memref<1x1x101xf32, #tpu.memory_space<vmem>> -> memref<101xf32, #tpu.memory_space<vmem>>
      %parallel_loop3A_873 = tpu.vector_load_idx %parallel_loop3A_872[%parallel_loop3A_867] : memref<101xf32, #tpu.memory_space<vmem>>[vector<16xi32>], vector<16xf32>,
      %parallel_loop3A_874 = arith.constant 75 : i32
      %parallel_loop3A_875 = arith.index_cast %parallel_loop3A_874 : i32 to index
      %parallel_loop3A_876 = arith.index_cast %parallel_loop3A_13 : i32 to index
      %parallel_loop3A_877 = tpu.vector_load %arg7[%parallel_loop3A_875, %parallel_loop3A_876] {strides = array<i32>} : memref<78x512xf32, #tpu.memory_space<vmem>>, vector<16xf32>,
      tpu.vector_store %arg7[%parallel_loop3A_875, %parallel_loop3A_876], %parallel_loop3A_873 {strides = array<i32>} : memref<78x512xf32, #tpu.memory_space<vmem>>, vector<16xf32>,
      %parallel_loop3A_878 = arith.constant 1 : i32
      %parallel_loop3A_879 = arith.constant 25 : i32
      %parallel_loop3A_880 = arith.constant 0 : i32
      %parallel_loop3A_881 = tpu.memref_slice %arg6[%parallel_loop3A_878, %parallel_loop3A_879, %parallel_loop3A_880] : memref<3x26x101xf32, #tpu.memory_space<vmem>> -> memref<1x1x101xf32, #tpu.memory_space<vmem>>
      %parallel_loop3A_882 = tpu.memref_squeeze %parallel_loop3A_881 : memref<1x1x101xf32, #tpu.memory_space<vmem>> -> memref<101xf32, #tpu.memory_space<vmem>>
      %parallel_loop3A_883 = tpu.vector_load_idx %parallel_loop3A_882[%parallel_loop3A_867] : memref<101xf32, #tpu.memory_space<vmem>>[vector<16xi32>], vector<16xf32>,
      %parallel_loop3A_884 = arith.constant 76 : i32
      %parallel_loop3A_885 = arith.index_cast %parallel_loop3A_884 : i32 to index
      %parallel_loop3A_886 = arith.index_cast %parallel_loop3A_13 : i32 to index
      %parallel_loop3A_887 = tpu.vector_load %arg7[%parallel_loop3A_885, %parallel_loop3A_886] {strides = array<i32>} : memref<78x512xf32, #tpu.memory_space<vmem>>, vector<16xf32>,
      tpu.vector_store %arg7[%parallel_loop3A_885, %parallel_loop3A_886], %parallel_loop3A_883 {strides = array<i32>} : memref<78x512xf32, #tpu.memory_space<vmem>>, vector<16xf32>,
      %parallel_loop3A_888 = arith.constant 2 : i32
      %parallel_loop3A_889 = arith.constant 25 : i32
      %parallel_loop3A_890 = arith.constant 0 : i32
      %parallel_loop3A_891 = tpu.memref_slice %arg6[%parallel_loop3A_888, %parallel_loop3A_889, %parallel_loop3A_890] : memref<3x26x101xf32, #tpu.memory_space<vmem>> -> memref<1x1x101xf32, #tpu.memory_space<vmem>>
      %parallel_loop3A_892 = tpu.memref_squeeze %parallel_loop3A_891 : memref<1x1x101xf32, #tpu.memory_space<vmem>> -> memref<101xf32, #tpu.memory_space<vmem>>
      %parallel_loop3A_893 = tpu.vector_load_idx %parallel_loop3A_892[%parallel_loop3A_867] : memref<101xf32, #tpu.memory_space<vmem>>[vector<16xi32>], vector<16xf32>,
      %parallel_loop3A_894 = arith.constant 77 : i32
      %parallel_loop3A_895 = arith.index_cast %parallel_loop3A_894 : i32 to index
      %parallel_loop3A_896 = arith.index_cast %parallel_loop3A_13 : i32 to index
      %parallel_loop3A_897 = tpu.vector_load %arg7[%parallel_loop3A_895, %parallel_loop3A_896] {strides = array<i32>} : memref<78x512xf32, #tpu.memory_space<vmem>>, vector<16xf32>,
      tpu.vector_store %arg7[%parallel_loop3A_895, %parallel_loop3A_896], %parallel_loop3A_893 {strides = array<i32>} : memref<78x512xf32, #tpu.memory_space<vmem>>, vector<16xf32>,
    } {sc.loop_unroll_factor = 1 : i64, sc.parallel_access}
    "tpu.region"() ({
      %run_scoped3A = tpu.sem_alloc : memref<!tpu.dma_semaphore, #tpu.memory_space<semaphore_mem>>
      %dma_start3A_11 = arith.constant 0 : i32
      %dma_start3A_12 = tpu.memref_slice %arg4[%dma_start3A_11, %mul3A_2] : memref<78x16384xf32, #tpu.memory_space<hbm>> -> memref<78x512xf32, #tpu.memory_space<hbm>>
      %dma_start3A_13 = arith.constant 0 : i32
      %dma_start3A_14 = tpu.memref_slice %arg4[%dma_start3A_13, %mul3A_2] : memref<78x16384xf32, #tpu.memory_space<hbm>> -> memref<78x512xf32, #tpu.memory_space<hbm>>
      tpu.enqueue_dma source(%arg7 : memref<78x512xf32, #tpu.memory_space<vmem>>) target(%dma_start3A_14 : memref<78x512xf32, #tpu.memory_space<hbm>>) target_semaphore(%run_scoped3A : memref<!tpu.dma_semaphore, #tpu.memory_space<semaphore_mem>>)
      %dma_wait3A_15 = arith.constant 0 : i32
      %dma_wait3A_16 = tpu.memref_slice %arg4[%dma_wait3A_15, %mul3A_2] : memref<78x16384xf32, #tpu.memory_space<hbm>> -> memref<78x512xf32, #tpu.memory_space<hbm>>
      %dma_wait3A_17 = arith.constant 0 : i32
      %dma_wait3A_18 = tpu.memref_slice %arg4[%dma_wait3A_17, %mul3A_2] : memref<78x16384xf32, #tpu.memory_space<hbm>> -> memref<78x512xf32, #tpu.memory_space<hbm>>
      tpu.wait_dma2 semaphore(%run_scoped3A : memref<!tpu.dma_semaphore, #tpu.memory_space<semaphore_mem>>) src(%arg7 : memref<78x512xf32, #tpu.memory_space<vmem>>) dst(%dma_wait3A_18 : memref<78x512xf32, #tpu.memory_space<hbm>>)
      tpu.yield
    }) : () -> ()
    return
  }
}

</mosaic_0001>

<sc_bundles>
// kernel: kernel.3.cloned.1.call-start
scs
__scs_entry_jumppad:
0x0: {  	(pc) =	sbr.rel $0x88, $3  }
0x1: {  	(tag) =	ssettag $0x0;
	lr =	simm.s32 $0x1  }
0x2: {  	[smem:$0x3F9F] =	sst lr;
	_ =	strace $0xD0000000  }
0x3: {  	_ = 	snop  }
0x4: {  	_ = 	snop  }
0x5: {  	_ = 	snop  }
0x6: {  	_ = 	snop  }
0x7: {  	_ = 	snop  }
__scs_overlays_trampoline_lowered:
0x8: {  	[smem:$0x3FAE] =	sst s0  }
0x9: {  	[smem:$0x3FAF] =	sst s1  }
0xa: {  	[smem:$0x3FB0] =	sst s2  }
0xb: {  	[smem:$0x3FB1] =	sst s3  }
0xc: {  	[smem:$0x3FB2] =	sst s4  }
0xd: {  	[smem:$0x3FB3] =	sst s5  }
0xe: {  	[smem:$0x3FB4] =	sst s6  }
0xf: {  	[smem:$0x3FB5] =	sst s7  }
0x10: {  	[smem:$0x3FB6] =	sst s8  }
0x11: {  	[smem:$0x3FB7] =	sst s9;
	s0 =	simm.s32 @!p0 $0x0  }
0x12: {  	s1 =	sld [smem:$0x3F9D];
	s0 =	simm.s32 @p0 $0x1  }
0x13: {  	[smem:$0x3FB8] =	sst s0;
	s0 =	simm.s32 @!p1 $0x0  }
0x14: {  	s2 =	sld [smem:$0x3F9C];
	s0 =	simm.s32 @p1 $0x1  }
0x15: {  	[smem:$0x3FB9] =	sst s0;
	s0 =	simm.s32 @!p2 $0x0  }
0x16: {  	s3 =	sld [smem:$0x3FDB];
	s0 =	simm.s32 @p2 $0x1  }
0x17: {  	s4 =	simm.s32 $0x1BF5;
	[smem:$0x3FBB] =	sst s0  }
0x18: {  	s0 =	sld [smem:$0x3F9E];
	_ =	swait.ge [sflag:s4], $0x0  }
0x19: {  	s7 =	sld [smem:$0x3F9F]  }
0x1a: {  	s8 =	sadd.s32 $0xFFFFE003, lr  }
0x1b: {  	s9 =	sadd.s32 $0xFFFFFEF7, lr;
	s5 =	simm.s32 $0xFFFFFFFF;
	p2 =	slt.u32 s8, $0xFFFFF086  }
0x1c: {  	p1 =	slt.u32 s9, $0xF7A;
	s5 =	simm.s32 @!p2 $0x0  }
0x1d: {  	s5 =	simm.s32 @p1 $0x1;
	p0 =	seq.s32 s7, s2  }
0x1e: {  	s7 =	smul.u32 @!p0 $0xF7A, s2;
	p2 =	seq.s32 @!p0 s5, $0x0  }
0x1f: {  	s9 =	smul.u32 $0xF7A, s1;
	s8 =	simm.s32 @!p0 $0x1BF5;
	p2 =	por !p2, p0  }
0x20: {  	[sflag:s8] =	ssyncset.s32 @!p0 $0xFFFFF086;
	s6 =	sadd.s32 @!p0 s3, s7;
	s7 =	simm.s32 @!p0 $0x108  }
0x21: {  	s3 =	sadd.s32 s3, s9;
	s6 =	sadd.s32 @!p0 $0x88, s6;
	s7 =	simm.s32 @p2 $0x1082  }
0x22: {  	[simem:s7], [sflag:s8] =	dma.local @!p0 [hbm:s6], $0xF7A  }
0x23: {  	s9 =	sor.u32 $0xD0000000, s2;
	s6 =	simm.s32 $0x108;
	_ =	swait.ge @!p0 [sflag:s8], $0x0  }
0x24: {  	s3 =	sadd.s32 $0x88, s3;
	s6 =	simm.s32 @!p1 $0x1082;
	[sflag:s4] =	ssyncset.s32 $0xFFFFF086  }
0x25: {  	[simem:s6], [sflag:s4] =	dma.local [hbm:s3], $0xF7A  }
0x26: {  	[smem:$0x3F9F] =	sst s1;
	(tag) =	ssettag s2;
	_ =	strace s9  }
0x27: {  	s1 =	sld [smem:$0x3FAF]  }
0x28: {  	s2 =	sld [smem:$0x3FB0]  }
0x29: {  	s4 =	sld [smem:$0x3FB2]  }
0x2a: {  	p0 =	seq.s32 s5, $0x0;
	s5 =	sld [smem:$0x3FB3]  }
0x2b: {  	s6 =	sld [smem:$0x3FB4]  }
0x2c: {  	s7 =	sld [smem:$0x3FB5]  }
0x2d: {  	s3 =	simm.s32 $0x108;
	s8 =	sld [smem:$0x3FB6]  }
0x2e: {  	s3 =	simm.s32 @!p0 $0x1082;
	s9 =	sld [smem:$0x3FB7]  }
0x2f: {  	lr =	sadd.s32 s0, s3;
	s0 =	sld [smem:$0x3FAE]  }
0x30: {  	s3 =	sld [smem:$0x3FB1]  }
0x31: {  	[smem:$0x3FBA] =	sst s10  }
0x32: {  	s10 =	sld [smem:$0x3FB8];
	_ =	sdelay $0x3  }
0x33: {  	p0 =	seq.s32 s10, $0x1;
	s10 =	sld [smem:$0x3FBA];
	_ =	sdelay $0x3  }
0x34: {  	[smem:$0x3FBA] =	sst s10  }
0x35: {  	s10 =	sld [smem:$0x3FB9];
	_ =	sdelay $0x3  }
0x36: {  	p1 =	seq.s32 s10, $0x1;
	s10 =	sld [smem:$0x3FBA];
	_ =	sdelay $0x3  }
0x37: {  	[smem:$0x3FBA] =	sst s10  }
0x38: {  	s10 =	sld [smem:$0x3FBB]  }
0x39: {  	_ = 	snop;
	(pc) =	sbr.ind lr, $3  }
0x3a: {  	_ = 	snop  }
0x3b: {  	_ = 	snop  }
0x3c: {  	p2 =	seq.s32 s10, $0x1;
	s10 =	sld [smem:$0x3FBA]  }
0x3d: {  	_ =	shalt  }
0x3e: {  	_ =	shalt  }
0x3f: {  	_ =	shalt  }
0x40: {  	_ =	shalt  }
0x41: {  	_ =	shalt  }
0x42: {  	_ =	shalt  }
0x43: {  	_ =	shalt  }
0x44: {  	_ =	shalt  }
0x45: {  	_ =	shalt  }
0x46: {  	_ =	shalt  }
0x47: {  	_ =	shalt  }
0x48: {  	_ =	shalt  }
0x49: {  	_ =	shalt  }
0x4a: {  	_ =	shalt  }
0x4b: {  	_ =	shalt  }
0x4c: {  	_ =	shalt  }
0x4d: {  	_ =	shalt  }
0x4e: {  	_ =	shalt  }
0x4f: {  	_ =	shalt  }
0x50: {  	_ =	shalt  }
0x51: {  	_ =	shalt  }
0x52: {  	_ =	shalt  }
0x53: {  	_ =	shalt  }
0x54: {  	_ =	shalt  }
0x55: {  	_ =	shalt  }
0x56: {  	_ =	shalt  }
0x57: {  	_ =	shalt  }
0x58: {  	_ =	shalt  }
0x59: {  	_ =	shalt  }
0x5a: {  	_ =	shalt  }
0x5b: {  	_ =	shalt  }
0x5c: {  	_ =	shalt  }
0x5d: {  	_ =	shalt  }
0x5e: {  	_ =	shalt  }
0x5f: {  	_ =	shalt  }
0x60: {  	_ =	shalt  }
0x61: {  	_ =	shalt  }
0x62: {  	_ =	shalt  }
0x63: {  	_ =	shalt  }
0x64: {  	_ =	shalt  }
0x65: {  	_ =	shalt  }
0x66: {  	_ =	shalt  }
0x67: {  	_ =	shalt  }
0x68: {  	_ =	shalt  }
0x69: {  	_ =	shalt  }
0x6a: {  	_ =	shalt  }
0x6b: {  	_ =	shalt  }
0x6c: {  	_ =	shalt  }
0x6d: {  	_ =	shalt  }
0x6e: {  	_ =	shalt  }
0x6f: {  	_ =	shalt  }
0x70: {  	_ =	shalt  }
0x71: {  	_ =	shalt  }
0x72: {  	_ =	shalt  }
0x73: {  	_ =	shalt  }
0x74: {  	_ =	shalt  }
0x75: {  	_ =	shalt  }
0x76: {  	_ =	shalt  }
0x77: {  	_ =	shalt  }
0x78: {  	_ =	shalt  }
0x79: {  	_ =	shalt  }
0x7a: {  	_ =	shalt  }
0x7b: {  	_ =	shalt  }
0x7c: {  	_ =	shalt  }
0x7d: {  	_ =	shalt  }
0x7e: {  	_ =	shalt  }
0x7f: {  	_ =	shalt  }
0x80: {  	_ =	shalt  }
0x81: {  	_ =	shalt  }
0x82: {  	_ =	shalt  }
0x83: {  	_ =	shalt  }
0x84: {  	_ =	shalt  }
0x85: {  	_ =	shalt  }
0x86: {  	_ =	shalt  }
0x87: {  	_ =	shalt  }
.Lfunc_end0:
.L_simem_size_0:
called_computation_lowered:
.L_overlay_start_0:
0x88: {  	s2 =	sld [smem:$0x3FD9]  }
0x89: {  	s3 =	sld [smem:$0x3FFE];
	_ =	sdelay $0x1  }
0x8a: {  	s1 =	srdreg.scid  }
0x8b: {  	s0 =	sand.u32 $0x1, s1  }
0x8c: {  	s18 =	sshll.u32 s0, $0xA;
	s2 =	sadd.s32 s3, s2  }
0x8d: {  	s2 =	sadd.s32 s2, s18  }
0x8e: {  	[smem:$0x3FC6] =	sst s2  }
0x8f: {  	_ = 	snop  }
0x90: {  	s2 =	sld [smem:$0x3FC9]  }
0x91: {  	s19 =	sld [smem:$0x3FC8]  }
0x92: {  	s4 =	sld [smem:$0x3FD0];
	(tm) =	ssettm $0x1  }
0x93: {  	s5 =	sld [smem:$0x3FFB];
	_ =	sdelay $0x3  }
0x94: {  	_ =	strace s5  }
0x95: {  	s5 =	sld [smem:$0x3FFC];
	_ =	sdelay $0x3  }
0x96: {  	_ =	strace s5  }
0x97: {  	s5 =	sld [smem:$0x3FFD];
	_ =	sdelay $0x3  }
0x98: {  	_ =	strace s5  }
0x99: {  	_ =	strace $0x8FFFFFFF  }
0x9a: {  	s20 =	sld [smem:$0x3FDB];
	_ =	sdelay $0x1  }
0x9b: {  	s6 =	simm.s32 $_scs_section_size  }
0x9c: {  	s7 =	simm.s32 $_size__tile_overlayer_lowered;
	s8 =	simm.s32 $_tile_overlayer_lowered  }
0x9d: {  	s23 =	simm.s32 $0x1BFF;
	s22 =	sshll.u32 s8, $0x1;
	s5 =	sadd.s32 s6, s20  }
0x9e: {  	s9 =	simm.s32 $0x0;
	s21 =	sshll.u32 s7, $0x1;
	s7 =	sadd.s32 s22, s5  }
0x9f: {  	[timem:s9], [sflag:s23] =	dma.local [hbm:s7], s21  }
0xa0: {  	_ =	swait.ge [sflag:s23], s21  }
0xa1: {  	s6 =	ssub.s32 $0x0, s21;
	[sflag:s23] =	ssyncset.done $0x0  }
0xa2: {  	[sflag:s23] =	ssyncadd.s32 s6;
	_ =	sdelay $0x1  }
0xa3: {  	s24 =	simm.s32 $0x1B8B  }
0xa4: {  	_ =	swait.ge [sflag:s24], $0x1  }
0xa5: {  	[sflag:s24] =	ssyncset.done $0x0  }
0xa6: {  	s25 =	simm.s32 $0x1B8E;
	[sflag:s24] =	ssyncadd.s32 $0xFFFFFFFF  }
0xa7: {  	s26 =	simm.s32 $execute0_lowered;
	[smem:$0x3FD2] =	sst s25  }
0xa8: {  	s6 =	sshll.u32 s26, $0x1;
	_ =	strace $0x80000046;
	[dreg:$0x1] =	wrdreg $0xFFFFFFFF  }
0xa9: {  	s28 =	simm.s32 $_size_execute0_lowered;
	s5 =	sadd.s32 s5, s6;
	[dreg:$0x0] =	wrdreg $0x0  }
0xaa: {  	s6 =	sshll.u32 s28, $0x1;
	[dreg:$0x2] =	wrdreg s5  }
0xab: {  	[dreg:$0x3] =	wrdreg s6  }
0xac: {  	[dreg:$0x4] =	wrdreg $0xC0  }
0xad: {  	_ =	task [dreg:s9], $0x5FFFF  }
0xae: {  	[dreg:$0x1] =	wrdreg $0xFFFFFFFF  }
0xaf: {  	[dreg:$0x0] =	wrdreg $0x60  }
0xb0: {  	[dreg:$0x2] =	wrdreg s2  }
0xb1: {  	[dreg:$0x3] =	wrdreg s19  }
0xb2: {  	[dreg:$0x4] =	wrdreg s4  }
0xb3: {  	[dreg:$0x5] =	wrdreg $0x9  }
0xb4: {  	_ =	task.clear_ibuf [dreg:s9], $0x6FFFF;
	_ =	strace $0x90000046  }
0xb5: {  	s29 =	simm.s32 $0x9;
	_ =	strace $0x80000048  }
0xb6: {  	_ =	swait.ge [sflag:s29], $0x1  }
0xb7: {  	[sflag:s29] =	ssyncadd.s32 $0xFFFFFFFF  }
0xb8: {  	_ =	strace $0x90000048  }
0xb9: {  	_ =	sfence  }
0xba: {  	s30 =	sld [smem:$0x0];
	_ =	sdelay $0x2  }
0xbb: {  	s31 =	sshll.u32 s1, $0xD;
	s1 =	sshrl.u32 s1, $0x2  }
0xbc: {  	s3 =	sand.u32 $0x4000, s31;
	s1 =	sadd.s32 s1, s30  }
0xbd: {  	s0 =	sor.u32 s3, s0;
	s1 =	sshll.u32 s1, $0x11  }
0xbe: {  	s0 =	sor.u32 s1, s0  }
0xbf: {  	s0 =	sadd.s32 $0x8F2B, s0  }
0xc0: {  	[sflag:s0] =	ssyncadd.remote.s32 $0x1  }
0xc1: {  	_ =	sfence.sel $0xFFFF  }
0xc2: {  	[dreg:$0x0] =	wrdreg $0xFFFFFFFF;
	(pc) =	sbr.abs _section_cstart, $3  }
0xc3: {  	[dreg:$0x1] =	wrdreg $0xFFFFFFFF  }
0xc4: {  	_ =	task.clear_ibuf [dreg:s9], $0x2FFFF;
	_ =	strace $0x9FFFFFFF  }
0xc5: {  	(tm) =	ssettm $0x7FFFFFFF  }
tec
execute0_lowered:
.L_overlay_start_1:
0x0: {  	(tag) =	ssettag $0x1  }
0x1: {  	s1 =	rddreg [dreg:$0x0]  }
0x2: {  	s6 =	rddreg [dreg:$0x1]  }
0x3: {  	s0 =	rddreg [dreg:$0x2];
	s2 =	simm.s32 $0x0  }
0x4: {  	s10 =	simm.s32 $0x4080;
	[smem:$0x7FF] =	sst s2  }
0x5: {  	s11 =	simm.s32 $0x5080;
	_ =	strace $0x80000047;
	[dreg:$0x4] =	wrdreg s10  }
0x6: {  	s12 =	simm.s32 $0x6080;
	[dreg:$0x5] =	wrdreg s11  }
0x7: {  	s13 =	simm.s32 $0x4100;
	[dreg:$0x6] =	wrdreg s12  }
0x8: {  	s14 =	simm.s32 $0x5100;
	[dreg:$0x7] =	wrdreg s13  }
0x9: {  	s15 =	simm.s32 $0x6100;
	[dreg:$0x8] =	wrdreg s14  }
0xa: {  	s16 =	simm.s32 $0x4180;
	[dreg:$0x9] =	wrdreg s15  }
0xb: {  	s17 =	simm.s32 $0x5180;
	[dreg:$0xa] =	wrdreg s16  }
0xc: {  	s18 =	simm.s32 $0x6180;
	[dreg:$0xb] =	wrdreg s17  }
0xd: {  	s19 =	simm.s32 $0x4200;
	[dreg:$0xc] =	wrdreg s18  }
0xe: {  	s20 =	simm.s32 $0x5200;
	[dreg:$0xd] =	wrdreg s19  }
0xf: {  	s21 =	simm.s32 $0x6200;
	[dreg:$0xe] =	wrdreg s20  }
0x10: {  	s22 =	simm.s32 $0x4280;
	[dreg:$0xf] =	wrdreg s21  }
0x11: {  	s23 =	simm.s32 $0x5280;
	[dreg:$0x10] =	wrdreg s22  }
0x12: {  	s24 =	simm.s32 $0x6280;
	[dreg:$0x11] =	wrdreg s23  }
0x13: {  	s25 =	simm.s32 $0x4300;
	[dreg:$0x12] =	wrdreg s24  }
0x14: {  	s26 =	simm.s32 $0x5300;
	[dreg:$0x13] =	wrdreg s25  }
0x15: {  	s30 =	simm.s32 $0x6300;
	[dreg:$0x14] =	wrdreg s26  }
0x16: {  	s31 =	simm.s32 $0x4380;
	[dreg:$0x15] =	wrdreg s30  }
0x17: {  	s3 =	simm.s32 $0x5380;
	[dreg:$0x16] =	wrdreg s31  }
0x18: {  	s4 =	simm.s32 $0x6380;
	[dreg:$0x17] =	wrdreg s3  }
0x19: {  	s5 =	simm.s32 $0x4400;
	[dreg:$0x18] =	wrdreg s4  }
0x1a: {  	s7 =	simm.s32 $0x5400;
	[dreg:$0x19] =	wrdreg s5  }
0x1b: {  	s8 =	simm.s32 $0x6400;
	[dreg:$0x1a] =	wrdreg s7  }
0x1c: {  	s9 =	simm.s32 $0x4480;
	[dreg:$0x1b] =	wrdreg s8  }
0x1d: {  	[dreg:$0x1c] =	wrdreg s9;
	s10 =	simm.s32 $0x5480  }
0x1e: {  	s11 =	simm.s32 $0x6480;
	[dreg:$0x1d] =	wrdreg s10  }
0x1f: {  	s12 =	simm.s32 $0x4500;
	[dreg:$0x1e] =	wrdreg s11  }
0x20: {  	s13 =	simm.s32 $0x5500;
	[dreg:$0x1f] =	wrdreg s12  }
0x21: {  	s14 =	simm.s32 $0x6500;
	[smem:$0x7D8] =	sst s13  }
0x22: {  	s15 =	simm.s32 $0x4580;
	[smem:$0x7D9] =	sst s14  }
0x23: {  	s16 =	simm.s32 $0x5580;
	[smem:$0x7DA] =	sst s15  }
0x24: {  	s17 =	simm.s32 $0x6580;
	[smem:$0x7DB] =	sst s16  }
0x25: {  	s18 =	simm.s32 $0x4600;
	[smem:$0x7DC] =	sst s17  }
0x26: {  	s19 =	simm.s32 $0x5600;
	[smem:$0x7DD] =	sst s18  }
0x27: {  	s20 =	simm.s32 $0x6600;
	[smem:$0x7DE] =	sst s19  }
0x28: {  	s21 =	simm.s32 $0x4680;
	[smem:$0x7DF] =	sst s20  }
0x29: {  	s22 =	simm.s32 $0x5680;
	[smem:$0x7E0] =	sst s21  }
0x2a: {  	s23 =	simm.s32 $0x6680;
	[smem:$0x7E1] =	sst s22  }
0x2b: {  	s24 =	simm.s32 $0x4700;
	[smem:$0x7E2] =	sst s23  }
0x2c: {  	s25 =	simm.s32 $0x5700;
	[smem:$0x7E3] =	sst s24  }
0x2d: {  	s26 =	simm.s32 $0x6700;
	[smem:$0x7E4] =	sst s25  }
0x2e: {  	s30 =	simm.s32 $0x4780;
	[smem:$0x7E5] =	sst s26  }
0x2f: {  	s31 =	simm.s32 $0x5780;
	[smem:$0x7E6] =	sst s30  }
0x30: {  	s8 =	simm.s32 $0x6780;
	[smem:$0x7E7] =	sst s31  }
0x31: {  	s9 =	simm.s32 $0x4800;
	[smem:$0x7E8] =	sst s8  }
0x32: {  	[smem:$0x7E9] =	sst s9;
	s11 =	simm.s32 $0x5800  }
0x33: {  	s12 =	simm.s32 $0x6800;
	[smem:$0x7EA] =	sst s11  }
0x34: {  	s13 =	simm.s32 $0x4880;
	[smem:$0x7EB] =	sst s12  }
0x35: {  	s14 =	simm.s32 $0x5880;
	[smem:$0x7ED] =	sst s13  }
0x36: {  	s15 =	simm.s32 $0x6880;
	[smem:$0x7EF] =	sst s14  }
0x37: {  	s18 =	sadd.s32 $0x200, s6;
	[smem:$0x7F1] =	sst s15  }
0x38: {  	s17 =	simm.s32 $0x4900;
	[smem:$0x7F2] =	sst s18  }
0x39: {  	s20 =	sadd.s32 $0x400, s6;
	[smem:$0x7F3] =	sst s17  }
0x3a: {  	s28 =	simm.s32 $0x5000;
	s19 =	simm.s32 $0x5900;
	[smem:$0x7F4] =	sst s20  }
0x3b: {  	s29 =	simm.s32 $0x6000;
	s21 =	simm.s32 $0x6900;
	[smem:$0x7F5] =	sst s19  }
0x3c: {  	s3 =	srdreg.scid;
	s22 =	simm.s32 $0x4980;
	[smem:$0x7F6] =	sst s21  }
0x3d: {  	s7 =	stileid.u32;
	s23 =	simm.s32 $0x5980;
	[smem:$0x7F7] =	sst s22  }
0x3e: {  	s3 =	sand.u32 $0x1, s3;
	s24 =	simm.s32 $0x6980;
	[smem:$0x7F8] =	sst s23  }
0x3f: {  	s10 =	sshll.u32 s7, $0xA;
	s25 =	simm.s32 $0x4A00;
	[smem:$0x7F9] =	sst s24  }
0x40: {  	s26 =	simm.s32 $0x5A00;
	s30 =	simm.s32 $0x6A00;
	[smem:$0x7FA] =	sst s25  }
0x41: {  	s4 =	ssub.s32 $0x2, s3;
	s3 =	sshll.u32 s3, $0x9;
	[smem:$0x7FB] =	sst s26  }
0x42: {  	s31 =	simm.s32 $0x4A80;
	[smem:$0x7FC] =	sst s30;
	s3 =	sor.u32 s3, s10  }
0x43: {  	[smem:$0x7FD] =	sst s31;
	s5 =	sshrl.u32 s4, $0x1;
	s1 =	sadd.s32 s1, s3  }
0x44: {  	s4 =	ssub.s32 s4, s5;
	s0 =	sadd.s32 s0, s3;
	[smem:$0x7EC] =	sst s1  }
0x45: {  	s2 =	simm.s32 $0x20000;
	[smem:$0x7EE] =	sst s0;
	s16 =	smax.u32 s4, $0x1  }
0x46: {  	s1 =	simm.s32 $0x1000;
	s4 =	simm.s32 $0x0;
	[smem:$0x7F0] =	sst s16  }
.LBB2_1:
0x47: {  	s0 =	sld [smem:$0x7EC];
	_ =	sdelay $0x1  }
0x48: {  	s3 =	simm.s32 $0x0;
	s16 =	rddreg [dreg:$0x1]  }
0x49: {  	[tilespmem:s3], [sflag:$0x1] =	stream.strided.gather [hbm4b:s0+s1], $0x4000, s2, s1, $0x38;
	[tilespmem:$0x11000] =	vst v63  }
0x4a: {  	s30 =	simm.s32 $0x4000;
	s17 =	sld [smem:$0x7F2]  }
0x4b: {  	[tilespmem:s30], [sflag:$0x2] =	stream.linear.gather [hbm4b:s16+s3], $0xD00, $0x38;
	[tilespmem:$0x11000] =	vst v63  }
0x4c: {  	s18 =	sld [smem:$0x7F4]  }
0x4d: {  	[tilespmem:s28], [sflag:$0x2] =	stream.linear.gather [hbm4b:s17+s3], $0xD00, $0x38;
	[tilespmem:$0x11000] =	vst v63  }
0x4e: {  	[smem:$0x7D2] =	sst s4;
	s19 =	simm.s32 $0x1  }
0x4f: {  	[tilespmem:s29], [sflag:$0x2] =	stream.linear.gather [hbm4b:s18+s3], $0xD00, $0x38;
	[tilespmem:$0x11000] =	vst v63  }
0x50: {  	_ =	swait.ge [sflag:s19], $0x4000  }
0x51: {  	[sflag:s19] =	ssyncset.done $0x0  }
0x52: {  	s20 =	simm.s32 $0x2;
	[sflag:s19] =	ssyncadd.s32 $0xFFFFC000  }
0x53: {  	_ =	swait.ge [sflag:s20], $0x2700  }
0x54: {  	s21 =	sand.u32 $0x70, s3;
	s22 =	sand.u32 $0xC00, s3;
	[sflag:s20] =	ssyncset.done $0x0  }
0x55: {  	s5 =	sor.u32 s21, s22;
	[sflag:s20] =	ssyncadd.s32 $0xFFFFD900  }
0x56: {  	v0 =	vld [tilespmem:s5+$0x0];
	_ =	sdelay $0x7  }
0x57: {  	v1 =	vld.idx.msk [tilespmem:v0+s30+$0x0], $0xffff;
	_ =	sdelay $0x4  }
0x58: {  	s2 =	sld [smem:$0x7DE];
	[tilespmem:s5+$0x7000] =	vst v1  }
0x59: {  	v1 =	vld.idx.msk [tilespmem:v0+s28+$0x0], $0xffff;
	_ =	sdelay $0x4  }
0x5a: {  	[tilespmem:s5+$0x7080] =	vst v1;
	v1 =	vld [tilespmem:s5+$0x80];
	_ =	sdelay $0x1  }
0x5b: {  	v0 =	vld.idx.msk [tilespmem:v0+s29+$0x0], $0xffff;
	_ =	sdelay $0x4  }
0x5c: {  	s23 =	rddreg [dreg:$0x4];
	[tilespmem:s5+$0x7100] =	vst v0  }
0x5d: {  	v0 =	vld.idx.msk [tilespmem:v1+s23+$0x0], $0xffff;
	_ =	sdelay $0x1  }
0x5e: {  	s24 =	sand.u32 $0xFFFFFC00, s3  }
0x5f: {  	s7 =	sadd.s32 $0x0, s24  }
0x60: {  	s26 =	sor.u32 $0x180, s7  }
0x61: {  	s25 =	rddreg [dreg:$0x5];
	[tilespmem:s26+$0x7000] =	vst v0  }
0x62: {  	v0 =	vld.idx.msk [tilespmem:v1+s25+$0x0], $0xffff;
	_ =	sdelay $0x4  }
0x63: {  	s4 =	rddreg [dreg:$0x6];
	[tilespmem:s5+$0x7200] =	vst v0;
	v0 =	vld [tilespmem:s5+$0x100];
	_ =	sdelay $0x1  }
0x64: {  	v1 =	vld.idx.msk [tilespmem:v1+s4+$0x0], $0xffff;
	_ =	sdelay $0x4  }
0x65: {  	s6 =	rddreg [dreg:$0x7];
	[tilespmem:s5+$0x7280] =	vst v1  }
0x66: {  	v1 =	vld.idx.msk [tilespmem:v0+s6+$0x0], $0xffff;
	_ =	sdelay $0x4  }
0x67: {  	s8 =	rddreg [dreg:$0x8];
	[tilespmem:s5+$0x7300] =	vst v1  }
0x68: {  	v1 =	vld.idx.msk [tilespmem:v0+s8+$0x0], $0xffff;
	_ =	sdelay $0x2  }
0x69: {  	s4 =	sor.u32 s3, s3  }
0x6a: {  	s11 =	sor.u32 $0x380, s4  }
0x6b: {  	s9 =	rddreg [dreg:$0x9];
	[tilespmem:s11+$0x7000] =	vst v1  }
0x6c: {  	v0 =	vld.idx.msk [tilespmem:v0+s9+$0x0], $0xffff;
	_ =	sdelay $0x4  }
0x6d: {  	[tilespmem:s5+$0x8000] =	vst v0  }
0x6e: {  	v0 =	vld [tilespmem:s26+$0x0];
	_ =	sdelay $0x6  }
0x6f: {  	s10 =	rddreg [dreg:$0xa]  }
0x70: {  	v1 =	vld.idx.msk [tilespmem:v0+s10+$0x0], $0xffff;
	_ =	sdelay $0x4  }
0x71: {  	s12 =	rddreg [dreg:$0xb];
	[tilespmem:s5+$0x8080] =	vst v1  }
0x72: {  	v1 =	vld.idx.msk [tilespmem:v0+s12+$0x0], $0xffff;
	_ =	sdelay $0x4  }
0x73: {  	s13 =	rddreg [dreg:$0xc];
	[tilespmem:s5+$0x8100] =	vst v1  }
0x74: {  	v0 =	vld.idx.msk [tilespmem:v0+s13+$0x0], $0xffff;
	_ =	sdelay $0x1  }
0x75: {  	s10 =	simm.s32 $0x10;
	s12 =	simm.s32 $0x80  }
0x76: {  	s14 =	sand.u32 $0x70, s10;
	s15 =	sand.u32 $0xC00, s12  }
0x77: {  	s9 =	sor.u32 $0x1180, s7;
	s1 =	sor.u32 s14, s15  }
0x78: {  	[tilespmem:s9+$0x7000] =	vst v0;
	v0 =	vld [tilespmem:s1+$0x0]  }
0x79: {  	v1 =	vld [tilespmem:s5+$0x200];
	_ =	sdelay $0x6  }
0x7a: {  	s16 =	rddreg [dreg:$0xd];
	v2 =	vld.idx.msk [tilespmem:v0+s30+$0x0], $0xffff  }
0x7b: {  	v3 =	vld.idx.msk [tilespmem:v1+s16+$0x0], $0xffff;
	_ =	sdelay $0x3  }
0x7c: {  	s0 =	sld [smem:$0x7DE];
	[tilespmem:s1+$0x7000] =	vst v2  }
0x7d: {  	s17 =	rddreg [dreg:$0xe];
	[tilespmem:s5+$0x8200] =	vst v3;
	v2 =	vld.idx.msk [tilespmem:v0+s28+$0x0], $0xffff  }
0x7e: {  	v3 =	vld.idx.msk [tilespmem:v1+s17+$0x0], $0xffff;
	_ =	sdelay $0x3  }
0x7f: {  	v4 =	vld [tilespmem:s5+$0x280];
	[tilespmem:s1+$0x7080] =	vst v2  }
0x80: {  	s18 =	rddreg [dreg:$0xf];
	v2 =	vld [tilespmem:s1+$0x80];
	[tilespmem:s5+$0x8280] =	vst v3  }
0x81: {  	v1 =	vld.idx.msk [tilespmem:v1+s18+$0x0], $0xffff;
	_ =	sdelay $0x1  }
0x82: {  	v0 =	vld.idx.msk [tilespmem:v0+s29+$0x0], $0xffff;
	_ =	sdelay $0x2  }
0x83: {  	s19 =	rddreg [dreg:$0x10];
	[tilespmem:s5+$0x8300] =	vst v1  }
0x84: {  	v1 =	vld.idx.msk [tilespmem:v4+s19+$0x0], $0xffff  }
0x85: {  	s6 =	rddreg [dreg:$0x4];
	[tilespmem:s1+$0x7100] =	vst v0  }
0x86: {  	v0 =	vld.idx.msk [tilespmem:v2+s6+$0x0], $0xffff;
	_ =	sdelay $0x1  }
0x87: {  	s3 =	sor.u32 $0x1380, s4;
	s20 =	sand.u32 $0xFFFFFC00, s12  }
0x88: {  	s8 =	rddreg [dreg:$0x11];
	s6 =	sadd.s32 $0x10, s20;
	[tilespmem:s3+$0x7000] =	vst v1  }
0x89: {  	s15 =	sor.u32 $0x180, s6;
	v1 =	vld.idx.msk [tilespmem:v4+s8+$0x0], $0xffff  }
0x8a: {  	s13 =	rddreg [dreg:$0x5];
	[tilespmem:s15+$0x7000] =	vst v0  }
0x8b: {  	v0 =	vld.idx.msk [tilespmem:v2+s13+$0x0], $0xffff;
	_ =	sdelay $0x1  }
0x8c: {  	v3 =	vld [tilespmem:s5+$0x300]  }
0x8d: {  	s21 =	rddreg [dreg:$0x12];
	[tilespmem:s5+$0x9000] =	vst v1  }
0x8e: {  	v1 =	vld.idx.msk [tilespmem:v4+s21+$0x0], $0xffff  }
0x8f: {  	s22 =	rddreg [dreg:$0x6];
	[tilespmem:s1+$0x7200] =	vst v0;
	v0 =	vld [tilespmem:s1+$0x100];
	_ =	sdelay $0x1  }
0x90: {  	v2 =	vld.idx.msk [tilespmem:v2+s22+$0x0], $0xffff;
	_ =	sdelay $0x1  }
0x91: {  	s23 =	rddreg [dreg:$0x13];
	[tilespmem:s5+$0x9080] =	vst v1  }
0x92: {  	v1 =	vld.idx.msk [tilespmem:v3+s23+$0x0], $0xffff;
	_ =	sdelay $0x1  }
0x93: {  	s24 =	rddreg [dreg:$0x7];
	[tilespmem:s1+$0x7280] =	vst v2  }
0x94: {  	v2 =	vld.idx.msk [tilespmem:v0+s24+$0x0], $0xffff;
	_ =	sdelay $0x1  }
0x95: {  	s25 =	rddreg [dreg:$0x14];
	[tilespmem:s5+$0x9100] =	vst v1  }
0x96: {  	v1 =	vld.idx.msk [tilespmem:v3+s25+$0x0], $0xffff;
	_ =	sdelay $0x1  }
0x97: {  	s26 =	rddreg [dreg:$0x8];
	[tilespmem:s1+$0x7300] =	vst v2  }
0x98: {  	v2 =	vld.idx.msk [tilespmem:v0+s26+$0x0], $0xffff  }
0x99: {  	s8 =	sor.u32 $0x2180, s7  }
0x9a: {  	s14 =	rddreg [dreg:$0x15];
	[tilespmem:s8+$0x7000] =	vst v1  }
0x9b: {  	s10 =	sor.u32 s10, s12;
	v1 =	vld.idx.msk [tilespmem:v3+s14+$0x0], $0xffff  }
0x9c: {  	s14 =	sor.u32 $0x380, s10  }
0x9d: {  	s16 =	rddreg [dreg:$0x9];
	[tilespmem:s14+$0x7000] =	vst v2  }
0x9e: {  	v0 =	vld.idx.msk [tilespmem:v0+s16+$0x0], $0xffff;
	_ =	sdelay $0x1  }
0x9f: {  	[tilespmem:s5+$0x9200] =	vst v1  }
0xa0: {  	v1 =	vld [tilespmem:s11+$0x0];
	_ =	sdelay $0x1  }
0xa1: {  	[tilespmem:s1+$0x8000] =	vst v0  }
0xa2: {  	v0 =	vld [tilespmem:s15+$0x0];
	_ =	sdelay $0x3  }
0xa3: {  	s17 =	rddreg [dreg:$0x16]  }
0xa4: {  	v2 =	vld.idx.msk [tilespmem:v1+s17+$0x0], $0xffff;
	_ =	sdelay $0x1  }
0xa5: {  	s18 =	rddreg [dreg:$0xa]  }
0xa6: {  	v3 =	vld.idx.msk [tilespmem:v0+s18+$0x0], $0xffff;
	_ =	sdelay $0x1  }
0xa7: {  	s19 =	rddreg [dreg:$0x17];
	[tilespmem:s5+$0x9280] =	vst v2  }
0xa8: {  	v2 =	vld.idx.msk [tilespmem:v1+s19+$0x0], $0xffff;
	_ =	sdelay $0x1  }
0xa9: {  	s20 =	rddreg [dreg:$0xb];
	[tilespmem:s1+$0x8080] =	vst v3  }
0xaa: {  	v3 =	vld.idx.msk [tilespmem:v0+s20+$0x0], $0xffff;
	_ =	sdelay $0x1  }
0xab: {  	s21 =	rddreg [dreg:$0x18];
	[tilespmem:s5+$0x9300] =	vst v2  }
0xac: {  	v1 =	vld.idx.msk [tilespmem:v1+s21+$0x0], $0xffff;
	_ =	sdelay $0x1  }
0xad: {  	s22 =	rddreg [dreg:$0xc];
	[tilespmem:s1+$0x8100] =	vst v3  }
0xae: {  	s4 =	sor.u32 $0x2380, s4;
	v0 =	vld.idx.msk [tilespmem:v0+s22+$0x0], $0xffff  }
0xaf: {  	[smem:$0x7D6] =	sst s4  }
0xb0: {  	s16 =	simm.s32 $0x100;
	s15 =	simm.s32 $0x20;
	[tilespmem:s4+$0x7000] =	vst v1  }
0xb1: {  	s24 =	sand.u32 $0xC00, s16;
	s23 =	sand.u32 $0x70, s15;
	v2 =	vld [tilespmem:s5+$0x1000]  }
0xb2: {  	s31 =	sor.u32 s23, s24;
	s4 =	sor.u32 $0x1180, s6  }
0xb3: {  	v1 =	vld [tilespmem:s31+$0x0];
	[tilespmem:s4+$0x7000] =	vst v0  }
0xb4: {  	v0 =	vld [tilespmem:s1+$0x200];
	_ =	sdelay $0x3  }
0xb5: {  	s25 =	rddreg [dreg:$0x19]  }
0xb6: {  	v4 =	vld.idx.msk [tilespmem:v2+s25+$0x0], $0xffff;
	_ =	sdelay $0x1  }
0xb7: {  	s26 =	rddreg [dreg:$0xd];
	v3 =	vld.idx.msk [tilespmem:v1+s30+$0x0], $0xffff  }
0xb8: {  	v5 =	vld.idx.msk [tilespmem:v0+s26+$0x0], $0xffff;
	_ =	sdelay $0x1  }
0xb9: {  	s11 =	rddreg [dreg:$0x1a];
	[tilespmem:s5+$0xA000] =	vst v4  }
0xba: {  	v4 =	vld.idx.msk [tilespmem:v2+s11+$0x0], $0xffff  }
0xbb: {  	s13 =	sld [smem:$0x7DE];
	[tilespmem:s31+$0x7000] =	vst v3  }
0xbc: {  	s12 =	rddreg [dreg:$0xe];
	v3 =	vld.idx.msk [tilespmem:v1+s28+$0x0], $0xffff;
	[tilespmem:s1+$0x8200] =	vst v5  }
0xbd: {  	v5 =	vld.idx.msk [tilespmem:v0+s12+$0x0], $0xffff  }
0xbe: {  	v7 =	vld [tilespmem:s5+$0x1080]  }
0xbf: {  	s17 =	rddreg [dreg:$0x1b];
	[tilespmem:s5+$0xA080] =	vst v4  }
0xc0: {  	v2 =	vld.idx.msk [tilespmem:v2+s17+$0x0], $0xffff  }
0xc1: {  	v9 =	vld [tilespmem:s1+$0x280];
	[tilespmem:s31+$0x7080] =	vst v3  }
0xc2: {  	s18 =	rddreg [dreg:$0xf];
	v3 =	vld [tilespmem:s31+$0x80];
	[tilespmem:s1+$0x8280] =	vst v5  }
0xc3: {  	v0 =	vld.idx.msk [tilespmem:v0+s18+$0x0], $0xffff  }
0xc4: {  	v1 =	vld.idx.msk [tilespmem:v1+s29+$0x0], $0xffff  }
0xc5: {  	s19 =	rddreg [dreg:$0x1c];
	[tilespmem:s5+$0xA100] =	vst v2  }
0xc6: {  	v2 =	vld.idx.msk [tilespmem:v7+s19+$0x0], $0xffff;
	_ =	sdelay $0x1  }
0xc7: {  	s21 =	rddreg [dreg:$0x10];
	[tilespmem:s1+$0x8300] =	vst v0  }
0xc8: {  	s20 =	rddreg [dreg:$0x4];
	[tilespmem:s31+$0x7100] =	vst v1;
	v4 =	vld.idx.msk [tilespmem:v9+s21+$0x0], $0xffff  }
0xc9: {  	v0 =	vld.idx.msk [tilespmem:v3+s20+$0x0], $0xffff  }
0xca: {  	s22 =	rddreg [dreg:$0x1d];
	[tilespmem:s5+$0xA180] =	vst v2  }
0xcb: {  	s23 =	sand.u32 $0xFFFFFC00, s16;
	v2 =	vld.idx.msk [tilespmem:v7+s22+$0x0], $0xffff  }
0xcc: {  	s7 =	sadd.s32 $0x20, s23;
	s12 =	sor.u32 $0x1380, s10  }
0xcd: {  	v8 =	vld [tilespmem:s5+$0x1100];
	s19 =	sor.u32 $0x180, s7;
	s18 =	rddreg [dreg:$0x11];
	[tilespmem:s12+$0x7000] =	vst v4  }
0xce: {  	s17 =	rddreg [dreg:$0x5];
	[tilespmem:s19+$0x7000] =	vst v0;
	v4 =	vld.idx.msk [tilespmem:v9+s18+$0x0], $0xffff  }
0xcf: {  	v0 =	vld.idx.msk [tilespmem:v3+s17+$0x0], $0xffff  }
0xd0: {  	s24 =	rddreg [dreg:$0x1e];
	[tilespmem:s5+$0xA200] =	vst v2  }
0xd1: {  	v2 =	vld.idx.msk [tilespmem:v7+s24+$0x0], $0xffff  }
0xd2: {  	v10 =	vld [tilespmem:s1+$0x300]  }
0xd3: {  	s25 =	rddreg [dreg:$0x12];
	[tilespmem:s1+$0x9000] =	vst v4;
	v4 =	vld [tilespmem:s31+$0x100]  }
0xd4: {  	s26 =	rddreg [dreg:$0x6];
	[tilespmem:s31+$0x7200] =	vst v0;
	v0 =	vld.idx.msk [tilespmem:v9+s25+$0x0], $0xffff  }
0xd5: {  	v3 =	vld.idx.msk [tilespmem:v3+s26+$0x0], $0xffff  }
0xd6: {  	s17 =	rddreg [dreg:$0x1f];
	[tilespmem:s5+$0xA280] =	vst v2  }
0xd7: {  	v2 =	vld.idx.msk [tilespmem:v8+s17+$0x0], $0xffff  }
0xd8: {  	s20 =	rddreg [dreg:$0x7]  }
0xd9: {  	s18 =	rddreg [dreg:$0x13];
	[tilespmem:s1+$0x9080] =	vst v0  }
0xda: {  	[tilespmem:s31+$0x7280] =	vst v3;
	s21 =	sld [smem:$0x7D8];
	v5 =	vld.idx.msk [tilespmem:v10+s18+$0x0], $0xffff  }
0xdb: {  	v3 =	vld.idx.msk [tilespmem:v4+s20+$0x0], $0xffff  }
0xdc: {  	[tilespmem:s5+$0xA300] =	vst v2  }
0xdd: {  	v2 =	vld.idx.msk [tilespmem:v8+s21+$0x0], $0xffff  }
0xde: {  	v6 =	vld [tilespmem:s5+$0x1200]  }
0xdf: {  	v1 =	vld [tilespmem:s5+$0x1280];
	s22 =	rddreg [dreg:$0x14];
	[tilespmem:s1+$0x9100] =	vst v5  }
0xe0: {  	s23 =	rddreg [dreg:$0x8];
	v7 =	vld.idx.msk [tilespmem:v10+s22+$0x0], $0xffff;
	[tilespmem:s31+$0x7300] =	vst v3  }
0xe1: {  	s24 =	sld [smem:$0x7D9];
	v3 =	vld.idx.msk [tilespmem:v4+s23+$0x0], $0xffff  }
0xe2: {  	s26 =	sor.u32 $0x2180, s6;
	v0 =	vld [tilespmem:s5+$0x1300];
	[tilespmem:s5+$0xA380] =	vst v2  }
0xe3: {  	v5 =	vld [tilespmem:s5+$0x2000];
	[smem:$0x7D7] =	sst s26  }
0xe4: {  	s6 =	sor.u32 s15, s16;
	v2 =	vld.idx.msk [tilespmem:v8+s24+$0x0], $0xffff  }
0xe5: {  	s20 =	sor.u32 $0x380, s6;
	s25 =	rddreg [dreg:$0x15];
	[tilespmem:s26+$0x7000] =	vst v7  }
0xe6: {  	s16 =	rddreg [dreg:$0x9];
	v7 =	vld.idx.msk [tilespmem:v10+s25+$0x0], $0xffff;
	[tilespmem:s20+$0x7000] =	vst v3  }
0xe7: {  	v8 =	vld.idx.msk [tilespmem:v4+s16+$0x0], $0xffff;
	_ =	sdelay $0x1  }
0xe8: {  	[tilespmem:s5+$0xB000] =	vst v2  }
0xe9: {  	v9 =	vld [tilespmem:s9+$0x0]  }
0xea: {  	[tilespmem:s1+$0x9200] =	vst v7  }
0xeb: {  	v7 =	vld [tilespmem:s14+$0x0];
	[tilespmem:s31+$0x8000] =	vst v8  }
0xec: {  	v8 =	vld [tilespmem:s19+$0x0];
	_ =	sdelay $0x1  }
0xed: {  	s18 =	sld [smem:$0x7DA];
	_ =	sdelay $0x2  }
0xee: {  	v11 =	vld.idx.msk [tilespmem:v9+s18+$0x0], $0xffff  }
0xef: {  	s19 =	rddreg [dreg:$0x16]  }
0xf0: {  	s21 =	rddreg [dreg:$0xa];
	v13 =	vld.idx.msk [tilespmem:v7+s19+$0x0], $0xffff  }
0xf1: {  	s22 =	sld [smem:$0x7DB];
	v14 =	vld.idx.msk [tilespmem:v8+s21+$0x0], $0xffff;
	_ =	sdelay $0x1  }
0xf2: {  	v12 =	vld [tilespmem:s5+$0x2280];
	[tilespmem:s5+$0xB080] =	vst v11  }
0xf3: {  	v11 =	vld.idx.msk [tilespmem:v9+s22+$0x0], $0xffff  }
0xf4: {  	v19 =	vld [tilespmem:s5+$0x3000];
	s23 =	rddreg [dreg:$0x17];
	[tilespmem:s1+$0x9280] =	vst v13  }
0xf5: {  	s24 =	rddreg [dreg:$0xb];
	v13 =	vld.idx.msk [tilespmem:v7+s23+$0x0], $0xffff;
	[tilespmem:s31+$0x8080] =	vst v14  }
0xf6: {  	s25 =	sld [smem:$0x7DC];
	v14 =	vld.idx.msk [tilespmem:v8+s24+$0x0], $0xffff  }
0xf7: {  	v3 =	vld [tilespmem:s5+$0x2100]  }
0xf8: {  	v10 =	vld [tilespmem:s5+$0x2300];
	[tilespmem:s5+$0xB100] =	vst v11  }
0xf9: {  	v9 =	vld.idx.msk [tilespmem:v9+s25+$0x0], $0xffff  }
0xfa: {  	v4 =	vld [tilespmem:s5+$0x2080];
	s26 =	rddreg [dreg:$0x18];
	[tilespmem:s1+$0x9300] =	vst v13  }
0xfb: {  	s11 =	rddreg [dreg:$0xc];
	v11 =	vld.idx.msk [tilespmem:v7+s26+$0x0], $0xffff;
	[tilespmem:s31+$0x8100] =	vst v14  }
0xfc: {  	s14 =	sld [smem:$0x7DD];
	v8 =	vld.idx.msk [tilespmem:v8+s11+$0x0], $0xffff  }
0xfd: {  	v2 =	vld [tilespmem:s5+$0x2200]  }
0xfe: {  	s10 =	sor.u32 $0x2380, s10;
	v7 =	vld [tilespmem:s5+$0x3080];
	[tilespmem:s5+$0xB180] =	vst v9  }
0xff: {  	v9 =	vld.idx.msk [tilespmem:v6+s14+$0x0], $0xffff;
	[smem:$0x7D3] =	sst s10  }
0x100: {  	s17 =	simm.s32 $0x180;
	s16 =	simm.s32 $0x30;
	s14 =	sor.u32 $0x1180, s7;
	[tilespmem:s10+$0x7000] =	vst v11  }
0x101: {  	s15 =	sand.u32 $0x70, s16;
	s18 =	sand.u32 $0xC00, s17;
	[tilespmem:s14+$0x7000] =	vst v8;
	v11 =	vld [tilespmem:s1+$0x1000]  }
0x102: {  	s9 =	sor.u32 s15, s18;
	v8 =	vld [tilespmem:s31+$0x200]  }
0x103: {  	v13 =	vld [tilespmem:s9+$0x0];
	_ =	sdelay $0x1  }
0x104: {  	[tilespmem:s5+$0xB200] =	vst v9  }
0x105: {  	v9 =	vld.idx.msk [tilespmem:v6+s2+$0x0], $0xffff  }
0x106: {  	s19 =	rddreg [dreg:$0x19]  }
0x107: {  	s21 =	rddreg [dreg:$0xd]  }
0x108: {  	s22 =	sld [smem:$0x7DF];
	v15 =	vld.idx.msk [tilespmem:v11+s19+$0x0], $0xffff  }
0x109: {  	v16 =	vld.idx.msk [tilespmem:v8+s21+$0x0], $0xffff  }
0x10a: {  	[tilespmem:s5+$0xB280] =	vst v9;
	v9 =	vld.idx.msk [tilespmem:v13+s30+$0x0], $0xffff  }
0x10b: {  	v6 =	vld.idx.msk [tilespmem:v6+s22+$0x0], $0xffff  }
0x10c: {  	s23 =	rddreg [dreg:$0x1a]  }
0x10d: {  	s24 =	rddreg [dreg:$0xe];
	[tilespmem:s1+$0xA000] =	vst v15  }
0x10e: {  	s25 =	sld [smem:$0x7E0];
	[tilespmem:s31+$0x8200] =	vst v16;
	v18 =	vld.idx.msk [tilespmem:v11+s23+$0x0], $0xffff  }
0x10f: {  	s2 =	sld [smem:$0x7DE];
	v16 =	vld.idx.msk [tilespmem:v8+s24+$0x0], $0xffff;
	[tilespmem:s9+$0x7000] =	vst v9  }
0x110: {  	[tilespmem:s5+$0xB300] =	vst v6;
	v6 =	vld.idx.msk [tilespmem:v13+s28+$0x0], $0xffff  }
0x111: {  	v9 =	vld.idx.msk [tilespmem:v1+s25+$0x0], $0xffff  }
0x112: {  	v14 =	vld [tilespmem:s1+$0x1080];
	s26 =	rddreg [dreg:$0x1b]  }
0x113: {  	v20 =	vld [tilespmem:s31+$0x280];
	s10 =	rddreg [dreg:$0xf];
	[tilespmem:s1+$0xA080] =	vst v18  }
0x114: {  	s11 =	sld [smem:$0x7E1];
	[tilespmem:s31+$0x8280] =	vst v16;
	v11 =	vld.idx.msk [tilespmem:v11+s26+$0x0], $0xffff  }
0x115: {  	v8 =	vld.idx.msk [tilespmem:v8+s10+$0x0], $0xffff;
	[tilespmem:s9+$0x7080] =	vst v6  }
0x116: {  	v6 =	vld [tilespmem:s9+$0x80];
	[tilespmem:s5+$0xB380] =	vst v9  }
0x117: {  	v9 =	vld.idx.msk [tilespmem:v1+s11+$0x0], $0xffff  }
0x118: {  	v13 =	vld.idx.msk [tilespmem:v13+s29+$0x0], $0xffff  }
0x119: {  	s19 =	rddreg [dreg:$0x1c]  }
0x11a: {  	s22 =	sld [smem:$0x7E2];
	[tilespmem:s1+$0xA100] =	vst v11  }
0x11b: {  	s21 =	rddreg [dreg:$0x10];
	[tilespmem:s31+$0x8300] =	vst v8;
	v11 =	vld.idx.msk [tilespmem:v14+s19+$0x0], $0xffff  }
0x11c: {  	v16 =	vld.idx.msk [tilespmem:v20+s21+$0x0], $0xffff;
	[tilespmem:s5+$0xC000] =	vst v9  }
0x11d: {  	s23 =	rddreg [dreg:$0x4];
	[tilespmem:s9+$0x7100] =	vst v13;
	v1 =	vld.idx.msk [tilespmem:v1+s22+$0x0], $0xffff  }
0x11e: {  	v9 =	vld.idx.msk [tilespmem:v6+s23+$0x0], $0xffff  }
0x11f: {  	s24 =	rddreg [dreg:$0x1d]  }
0x120: {  	s25 =	sand.u32 $0xFFFFFC00, s17;
	s19 =	sor.u32 $0x1380, s6;
	s22 =	sld [smem:$0x7E3];
	[tilespmem:s1+$0xA180] =	vst v11  }
0x121: {  	s15 =	sadd.s32 $0x30, s25;
	s21 =	rddreg [dreg:$0x11];
	[tilespmem:s19+$0x7000] =	vst v16;
	v11 =	vld.idx.msk [tilespmem:v14+s24+$0x0], $0xffff  }
0x122: {  	v13 =	vld.idx.msk [tilespmem:v20+s21+$0x0], $0xffff;
	s21 =	sor.u32 $0x180, s15;
	[tilespmem:s5+$0xC080] =	vst v1  }
0x123: {  	s26 =	rddreg [dreg:$0x5];
	[tilespmem:s21+$0x7000] =	vst v9;
	v1 =	vld.idx.msk [tilespmem:v0+s22+$0x0], $0xffff  }
0x124: {  	v9 =	vld.idx.msk [tilespmem:v6+s26+$0x0], $0xffff  }
0x125: {  	v17 =	vld [tilespmem:s1+$0x1100];
	s10 =	rddreg [dreg:$0x1e]  }
0x126: {  	s11 =	rddreg [dreg:$0x12];
	v18 =	vld [tilespmem:s31+$0x300];
	[tilespmem:s1+$0xA200] =	vst v11  }
0x127: {  	s23 =	sld [smem:$0x7E4];
	[tilespmem:s31+$0x9000] =	vst v13;
	v11 =	vld.idx.msk [tilespmem:v14+s10+$0x0], $0xffff  }
0x128: {  	v13 =	vld.idx.msk [tilespmem:v20+s11+$0x0], $0xffff;
	[tilespmem:s5+$0xC100] =	vst v1  }
0x129: {  	s22 =	rddreg [dreg:$0x6];
	[tilespmem:s9+$0x7200] =	vst v9;
	v9 =	vld [tilespmem:s9+$0x100]  }
0x12a: {  	v1 =	vld.idx.msk [tilespmem:v0+s23+$0x0], $0xffff  }
0x12b: {  	v14 =	vld.idx.msk [tilespmem:v6+s22+$0x0], $0xffff  }
0x12c: {  	s23 =	rddreg [dreg:$0x1f];
	[tilespmem:s1+$0xA280] =	vst v11  }
0x12d: {  	s25 =	sld [smem:$0x7E5];
	v11 =	vld.idx.msk [tilespmem:v17+s23+$0x0], $0xffff  }
0x12e: {  	s24 =	rddreg [dreg:$0x13];
	[tilespmem:s31+$0x9080] =	vst v13  }
0x12f: {  	s26 =	rddreg [dreg:$0x7];
	v13 =	vld.idx.msk [tilespmem:v18+s24+$0x0], $0xffff;
	[tilespmem:s5+$0xC180] =	vst v1  }
0x130: {  	s10 =	sld [smem:$0x7D8];
	[tilespmem:s9+$0x7280] =	vst v14;
	v0 =	vld.idx.msk [tilespmem:v0+s25+$0x0], $0xffff  }
0x131: {  	v1 =	vld.idx.msk [tilespmem:v9+s26+$0x0], $0xffff  }
0x132: {  	v23 =	vld [tilespmem:s1+$0x2200];
	[tilespmem:s1+$0xA300] =	vst v11  }
0x133: {  	v11 =	vld.idx.msk [tilespmem:v17+s10+$0x0], $0xffff  }
0x134: {  	v15 =	vld [tilespmem:s1+$0x1200];
	s11 =	rddreg [dreg:$0x14];
	[tilespmem:s31+$0x9100] =	vst v13  }
0x135: {  	s24 =	rddreg [dreg:$0x8];
	v13 =	vld.idx.msk [tilespmem:v18+s11+$0x0], $0xffff;
	[tilespmem:s5+$0xC200] =	vst v0  }
0x136: {  	s25 =	sld [smem:$0x7D9];
	v0 =	vld [tilespmem:s3+$0x0];
	[tilespmem:s9+$0x7300] =	vst v1  }
0x137: {  	v1 =	vld.idx.msk [tilespmem:v9+s24+$0x0], $0xffff  }
0x138: {  	v8 =	vld [tilespmem:s1+$0x1280];
	[tilespmem:s1+$0xA380] =	vst v11  }
0x139: {  	s7 =	sor.u32 $0x2180, s7;
	v11 =	vld.idx.msk [tilespmem:v17+s25+$0x0], $0xffff  }
0x13a: {  	s16 =	sor.u32 s16, s17;
	v16 =	vld [tilespmem:s1+$0x2000];
	s26 =	rddreg [dreg:$0x15];
	[tilespmem:s7+$0x7000] =	vst v13  }
0x13b: {  	s18 =	sor.u32 $0x380, s16;
	s10 =	sld [smem:$0x7E6];
	v17 =	vld.idx.msk [tilespmem:v18+s26+$0x0], $0xffff  }
0x13c: {  	v6 =	vld [tilespmem:s1+$0x1300];
	s11 =	rddreg [dreg:$0x9];
	[tilespmem:s18+$0x7000] =	vst v1  }
0x13d: {  	v1 =	vld.idx.msk [tilespmem:v9+s11+$0x0], $0xffff  }
0x13e: {  	v18 =	vld.idx.msk [tilespmem:v0+s10+$0x0], $0xffff;
	[tilespmem:s1+$0xB000] =	vst v11  }
0x13f: {  	v20 =	vld [tilespmem:s4+$0x0]  }
0x140: {  	v14 =	vld [tilespmem:s1+$0x2080];
	[tilespmem:s31+$0x9200] =	vst v17  }
0x141: {  	s17 =	sld [smem:$0x7E7];
	v17 =	vld [tilespmem:s20+$0x0]  }
0x142: {  	v13 =	vld [tilespmem:s1+$0x2100];
	[tilespmem:s9+$0x8000] =	vst v1  }
0x143: {  	[tilespmem:s5+$0xC280] =	vst v18;
	v18 =	vld [tilespmem:s21+$0x0]  }
0x144: {  	v9 =	vld.idx.msk [tilespmem:v0+s17+$0x0], $0xffff;
	s3 =	sld [smem:$0x7DA];
	_ =	sdelay $0x2  }
0x145: {  	s23 =	sld [smem:$0x7E8];
	v1 =	vld.idx.msk [tilespmem:v20+s3+$0x0], $0xffff  }
0x146: {  	s22 =	rddreg [dreg:$0x16]  }
0x147: {  	s24 =	rddreg [dreg:$0xa];
	v21 =	vld.idx.msk [tilespmem:v17+s22+$0x0], $0xffff;
	[tilespmem:s5+$0xC300] =	vst v9  }
0x148: {  	s25 =	sld [smem:$0x7DB];
	v0 =	vld.idx.msk [tilespmem:v0+s23+$0x0], $0xffff  }
0x149: {  	v22 =	vld.idx.msk [tilespmem:v18+s24+$0x0], $0xffff  }
0x14a: {  	[tilespmem:s1+$0xB080] =	vst v1  }
0x14b: {  	s10 =	sld [smem:$0x7E9];
	v24 =	vld.idx.msk [tilespmem:v20+s25+$0x0], $0xffff  }
0x14c: {  	v11 =	vld [tilespmem:s1+$0x2280];
	s26 =	rddreg [dreg:$0x17];
	[tilespmem:s31+$0x9280] =	vst v21  }
0x14d: {  	s11 =	rddreg [dreg:$0xb];
	v21 =	vld.idx.msk [tilespmem:v17+s26+$0x0], $0xffff;
	[tilespmem:s5+$0xC380] =	vst v0  }
0x14e: {  	s17 =	sld [smem:$0x7DC];
	v0 =	vld.idx.msk [tilespmem:v5+s10+$0x0], $0xffff;
	[tilespmem:s9+$0x8080] =	vst v22  }
0x14f: {  	v22 =	vld.idx.msk [tilespmem:v18+s11+$0x0], $0xffff  }
0x150: {  	v9 =	vld [tilespmem:s1+$0x2300];
	[tilespmem:s1+$0xB100] =	vst v24  }
0x151: {  	s21 =	sld [smem:$0x7EA];
	v20 =	vld.idx.msk [tilespmem:v20+s17+$0x0], $0xffff  }
0x152: {  	v1 =	vld [tilespmem:s1+$0x3000];
	s20 =	rddreg [dreg:$0x18];
	[tilespmem:s31+$0x9300] =	vst v21  }
0x153: {  	s22 =	rddreg [dreg:$0xc];
	v17 =	vld.idx.msk [tilespmem:v17+s20+$0x0], $0xffff;
	[tilespmem:s5+$0xD000] =	vst v0  }
0x154: {  	s23 =	sld [smem:$0x7DD];
	v21 =	vld.idx.msk [tilespmem:v5+s21+$0x0], $0xffff;
	[tilespmem:s9+$0x8100] =	vst v22  }
0x155: {  	v18 =	vld.idx.msk [tilespmem:v18+s22+$0x0], $0xffff  }
0x156: {  	s6 =	sor.u32 $0x2380, s6;
	v0 =	vld [tilespmem:s1+$0x3080];
	s24 =	sld [smem:$0x7EB];
	[tilespmem:s1+$0xB180] =	vst v20  }
0x157: {  	v20 =	vld.idx.msk [tilespmem:v15+s23+$0x0], $0xffff;
	[smem:$0x7D4] =	sst s6  }
0x158: {  	[tilespmem:s6+$0x7000] =	vst v17  }
0x159: {  	s17 =	simm.s32 $0x40;
	s21 =	sor.u32 $0x1180, s15;
	s22 =	simm.s32 $0x200;
	[tilespmem:s5+$0xD080] =	vst v21;
	v17 =	vld [tilespmem:s31+$0x1000]  }
0x15a: {  	s25 =	sand.u32 $0x70, s17;
	s26 =	sand.u32 $0xC00, s22;
	v5 =	vld.idx.msk [tilespmem:v5+s24+$0x0], $0xffff;
	[tilespmem:s21+$0x7000] =	vst v18  }
0x15b: {  	s4 =	sor.u32 s25, s26;
	v18 =	vld [tilespmem:s9+$0x200]  }
0x15c: {  	v21 =	vld [tilespmem:s4+$0x0];
	_ =	sdelay $0x1  }
0x15d: {  	s10 =	sld [smem:$0x7ED];
	[tilespmem:s1+$0xB200] =	vst v20  }
0x15e: {  	v20 =	vld.idx.msk [tilespmem:v15+s0+$0x0], $0xffff  }
0x15f: {  	s6 =	rddreg [dreg:$0x19];
	v22 =	vld [tilespmem:s31+$0x1080];
	[tilespmem:s5+$0xD100] =	vst v5  }
0x160: {  	s11 =	rddreg [dreg:$0xd];
	v24 =	vld.idx.msk [tilespmem:v4+s10+$0x0], $0xffff  }
0x161: {  	s20 =	sld [smem:$0x7DF];
	v5 =	vld.idx.msk [tilespmem:v17+s6+$0x0], $0xffff  }
0x162: {  	v26 =	vld.idx.msk [tilespmem:v18+s11+$0x0], $0xffff  }
0x163: {  	s24 =	sld [smem:$0x7EF];
	[tilespmem:s1+$0xB280] =	vst v20;
	v20 =	vld.idx.msk [tilespmem:v21+s30+$0x0], $0xffff  }
0x164: {  	v15 =	vld.idx.msk [tilespmem:v15+s20+$0x0], $0xffff  }
0x165: {  	s23 =	rddreg [dreg:$0x1a];
	v28 =	vld [tilespmem:s9+$0x280];
	[tilespmem:s5+$0xD180] =	vst v24  }
0x166: {  	s25 =	rddreg [dreg:$0xe];
	v24 =	vld.idx.msk [tilespmem:v4+s24+$0x0], $0xffff;
	[tilespmem:s31+$0xA000] =	vst v5  }
0x167: {  	s26 =	sld [smem:$0x7E0];
	v5 =	vld.idx.msk [tilespmem:v17+s23+$0x0], $0xffff;
	[tilespmem:s9+$0x8200] =	vst v26  }
0x168: {  	s3 =	sld [smem:$0x7DE];
	[tilespmem:s4+$0x7000] =	vst v20;
	v26 =	vld.idx.msk [tilespmem:v18+s25+$0x0], $0xffff  }
0x169: {  	s10 =	sld [smem:$0x7F1];
	[tilespmem:s1+$0xB300] =	vst v15;
	v27 =	vld.idx.msk [tilespmem:v21+s28+$0x0], $0xffff  }
0x16a: {  	v15 =	vld.idx.msk [tilespmem:v8+s26+$0x0], $0xffff  }
0x16b: {  	[tilespmem:s5+$0xD200] =	vst v24;
	v24 =	vld [tilespmem:s4+$0x80]  }
0x16c: {  	s6 =	rddreg [dreg:$0x1b];
	v4 =	vld.idx.msk [tilespmem:v4+s10+$0x0], $0xffff;
	[tilespmem:s31+$0xA080] =	vst v5  }
0x16d: {  	s11 =	rddreg [dreg:$0xf];
	v5 =	vld.idx.msk [tilespmem:v17+s6+$0x0], $0xffff;
	[tilespmem:s9+$0x8280] =	vst v26  }
0x16e: {  	s23 =	sld [smem:$0x7E1];
	v17 =	vld.idx.msk [tilespmem:v18+s11+$0x0], $0xffff  }
0x16f: {  	[tilespmem:s4+$0x7080] =	vst v27  }
0x170: {  	s25 =	sld [smem:$0x7F3];
	[tilespmem:s1+$0xB380] =	vst v15;
	v15 =	vld.idx.msk [tilespmem:v21+s29+$0x0], $0xffff  }
0x171: {  	v21 =	vld.idx.msk [tilespmem:v8+s23+$0x0], $0xffff  }
0x172: {  	v25 =	vld [tilespmem:s31+$0x1100];
	s24 =	rddreg [dreg:$0x1c];
	[tilespmem:s5+$0xD280] =	vst v4  }
0x173: {  	s26 =	rddreg [dreg:$0x10];
	v4 =	vld.idx.msk [tilespmem:v3+s25+$0x0], $0xffff;
	[tilespmem:s9+$0x8300] =	vst v17  }
0x174: {  	s10 =	sld [smem:$0x7E2];
	[tilespmem:s31+$0xA100] =	vst v5;
	v17 =	vld.idx.msk [tilespmem:v28+s26+$0x0], $0xffff  }
0x175: {  	s6 =	rddreg [dreg:$0x4];
	v5 =	vld.idx.msk [tilespmem:v22+s24+$0x0], $0xffff;
	[tilespmem:s4+$0x7100] =	vst v15  }
0x176: {  	s24 =	sld [smem:$0x7F5];
	[tilespmem:s1+$0xC000] =	vst v21;
	v15 =	vld.idx.msk [tilespmem:v24+s6+$0x0], $0xffff  }
0x177: {  	v8 =	vld.idx.msk [tilespmem:v8+s10+$0x0], $0xffff  }
0x178: {  	s0 =	sor.u32 $0x1380, s16;
	v20 =	vld [tilespmem:s31+$0x1200];
	s11 =	rddreg [dreg:$0x1d];
	s6 =	sand.u32 $0xFFFFFC00, s22;
	[tilespmem:s5+$0xD300] =	vst v4  }
0x179: {  	s25 =	rddreg [dreg:$0x11];
	s20 =	sadd.s32 $0x40, s6;
	v4 =	vld.idx.msk [tilespmem:v3+s24+$0x0], $0xffff;
	[tilespmem:s0+$0x7000] =	vst v17  }
0x17a: {  	s10 =	sld [smem:$0x7E3];
	s24 =	sor.u32 $0x180, s20;
	[tilespmem:s31+$0xA180] =	vst v5;
	v17 =	vld.idx.msk [tilespmem:v28+s25+$0x0], $0xffff  }
0x17b: {  	s26 =	rddreg [dreg:$0x5];
	v5 =	vld.idx.msk [tilespmem:v22+s11+$0x0], $0xffff;
	[tilespmem:s24+$0x7000] =	vst v15  }
0x17c: {  	v15 =	vld.idx.msk [tilespmem:v24+s26+$0x0], $0xffff;
	[tilespmem:s1+$0xC080] =	vst v8;
	s26 =	sld [smem:$0x7F6]  }
0x17d: {  	v8 =	vld.idx.msk [tilespmem:v6+s10+$0x0], $0xffff  }
0x17e: {  	s11 =	rddreg [dreg:$0x1e];
	v21 =	vld [tilespmem:s9+$0x300];
	[tilespmem:s5+$0xD380] =	vst v4  }
0x17f: {  	s6 =	rddreg [dreg:$0x12];
	v3 =	vld.idx.msk [tilespmem:v3+s26+$0x0], $0xffff;
	[tilespmem:s9+$0x9000] =	vst v17  }
0x180: {  	s10 =	sld [smem:$0x7E4];
	[tilespmem:s31+$0xA200] =	vst v5;
	v4 =	vld.idx.msk [tilespmem:v28+s6+$0x0], $0xffff  }
0x181: {  	v5 =	vld.idx.msk [tilespmem:v22+s11+$0x0], $0xffff  }
0x182: {  	[tilespmem:s1+$0xC100] =	vst v8;
	v8 =	vld [tilespmem:s4+$0x100]  }
0x183: {  	s11 =	rddreg [dreg:$0x6];
	[tilespmem:s4+$0x7200] =	vst v15;
	v15 =	vld.idx.msk [tilespmem:v6+s10+$0x0], $0xffff  }
0x184: {  	s26 =	rddreg [dreg:$0x1f];
	v17 =	vld.idx.msk [tilespmem:v24+s11+$0x0], $0xffff;
	[tilespmem:s5+$0xE000] =	vst v3  }
0x185: {  	s6 =	rddreg [dreg:$0x13];
	v3 =	vld [tilespmem:s8+$0x0];
	[tilespmem:s9+$0x9080] =	vst v4  }
0x186: {  	s10 =	sld [smem:$0x7E5];
	[tilespmem:s31+$0xA280] =	vst v5;
	v4 =	vld.idx.msk [tilespmem:v21+s6+$0x0], $0xffff  }
0x187: {  	v5 =	vld.idx.msk [tilespmem:v25+s26+$0x0], $0xffff  }
0x188: {  	v18 =	vld [tilespmem:s31+$0x1280];
	s11 =	rddreg [dreg:$0x7];
	[tilespmem:s1+$0xC180] =	vst v15  }
0x189: {  	[tilespmem:s4+$0x7280] =	vst v17;
	s23 =	sld [smem:$0x7D8];
	v6 =	vld.idx.msk [tilespmem:v6+s10+$0x0], $0xffff  }
0x18a: {  	s25 =	rddreg [dreg:$0x14];
	v15 =	vld.idx.msk [tilespmem:v8+s11+$0x0], $0xffff  }
0x18b: {  	v24 =	vld [tilespmem:s31+$0x2000];
	s6 =	sld [smem:$0x7F7];
	[tilespmem:s9+$0x9100] =	vst v4  }
0x18c: {  	[tilespmem:s31+$0xA300] =	vst v5;
	v4 =	vld.idx.msk [tilespmem:v21+s25+$0x0], $0xffff  }
0x18d: {  	v5 =	vld.idx.msk [tilespmem:v25+s23+$0x0], $0xffff  }
0x18e: {  	v26 =	vld.idx.msk [tilespmem:v3+s6+$0x0], $0xffff;
	[tilespmem:s1+$0xC200] =	vst v6  }
0x18f: {  	s26 =	rddreg [dreg:$0x8];
	v22 =	vld [tilespmem:s12+$0x0];
	[tilespmem:s4+$0x7300] =	vst v15  }
0x190: {  	s15 =	sor.u32 $0x2180, s15;
	s10 =	sld [smem:$0x7D9];
	v6 =	vld.idx.msk [tilespmem:v8+s26+$0x0], $0xffff  }
0x191: {  	v17 =	vld [tilespmem:s31+$0x1300];
	s11 =	rddreg [dreg:$0x15];
	[tilespmem:s15+$0x7000] =	vst v4  }
0x192: {  	s25 =	sld [smem:$0x7F8];
	[tilespmem:s31+$0xA380] =	vst v5;
	v4 =	vld.idx.msk [tilespmem:v21+s11+$0x0], $0xffff  }
0x193: {  	s22 =	sor.u32 s17, s22;
	v5 =	vld.idx.msk [tilespmem:v25+s10+$0x0], $0xffff  }
0x194: {  	s23 =	sor.u32 $0x380, s22;
	v15 =	vld [tilespmem:s31+$0x2080];
	s17 =	sld [smem:$0x7E6];
	[tilespmem:s5+$0xE080] =	vst v26  }
0x195: {  	s12 =	rddreg [dreg:$0x9];
	v25 =	vld.idx.msk [tilespmem:v3+s25+$0x0], $0xffff;
	[tilespmem:s23+$0x7000] =	vst v6  }
0x196: {  	v6 =	vld.idx.msk [tilespmem:v8+s12+$0x0], $0xffff  }
0x197: {  	v21 =	vld.idx.msk [tilespmem:v22+s17+$0x0], $0xffff;
	[tilespmem:s9+$0x9200] =	vst v4  }
0x198: {  	s6 =	sld [smem:$0x7F9];
	[tilespmem:s31+$0xB000] =	vst v5;
	v26 =	vld [tilespmem:s18+$0x0]  }
0x199: {  	v27 =	vld [tilespmem:s14+$0x0]  }
0x19a: {  	s26 =	sld [smem:$0x7E7];
	v8 =	vld [tilespmem:s31+$0x2100];
	[tilespmem:s5+$0xE100] =	vst v25  }
0x19b: {  	v3 =	vld.idx.msk [tilespmem:v3+s6+$0x0], $0xffff;
	[tilespmem:s4+$0x8000] =	vst v6  }
0x19c: {  	[tilespmem:s1+$0xC280] =	vst v21;
	v21 =	vld [tilespmem:s24+$0x0]  }
0x19d: {  	s11 =	sld [smem:$0x7DA];
	v4 =	vld.idx.msk [tilespmem:v22+s26+$0x0], $0xffff  }
0x19e: {  	v5 =	vld [tilespmem:s31+$0x2280];
	s10 =	rddreg [dreg:$0x16]  }
0x19f: {  	v6 =	vld [tilespmem:s31+$0x2200];
	s24 =	sld [smem:$0x7FA]  }
0x1a0: {  	s17 =	sld [smem:$0x7E8];
	v25 =	vld.idx.msk [tilespmem:v26+s10+$0x0], $0xffff  }
0x1a1: {  	[tilespmem:s5+$0xE180] =	vst v3;
	v28 =	vld.idx.msk [tilespmem:v27+s11+$0x0], $0xffff  }
0x1a2: {  	s25 =	rddreg [dreg:$0x17];
	v29 =	vld.idx.msk [tilespmem:v2+s24+$0x0], $0xffff;
	[tilespmem:s1+$0xC300] =	vst v4  }
0x1a3: {  	s18 =	rddreg [dreg:$0xa];
	v22 =	vld.idx.msk [tilespmem:v22+s17+$0x0], $0xffff  }
0x1a4: {  	s26 =	sld [smem:$0x7DB];
	v4 =	vld [tilespmem:s31+$0x2300]  }
0x1a5: {  	s11 =	sld [smem:$0x7FB];
	v3 =	vld.idx.msk [tilespmem:v21+s18+$0x0], $0xffff;
	[tilespmem:s9+$0x9280] =	vst v25  }
0x1a6: {  	s6 =	sld [smem:$0x7E9];
	[tilespmem:s31+$0xB080] =	vst v28;
	v25 =	vld.idx.msk [tilespmem:v26+s25+$0x0], $0xffff  }
0x1a7: {  	[tilespmem:s5+$0xE200] =	vst v29;
	v28 =	vld.idx.msk [tilespmem:v27+s26+$0x0], $0xffff  }
0x1a8: {  	s10 =	rddreg [dreg:$0xb];
	v30 =	vld.idx.msk [tilespmem:v2+s11+$0x0], $0xffff;
	[tilespmem:s1+$0xC380] =	vst v22  }
0x1a9: {  	s17 =	sld [smem:$0x7DC];
	v22 =	vld.idx.msk [tilespmem:v16+s6+$0x0], $0xffff  }
0x1aa: {  	s14 =	rddreg [dreg:$0x18];
	[tilespmem:s4+$0x8080] =	vst v3;
	v3 =	vld [tilespmem:s31+$0x3000]  }
0x1ab: {  	s25 =	sld [smem:$0x7FC];
	v29 =	vld.idx.msk [tilespmem:v21+s10+$0x0], $0xffff;
	[tilespmem:s9+$0x9300] =	vst v25  }
0x1ac: {  	s18 =	sld [smem:$0x7EA];
	[tilespmem:s31+$0xB100] =	vst v28;
	v25 =	vld.idx.msk [tilespmem:v26+s14+$0x0], $0xffff  }
0x1ad: {  	[tilespmem:s5+$0xE280] =	vst v30;
	v26 =	vld.idx.msk [tilespmem:v27+s17+$0x0], $0xffff  }
0x1ae: {  	[tilespmem:s1+$0xD000] =	vst v22;
	v27 =	vld.idx.msk [tilespmem:v2+s25+$0x0], $0xffff  }
0x1af: {  	s24 =	rddreg [dreg:$0xc];
	v22 =	vld.idx.msk [tilespmem:v16+s18+$0x0], $0xffff  }
0x1b0: {  	s10 =	sor.u32 $0x2380, s16;
	s26 =	sld [smem:$0x7DD];
	v2 =	vld [tilespmem:s31+$0x3080];
	[tilespmem:s4+$0x8100] =	vst v29  }
0x1b1: {  	v21 =	vld.idx.msk [tilespmem:v21+s24+$0x0], $0xffff;
	[smem:$0x7D5] =	sst s10  }
0x1b2: {  	s11 =	sld [smem:$0x7EB];
	[tilespmem:s10+$0x7000] =	vst v25  }
0x1b3: {  	s17 =	simm.s32 $0x280;
	s24 =	simm.s32 $0x50;
	[tilespmem:s31+$0xB180] =	vst v26;
	v26 =	vld [tilespmem:s9+$0x1000]  }
0x1b4: {  	s25 =	sand.u32 $0xC00, s17;
	s18 =	sand.u32 $0x70, s24;
	v25 =	vld.idx.msk [tilespmem:v20+s26+$0x0], $0xffff;
	[tilespmem:s1+$0xD080] =	vst v22  }
0x1b5: {  	s12 =	sor.u32 $0x1180, s20;
	s14 =	sld [smem:$0x7FD];
	s8 =	sor.u32 s18, s25;
	[tilespmem:s5+$0xE300] =	vst v27;
	v16 =	vld.idx.msk [tilespmem:v16+s11+$0x0], $0xffff  }
0x1b6: {  	v27 =	vld [tilespmem:s8+$0x0];
	[tilespmem:s12+$0x7000] =	vst v21  }
0x1b7: {  	v21 =	vld [tilespmem:s4+$0x200]  }
0x1b8: {  	v22 =	vld.idx.msk [tilespmem:v12+s14+$0x0], $0xffff;
	s6 =	sld [smem:$0x7ED]  }
0x1b9: {  	v30 =	vld [tilespmem:s9+$0x1080];
	[tilespmem:s31+$0xB200] =	vst v25  }
0x1ba: {  	v28 =	vld.idx.msk [tilespmem:v20+s13+$0x0], $0xffff;
	[tilespmem:s1+$0xD100] =	vst v16  }
0x1bb: {  	s26 =	rddreg [dreg:$0x19];
	v16 =	vld.idx.msk [tilespmem:v14+s6+$0x0], $0xffff  }
0x1bc: {  	v29 =	vld.idx.msk [tilespmem:v26+s26+$0x0], $0xffff  }
0x1bd: {  	v25 =	vld [tilespmem:s9+$0x1100];
	s11 =	sld [smem:$0x7DF]  }
0x1be: {  	s10 =	rddreg [dreg:$0xd];
	[tilespmem:s5+$0xE380] =	vst v22;
	v22 =	vld [tilespmem:s9+$0x1200]  }
0x1bf: {  	s18 =	sld [smem:$0x7EF];
	v31 =	vld.idx.msk [tilespmem:v21+s10+$0x0], $0xffff;
	[tilespmem:s31+$0xB280] =	vst v28  }
0x1c0: {  	v20 =	vld.idx.msk [tilespmem:v20+s11+$0x0], $0xffff;
	[tilespmem:s1+$0xD180] =	vst v16  }
0x1c1: {  	s14 =	rddreg [dreg:$0x1a];
	[tilespmem:s9+$0xA000] =	vst v29;
	v29 =	vld.idx.msk [tilespmem:v27+s30+$0x0], $0xffff  }
0x1c2: {  	v16 =	vld.idx.msk [tilespmem:v14+s18+$0x0], $0xffff  }
0x1c3: {  	s26 =	sld [smem:$0x7E0];
	s30 =	simm.s32 $0x5A80;
	v28 =	vld.idx.msk [tilespmem:v26+s14+$0x0], $0xffff  }
0x1c4: {  	s25 =	rddreg [dreg:$0xe];
	v32 =	vld.idx.msk [tilespmem:v12+s30+$0x0], $0xffff;
	[tilespmem:s4+$0x8200] =	vst v31  }
0x1c5: {  	s16 =	sld [smem:$0x7DE];
	v31 =	vld.idx.msk [tilespmem:v21+s25+$0x0], $0xffff;
	[tilespmem:s31+$0xB300] =	vst v20  }
0x1c6: {  	s11 =	sld [smem:$0x7F1];
	v20 =	vld.idx.msk [tilespmem:v18+s26+$0x0], $0xffff;
	[tilespmem:s8+$0x7000] =	vst v29  }
0x1c7: {  	[tilespmem:s1+$0xD200] =	vst v16;
	v16 =	vld [tilespmem:s4+$0x280]  }
0x1c8: {  	s10 =	rddreg [dreg:$0x1b];
	[tilespmem:s9+$0xA080] =	vst v28;
	v28 =	vld.idx.msk [tilespmem:v27+s28+$0x0], $0xffff  }
0x1c9: {  	s18 =	simm.s32 $0x6A80;
	v14 =	vld.idx.msk [tilespmem:v14+s11+$0x0], $0xffff;
	[tilespmem:s5+$0xF000] =	vst v32  }
0x1ca: {  	s14 =	rddreg [dreg:$0xf];
	v12 =	vld.idx.msk [tilespmem:v12+s18+$0x0], $0xffff  }
0x1cb: {  	s25 =	sld [smem:$0x7E1];
	v26 =	vld.idx.msk [tilespmem:v26+s10+$0x0], $0xffff;
	[tilespmem:s4+$0x8280] =	vst v31  }
0x1cc: {  	v21 =	vld.idx.msk [tilespmem:v21+s14+$0x0], $0xffff  }
0x1cd: {  	[tilespmem:s31+$0xB380] =	vst v20;
	v20 =	vld [tilespmem:s8+$0x80]  }
0x1ce: {  	s28 =	sld [smem:$0x7F3];
	[tilespmem:s8+$0x7080] =	vst v28;
	v28 =	vld.idx.msk [tilespmem:v18+s25+$0x0], $0xffff  }
0x1cf: {  	s30 =	simm.s32 $0x4B00;
	v27 =	vld.idx.msk [tilespmem:v27+s29+$0x0], $0xffff;
	[tilespmem:s5+$0xF080] =	vst v12  }
0x1d0: {  	s26 =	rddreg [dreg:$0x1c];
	[tilespmem:s1+$0xD280] =	vst v14;
	v12 =	vld.idx.msk [tilespmem:v10+s30+$0x0], $0xffff  }
0x1d1: {  	s11 =	sld [smem:$0x7E2];
	[tilespmem:s9+$0xA100] =	vst v26;
	v14 =	vld.idx.msk [tilespmem:v13+s28+$0x0], $0xffff  }
0x1d2: {  	s29 =	rddreg [dreg:$0x10];
	v26 =	vld.idx.msk [tilespmem:v30+s26+$0x0], $0xffff;
	[tilespmem:s4+$0x8300] =	vst v21  }
0x1d3: {  	s14 =	rddreg [dreg:$0x4];
	v29 =	vld.idx.msk [tilespmem:v16+s29+$0x0], $0xffff;
	[tilespmem:s31+$0xC000] =	vst v28  }
0x1d4: {  	s26 =	sld [smem:$0x7F5];
	v18 =	vld.idx.msk [tilespmem:v18+s11+$0x0], $0xffff;
	[tilespmem:s8+$0x7100] =	vst v27  }
0x1d5: {  	s29 =	simm.s32 $0x5B00;
	v27 =	vld.idx.msk [tilespmem:v20+s14+$0x0], $0xffff;
	[tilespmem:s5+$0xF100] =	vst v12  }
0x1d6: {  	s25 =	rddreg [dreg:$0x1d];
	[tilespmem:s1+$0xD300] =	vst v14;
	v12 =	vld.idx.msk [tilespmem:v10+s29+$0x0], $0xffff  }
0x1d7: {  	s13 =	sor.u32 $0x1380, s22;
	s10 =	sld [smem:$0x7E3];
	s11 =	sand.u32 $0xFFFFFC00, s17;
	[tilespmem:s9+$0xA180] =	vst v26;
	v14 =	vld.idx.msk [tilespmem:v13+s26+$0x0], $0xffff  }
0x1d8: {  	s30 =	rddreg [dreg:$0x11];
	s18 =	sadd.s32 $0x50, s11;
	v26 =	vld.idx.msk [tilespmem:v30+s25+$0x0], $0xffff;
	[tilespmem:s13+$0x7000] =	vst v29  }
0x1d9: {  	s25 =	sor.u32 $0x180, s18;
	v28 =	vld.idx.msk [tilespmem:v16+s30+$0x0], $0xffff;
	[tilespmem:s31+$0xC080] =	vst v18  }
0x1da: {  	s14 =	rddreg [dreg:$0x5];
	v18 =	vld.idx.msk [tilespmem:v17+s10+$0x0], $0xffff;
	[tilespmem:s25+$0x7000] =	vst v27  }
0x1db: {  	s30 =	simm.s32 $0x6B00;
	v27 =	vld.idx.msk [tilespmem:v20+s14+$0x0], $0xffff;
	[tilespmem:s5+$0xF180] =	vst v12  }
0x1dc: {  	s10 =	sld [smem:$0x7F6];
	v10 =	vld.idx.msk [tilespmem:v10+s30+$0x0], $0xffff  }
0x1dd: {  	s29 =	rddreg [dreg:$0x1e];
	[tilespmem:s9+$0xA200] =	vst v26;
	v26 =	vld [tilespmem:s4+$0x300]  }
0x1de: {  	[tilespmem:s1+$0xD380] =	vst v14;
	v12 =	vld.idx.msk [tilespmem:v30+s29+$0x0], $0xffff  }
0x1df: {  	s11 =	rddreg [dreg:$0x12];
	v13 =	vld.idx.msk [tilespmem:v13+s10+$0x0], $0xffff;
	[tilespmem:s4+$0x9000] =	vst v28  }
0x1e0: {  	s14 =	sld [smem:$0x7E4];
	v14 =	vld.idx.msk [tilespmem:v16+s11+$0x0], $0xffff;
	[tilespmem:s31+$0xC100] =	vst v18  }
0x1e1: {  	v21 =	vld [tilespmem:s9+$0x1280];
	s29 =	rddreg [dreg:$0x6];
	[tilespmem:s5+$0xF200] =	vst v10  }
0x1e2: {  	v18 =	vld [tilespmem:s8+$0x100];
	s30 =	sld [smem:$0x7D6];
	[tilespmem:s8+$0x7200] =	vst v27  }
0x1e3: {  	s10 =	rddreg [dreg:$0x1f];
	v16 =	vld.idx.msk [tilespmem:v17+s14+$0x0], $0xffff;
	[tilespmem:s9+$0xA280] =	vst v12  }
0x1e4: {  	s14 =	rddreg [dreg:$0x13];
	[tilespmem:s1+$0xE000] =	vst v13;
	v20 =	vld.idx.msk [tilespmem:v20+s29+$0x0], $0xffff  }
0x1e5: {  	v12 =	vld.idx.msk [tilespmem:v25+s10+$0x0], $0xffff;
	s29 =	sld [smem:$0x7D7];
	[tilespmem:s4+$0x9080] =	vst v14  }
0x1e6: {  	s28 =	sld [smem:$0x7E5];
	v13 =	vld.idx.msk [tilespmem:v26+s14+$0x0], $0xffff  }
0x1e7: {  	v10 =	vld [tilespmem:s30+$0x0]  }
0x1e8: {  	[tilespmem:s31+$0xC180] =	vst v16;
	v27 =	vld [tilespmem:s29+$0x0]  }
0x1e9: {  	s10 =	sld [smem:$0x7D8];
	v14 =	vld.idx.msk [tilespmem:v17+s28+$0x0], $0xffff  }
0x1ea: {  	s30 =	rddreg [dreg:$0x7];
	v16 =	vld [tilespmem:s9+$0x1300];
	[tilespmem:s8+$0x7280] =	vst v20  }
0x1eb: {  	[tilespmem:s9+$0xA300] =	vst v12;
	v17 =	vld.idx.msk [tilespmem:v18+s30+$0x0], $0xffff  }
0x1ec: {  	v12 =	vld.idx.msk [tilespmem:v25+s10+$0x0], $0xffff  }
0x1ed: {  	s14 =	rddreg [dreg:$0x14];
	[tilespmem:s4+$0x9100] =	vst v13;
	v13 =	vld [tilespmem:s9+$0x2000]  }
0x1ee: {  	s28 =	sld [smem:$0x7F7];
	v20 =	vld.idx.msk [tilespmem:v26+s14+$0x0], $0xffff;
	[tilespmem:s31+$0xC200] =	vst v14  }
0x1ef: {  	s29 =	simm.s32 $0x4B80;
	v14 =	vld [tilespmem:s19+$0x0]  }
0x1f0: {  	v28 =	vld.idx.msk [tilespmem:v10+s29+$0x0], $0xffff  }
0x1f1: {  	s10 =	sld [smem:$0x7D9];
	v29 =	vld.idx.msk [tilespmem:v27+s28+$0x0], $0xffff  }
0x1f2: {  	s30 =	rddreg [dreg:$0x8];
	[tilespmem:s8+$0x7300] =	vst v17;
	v17 =	vld [tilespmem:s9+$0x2100]  }
0x1f3: {  	s11 =	sor.u32 $0x2180, s20;
	[tilespmem:s9+$0xA380] =	vst v12;
	v30 =	vld.idx.msk [tilespmem:v18+s30+$0x0], $0xffff  }
0x1f4: {  	s14 =	rddreg [dreg:$0x15];
	v12 =	vld.idx.msk [tilespmem:v25+s10+$0x0], $0xffff;
	[tilespmem:s11+$0x7000] =	vst v20  }
0x1f5: {  	s28 =	sld [smem:$0x7E6];
	v25 =	vld.idx.msk [tilespmem:v26+s14+$0x0], $0xffff  }
0x1f6: {  	s29 =	simm.s32 $0x5B80;
	s30 =	sld [smem:$0x7F8];
	v20 =	vld [tilespmem:s9+$0x2080];
	[tilespmem:s5+$0xF280] =	vst v28  }
0x1f7: {  	s19 =	sor.u32 s24, s17;
	v26 =	vld.idx.msk [tilespmem:v10+s29+$0x0], $0xffff  }
0x1f8: {  	s20 =	sor.u32 $0x380, s19;
	[tilespmem:s1+$0xE080] =	vst v29;
	v28 =	vld.idx.msk [tilespmem:v14+s28+$0x0], $0xffff  }
0x1f9: {  	s10 =	rddreg [dreg:$0x9];
	v29 =	vld.idx.msk [tilespmem:v27+s30+$0x0], $0xffff;
	[tilespmem:s20+$0x7000] =	vst v30  }
0x1fa: {  	v18 =	vld.idx.msk [tilespmem:v18+s10+$0x0], $0xffff;
	[tilespmem:s4+$0x9200] =	vst v25  }
0x1fb: {  	v25 =	vld [tilespmem:s23+$0x0]  }
0x1fc: {  	s14 =	sld [smem:$0x7E7];
	[tilespmem:s9+$0xB000] =	vst v12;
	v12 =	vld [tilespmem:s9+$0x2200]  }
0x1fd: {  	s23 =	sld [smem:$0x7F9];
	[tilespmem:s5+$0xF300] =	vst v26;
	v26 =	vld [tilespmem:s21+$0x0];
	s21 =	simm.s32 $0x6B80  }
0x1fe: {  	v10 =	vld.idx.msk [tilespmem:v10+s21+$0x0], $0xffff;
	[tilespmem:s31+$0xC280] =	vst v28  }
0x1ff: {  	[tilespmem:s1+$0xE100] =	vst v29;
	v28 =	vld.idx.msk [tilespmem:v14+s14+$0x0], $0xffff  }
0x200: {  	[tilespmem:s8+$0x8000] =	vst v18;
	v27 =	vld.idx.msk [tilespmem:v27+s23+$0x0], $0xffff  }
0x201: {  	s24 =	sld [smem:$0x7DA];
	v29 =	vld [tilespmem:s25+$0x0]  }
0x202: {  	v18 =	vld [tilespmem:s9+$0x2280];
	s25 =	rddreg [dreg:$0x16]  }
0x203: {  	s29 =	simm.s32 $0x4C00;
	s26 =	sld [smem:$0x7E8];
	[tilespmem:s5+$0xF380] =	vst v10;
	v31 =	vld.idx.msk [tilespmem:v25+s25+$0x0], $0xffff  }
0x204: {  	s28 =	sld [smem:$0x7FA];
	v30 =	vld.idx.msk [tilespmem:v19+s29+$0x0], $0xffff  }
0x205: {  	[tilespmem:s31+$0xC300] =	vst v28;
	v10 =	vld.idx.msk [tilespmem:v26+s24+$0x0], $0xffff  }
0x206: {  	[tilespmem:s1+$0xE180] =	vst v27;
	v28 =	vld.idx.msk [tilespmem:v14+s26+$0x0], $0xffff  }
0x207: {  	v27 =	vld.idx.msk [tilespmem:v23+s28+$0x0], $0xffff  }
0x208: {  	s30 =	rddreg [dreg:$0xa];
	v14 =	vld [tilespmem:s9+$0x2300]  }
0x209: {  	s14 =	rddreg [dreg:$0x17];
	v63 =	vld.idx.msk [tilespmem:v29+s30+$0x0], $0xffff;
	[tilespmem:s4+$0x9280] =	vst v31  }
0x20a: {  	s10 =	sld [smem:$0x7DB];
	s25 =	simm.s32 $0x5C00;
	[tilespmem:s5+$0x10000] =	vst v30;
	v31 =	vld.idx.msk [tilespmem:v25+s14+$0x0], $0xffff  }
0x20b: {  	s23 =	sld [smem:$0x7E9];
	v30 =	vld.idx.msk [tilespmem:v19+s25+$0x0], $0xffff  }
0x20c: {  	s24 =	sld [smem:$0x7FB];
	[tilespmem:s9+$0xB080] =	vst v10;
	v10 =	vld [tilespmem:s9+$0x3000]  }
0x20d: {  	[tilespmem:s31+$0xC380] =	vst v28;
	v33 =	vld.idx.msk [tilespmem:v26+s10+$0x0], $0xffff  }
0x20e: {  	[tilespmem:s1+$0xE200] =	vst v27;
	v28 =	vld.idx.msk [tilespmem:v24+s23+$0x0], $0xffff  }
0x20f: {  	s26 =	rddreg [dreg:$0xb];
	v27 =	vld.idx.msk [tilespmem:v23+s24+$0x0], $0xffff;
	[tilespmem:s8+$0x8080] =	vst v63  }
0x210: {  	s29 =	rddreg [dreg:$0x18];
	v32 =	vld.idx.msk [tilespmem:v29+s26+$0x0], $0xffff;
	[tilespmem:s4+$0x9300] =	vst v31  }
0x211: {  	s28 =	sld [smem:$0x7DC];
	s24 =	simm.s32 $0x6C00;
	[tilespmem:s5+$0x10080] =	vst v30;
	v25 =	vld.idx.msk [tilespmem:v25+s29+$0x0], $0xffff  }
0x212: {  	s30 =	sld [smem:$0x7EA];
	v30 =	vld.idx.msk [tilespmem:v19+s24+$0x0], $0xffff  }
0x213: {  	s14 =	sld [smem:$0x7FC];
	[tilespmem:s9+$0xB100] =	vst v33;
	v19 =	vld [tilespmem:s9+$0x3080]  }
0x214: {  	[tilespmem:s31+$0xD000] =	vst v28;
	v26 =	vld.idx.msk [tilespmem:v26+s28+$0x0], $0xffff  }
0x215: {  	[tilespmem:s1+$0xE280] =	vst v27;
	v28 =	vld.idx.msk [tilespmem:v24+s30+$0x0], $0xffff  }
0x216: {  	s17 =	sor.u32 $0x2380, s22;
	s25 =	rddreg [dreg:$0xc];
	v31 =	vld.idx.msk [tilespmem:v23+s14+$0x0], $0xffff;
	[tilespmem:s8+$0x8100] =	vst v32  }
0x217: {  	s26 =	sld [smem:$0x7DD];
	v27 =	vld.idx.msk [tilespmem:v29+s25+$0x0], $0xffff;
	[tilespmem:s17+$0x7000] =	vst v25  }
0x218: {  	s28 =	sld [smem:$0x7EB];
	s30 =	simm.s32 $0x4C80;
	[tilespmem:s5+$0x10100] =	vst v30;
	v25 =	vld [tilespmem:s4+$0x1000]  }
0x219: {  	s29 =	sld [smem:$0x7FD];
	[tilespmem:s9+$0xB180] =	vst v26;
	v26 =	vld.idx.msk [tilespmem:v7+s30+$0x0], $0xffff  }
0x21a: {  	[tilespmem:s31+$0xD080] =	vst v28;
	v23 =	vld.idx.msk [tilespmem:v22+s26+$0x0], $0xffff  }
0x21b: {  	s6 =	simm.s32 $0x4000;
	[tilespmem:s1+$0xE300] =	vst v31;
	v28 =	vld.idx.msk [tilespmem:v24+s28+$0x0], $0xffff  }
0x21c: {  	s22 =	simm.s32 $0x300;
	s21 =	sor.u32 $0x1180, s18;
	s26 =	simm.s32 $0x60;
	v29 =	vld.idx.msk [tilespmem:v11+s29+$0x0], $0xffff  }
.LBB2_2:
0x21d: {  	[tilespmem:s21+$0x7000] =	vst v27  }
0x21e: {  	s25 =	sand.u32 $0x70, s26;
	s28 =	sand.u32 $0xC00, s22;
	v24 =	vld [tilespmem:s4+$0x1080]  }
0x21f: {  	s25 =	sor.u32 s25, s28;
	v27 =	vld [tilespmem:s8+$0x200];
	[tilespmem:s9+$0xB200] =	vst v23  }
0x220: {  	v30 =	vld [tilespmem:s25+$0x0];
	[tilespmem:s5+$0x10180] =	vst v26  }
0x221: {  	s29 =	sld [smem:$0x7ED];
	s10 =	simm.s32 $0x5C80;
	v26 =	vld.idx.msk [tilespmem:v22+s2+$0x0], $0xffff;
	[tilespmem:s31+$0xD100] =	vst v28  }
0x222: {  	s14 =	rddreg [dreg:$0x19];
	v28 =	vld.idx.msk [tilespmem:v7+s10+$0x0], $0xffff  }
0x223: {  	s30 =	sld [smem:$0x7DE];
	v31 =	vld.idx.msk [tilespmem:v25+s14+$0x0], $0xffff;
	[tilespmem:s1+$0xE380] =	vst v29  }
0x224: {  	v29 =	vld.idx.msk [tilespmem:v15+s29+$0x0], $0xffff  }
0x225: {  	s2 =	smov.u32 s3;
	s14 =	sld [smem:$0x7DF];
	s29 =	simm.s32 $0x5A80;
	v23 =	vld [tilespmem:s4+$0x1100]  }
0x226: {  	s3 =	smov.u32 s16;
	s16 =	smov.u32 s30;
	s30 =	rddreg [dreg:$0xd];
	v32 =	vld.idx.msk [tilespmem:v11+s29+$0x0], $0xffff  }
0x227: {  	v33 =	vld.idx.msk [tilespmem:v27+s30+$0x0], $0xffff;
	[tilespmem:s9+$0xB280] =	vst v26  }
0x228: {  	v22 =	vld.idx.msk [tilespmem:v22+s14+$0x0], $0xffff;
	[tilespmem:s5+$0x10200] =	vst v28  }
0x229: {  	s30 =	simm.s32 $0x6C80;
	[tilespmem:s4+$0xA000] =	vst v31  }
0x22a: {  	s24 =	smov.u32 s26;
	s28 =	sld [smem:$0x7EF];
	v26 =	vld.idx.msk [tilespmem:v7+s30+$0x0], $0xffff  }
0x22b: {  	s23 =	sadd.s32 $0x10, s26;
	p0 =	sne.s32 s26, $0x1F0;
	s26 =	rddreg [dreg:$0x1a];
	v7 =	vmov v0;
	v0 =	vmov v2;
	v2 =	vmov v19;
	v19 =	vld.idx.msk [tilespmem:v30+s6+$0x0], $0xffff;
	[tilespmem:s31+$0xD180] =	vst v29  }
0x22c: {  	v28 =	vld.idx.msk [tilespmem:v25+s26+$0x0], $0xffff;
	[tilespmem:s1+$0xF000] =	vst v32  }
0x22d: {  	s30 =	sld [smem:$0x7E0];
	s6 =	simm.s32 $0x6A80;
	v29 =	vld.idx.msk [tilespmem:v15+s28+$0x0], $0xffff;
	[tilespmem:s8+$0x8200] =	vst v33  }
0x22e: {  	s14 =	rddreg [dreg:$0xe];
	v31 =	vld.idx.msk [tilespmem:v11+s6+$0x0], $0xffff  }
0x22f: {  	v11 =	vmov v5;
	v5 =	vmov v18;
	v18 =	vld.idx.msk [tilespmem:v27+s14+$0x0], $0xffff;
	[tilespmem:s9+$0xB300] =	vst v22  }
0x230: {  	v32 =	vld.idx.msk [tilespmem:v21+s30+$0x0], $0xffff;
	[tilespmem:s5+$0x10280] =	vst v26  }
0x231: {  	s5 =	smov.u32 s1;
	s1 =	smov.u32 s31;
	[tilespmem:s25+$0x7000] =	vst v19  }
0x232: {  	s31 =	smov.u32 s9;
	s9 =	smov.u32 s4;
	v22 =	vld [tilespmem:s4+$0x1200];
	s4 =	smov.u32 s8  }
0x233: {  	s29 =	sld [smem:$0x7F1];
	s30 =	simm.s32 $0x5000;
	v19 =	vld [tilespmem:s4+$0x280];
	[tilespmem:s9+$0xA080] =	vst v28  }
0x234: {  	s14 =	rddreg [dreg:$0x1b];
	v26 =	vld.idx.msk [tilespmem:v30+s30+$0x0], $0xffff;
	[tilespmem:s1+$0xD200] =	vst v29  }
0x235: {  	v25 =	vld.idx.msk [tilespmem:v25+s14+$0x0], $0xffff;
	[tilespmem:s5+$0xF080] =	vst v31  }
0x236: {  	s14 =	sld [smem:$0x7E1];
	[tilespmem:s4+$0x8280] =	vst v18  }
0x237: {  	s10 =	rddreg [dreg:$0xf];
	v18 =	vld.idx.msk [tilespmem:v15+s29+$0x0], $0xffff  }
0x238: {  	v15 =	vmov v20;
	v20 =	vld.idx.msk [tilespmem:v27+s10+$0x0], $0xffff;
	[tilespmem:s31+$0xB380] =	vst v32  }
0x239: {  	s29 =	simm.s32 $0x4B00;
	v27 =	vld.idx.msk [tilespmem:v21+s14+$0x0], $0xffff  }
0x23a: {  	s8 =	smov.u32 s25;
	v28 =	vld.idx.msk [tilespmem:v9+s29+$0x0], $0xffff  }
0x23b: {  	s26 =	rddreg [dreg:$0x1c];
	s10 =	simm.s32 $0x6000;
	[tilespmem:s8+$0x7080] =	vst v26;
	v26 =	vld [tilespmem:s8+$0x80]  }
0x23c: {  	s30 =	sld [smem:$0x7F3];
	v29 =	vld.idx.msk [tilespmem:v30+s10+$0x0], $0xffff;
	[tilespmem:s9+$0xA100] =	vst v25  }
0x23d: {  	v25 =	vld.idx.msk [tilespmem:v24+s26+$0x0], $0xffff;
	[tilespmem:s1+$0xD280] =	vst v18  }
0x23e: {  	s29 =	sld [smem:$0x7E2];
	[tilespmem:s4+$0x8300] =	vst v20  }
0x23f: {  	s14 =	rddreg [dreg:$0x10];
	v18 =	vld.idx.msk [tilespmem:v8+s30+$0x0], $0xffff  }
0x240: {  	v20 =	vld.idx.msk [tilespmem:v19+s14+$0x0], $0xffff;
	[tilespmem:s31+$0xC000] =	vst v27  }
0x241: {  	s6 =	simm.s32 $0x5B00;
	v27 =	vld.idx.msk [tilespmem:v21+s29+$0x0], $0xffff;
	[tilespmem:s5+$0xF100] =	vst v28  }
0x242: {  	s25 =	rddreg [dreg:$0x1d];
	v28 =	vld.idx.msk [tilespmem:v9+s6+$0x0], $0xffff;
	[tilespmem:s8+$0x7100] =	vst v29  }
0x243: {  	s30 =	rddreg [dreg:$0x4];
	v21 =	vld [tilespmem:s9+$0x1280]  }
0x244: {  	s14 =	sld [smem:$0x7F5];
	v29 =	vld.idx.msk [tilespmem:v26+s30+$0x0], $0xffff;
	[tilespmem:s9+$0xA180] =	vst v25  }
0x245: {  	s28 =	sor.u32 $0x1380, s19;
	v25 =	vld.idx.msk [tilespmem:v24+s25+$0x0], $0xffff;
	[tilespmem:s1+$0xD300] =	vst v18  }
0x246: {  	s6 =	sld [smem:$0x7E3];
	[tilespmem:s28+$0x7000] =	vst v20  }
0x247: {  	s10 =	sand.u32 $0xFFFFFC00, s22;
	s30 =	rddreg [dreg:$0x11];
	v18 =	vld.idx.msk [tilespmem:v8+s14+$0x0], $0xffff  }
0x248: {  	s26 =	sadd.s32 s10, s24;
	v20 =	vld.idx.msk [tilespmem:v19+s30+$0x0], $0xffff;
	[tilespmem:s31+$0xC080] =	vst v27  }
0x249: {  	s25 =	sor.u32 $0x180, s26;
	v27 =	vld.idx.msk [tilespmem:v16+s6+$0x0], $0xffff;
	[tilespmem:s5+$0xF180] =	vst v28;
	s6 =	simm.s32 $0x6B00  }
0x24a: {  	s10 =	sld [smem:$0x7F6];
	v28 =	vld.idx.msk [tilespmem:v9+s6+$0x0], $0xffff;
	[tilespmem:s25+$0x7000] =	vst v29  }
0x24b: {  	s14 =	rddreg [dreg:$0x5];
	v9 =	vmov v4;
	v4 =	vmov v14;
	v14 =	vld [tilespmem:s4+$0x300]  }
0x24c: {  	s30 =	rddreg [dreg:$0x1e];
	v29 =	vld.idx.msk [tilespmem:v26+s14+$0x0], $0xffff;
	[tilespmem:s9+$0xA200] =	vst v25  }
0x24d: {  	v24 =	vld.idx.msk [tilespmem:v24+s30+$0x0], $0xffff;
	[tilespmem:s1+$0xD380] =	vst v18  }
0x24e: {  	s6 =	sld [smem:$0x7E4];
	[tilespmem:s4+$0x9000] =	vst v20  }
0x24f: {  	s14 =	rddreg [dreg:$0x12];
	v18 =	vld.idx.msk [tilespmem:v8+s10+$0x0], $0xffff  }
0x250: {  	v8 =	vmov v17;
	v17 =	vld.idx.msk [tilespmem:v19+s14+$0x0], $0xffff;
	s14 =	sld [smem:$0x7D3]  }
0x251: {  	[tilespmem:s31+$0xC100] =	vst v27  }
0x252: {  	v19 =	vld.idx.msk [tilespmem:v16+s6+$0x0], $0xffff;
	[tilespmem:s5+$0xF200] =	vst v28  }
0x253: {  	v25 =	vld [tilespmem:s14+$0x0];
	s14 =	smov.u32 s7;
	s7 =	sld [smem:$0x7D4];
	_ =	sdelay $0x2  }
0x254: {  	s30 =	smov.u32 s7;
	s7 =	sld [smem:$0x7D5]  }
0x255: {  	s29 =	rddreg [dreg:$0x1f]  }
0x256: {  	s10 =	rddreg [dreg:$0x6]  }
0x257: {  	v27 =	vld [tilespmem:s8+$0x100];
	[tilespmem:s8+$0x7200] =	vst v29;
	[smem:$0x7D3] =	sst s30;
	s30 =	smov.u32 s7  }
0x258: {  	v20 =	vld.idx.msk [tilespmem:v26+s10+$0x0], $0xffff;
	[tilespmem:s9+$0xA280] =	vst v24;
	[smem:$0x7D4] =	sst s30;
	s30 =	smov.u32 s17  }
0x259: {  	v24 =	vld.idx.msk [tilespmem:v23+s29+$0x0], $0xffff;
	[tilespmem:s1+$0xE000] =	vst v18;
	[smem:$0x7D5] =	sst s30  }
0x25a: {  	[tilespmem:s4+$0x9080] =	vst v17;
	s30 =	sld [smem:$0x7E5]  }
0x25b: {  	v18 =	vld [tilespmem:s14+$0x0];
	s17 =	rddreg [dreg:$0x13]  }
0x25c: {  	v17 =	vld.idx.msk [tilespmem:v14+s17+$0x0], $0xffff;
	[tilespmem:s31+$0xC180] =	vst v19  }
0x25d: {  	v19 =	vld.idx.msk [tilespmem:v16+s30+$0x0], $0xffff  }
0x25e: {  	s29 =	simm.s32 $0x4B80;
	s14 =	sld [smem:$0x7D8];
	v16 =	vld [tilespmem:s9+$0x1300];
	[tilespmem:s8+$0x7280] =	vst v20  }
0x25f: {  	s7 =	smov.u32 s15;
	s15 =	smov.u32 s11;
	s11 =	rddreg [dreg:$0x7];
	v20 =	vld.idx.msk [tilespmem:v25+s29+$0x0], $0xffff  }
0x260: {  	v26 =	vld.idx.msk [tilespmem:v27+s11+$0x0], $0xffff;
	[tilespmem:s9+$0xA300] =	vst v24  }
0x261: {  	s30 =	rddreg [dreg:$0x14];
	v28 =	vld.idx.msk [tilespmem:v23+s14+$0x0], $0xffff;
	[tilespmem:s4+$0x9100] =	vst v17  }
0x262: {  	s14 =	sld [smem:$0x7F7];
	v24 =	vld [tilespmem:s9+$0x2000]  }
0x263: {  	v17 =	vld.idx.msk [tilespmem:v14+s30+$0x0], $0xffff;
	[tilespmem:s31+$0xC200] =	vst v19  }
0x264: {  	v19 =	vld [tilespmem:s0+$0x0]  }
0x265: {  	v29 =	vld.idx.msk [tilespmem:v18+s14+$0x0], $0xffff;
	[tilespmem:s5+$0xF280] =	vst v20  }
0x266: {  	s29 =	sld [smem:$0x7D9];
	s30 =	simm.s32 $0x5B80;
	[tilespmem:s8+$0x7300] =	vst v26  }
0x267: {  	s17 =	rddreg [dreg:$0x8];
	v26 =	vld.idx.msk [tilespmem:v25+s30+$0x0], $0xffff  }
0x268: {  	s11 =	sor.u32 $0x2180, s18;
	v30 =	vld.idx.msk [tilespmem:v27+s17+$0x0], $0xffff;
	[tilespmem:s9+$0xA380] =	vst v28  }
0x269: {  	s18 =	smov.u32 s26;
	s26 =	sld [smem:$0x7E6];
	v23 =	vld.idx.msk [tilespmem:v23+s29+$0x0], $0xffff;
	[tilespmem:s11+$0x7000] =	vst v17  }
0x26a: {  	s14 =	rddreg [dreg:$0x15];
	v20 =	vld [tilespmem:s9+$0x2080]  }
0x26b: {  	v14 =	vld.idx.msk [tilespmem:v14+s14+$0x0], $0xffff  }
0x26c: {  	s24 =	sor.u32 s24, s22;
	s30 =	sld [smem:$0x7F8];
	v17 =	vld [tilespmem:s9+$0x2100];
	[tilespmem:s1+$0xE080] =	vst v29  }
0x26d: {  	s29 =	sor.u32 $0x380, s24;
	v28 =	vld.idx.msk [tilespmem:v19+s26+$0x0], $0xffff;
	[tilespmem:s5+$0xF300] =	vst v26  }
0x26e: {  	[tilespmem:s29+$0x7000] =	vst v30  }
0x26f: {  	s14 =	rddreg [dreg:$0x9];
	v26 =	vld.idx.msk [tilespmem:v18+s30+$0x0], $0xffff  }
0x270: {  	v27 =	vld.idx.msk [tilespmem:v27+s14+$0x0], $0xffff;
	[tilespmem:s9+$0xB000] =	vst v23  }
0x271: {  	s14 =	simm.s32 $0x6B80;
	v23 =	vld [tilespmem:s12+$0x0];
	[tilespmem:s4+$0x9200] =	vst v14  }
0x272: {  	s30 =	sld [smem:$0x7E7];
	v14 =	vld.idx.msk [tilespmem:v25+s14+$0x0], $0xffff  }
0x273: {  	v25 =	vld [tilespmem:s20+$0x0]  }
0x274: {  	s12 =	smov.u32 s21;
	s21 =	sld [smem:$0x7F9];
	v29 =	vld [tilespmem:s9+$0x2200];
	[tilespmem:s31+$0xC280] =	vst v28  }
0x275: {  	v28 =	vld.idx.msk [tilespmem:v19+s30+$0x0], $0xffff;
	[tilespmem:s1+$0xE100] =	vst v26  }
0x276: {  	[tilespmem:s8+$0x8000] =	vst v27  }
0x277: {  	v26 =	vld.idx.msk [tilespmem:v18+s21+$0x0], $0xffff  }
0x278: {  	s0 =	smov.u32 s13;
	s26 =	sld [smem:$0x7DA];
	v27 =	vld [tilespmem:s25+$0x0]  }
0x279: {  	s13 =	smov.u32 s28;
	s28 =	rddreg [dreg:$0x16];
	s14 =	simm.s32 $0x4C00;
	v18 =	vld [tilespmem:s9+$0x2280];
	[tilespmem:s5+$0xF380] =	vst v14  }
0x27a: {  	s20 =	smov.u32 s29;
	s29 =	sld [smem:$0x7E8];
	v31 =	vld.idx.msk [tilespmem:v1+s14+$0x0], $0xffff  }
0x27b: {  	s30 =	sld [smem:$0x7FA];
	v30 =	vld.idx.msk [tilespmem:v23+s26+$0x0], $0xffff  }
0x27c: {  	v32 =	vld.idx.msk [tilespmem:v25+s28+$0x0], $0xffff;
	[tilespmem:s31+$0xC300] =	vst v28  }
0x27d: {  	v19 =	vld.idx.msk [tilespmem:v19+s29+$0x0], $0xffff;
	[tilespmem:s1+$0xE180] =	vst v26  }
0x27e: {  	s26 =	sld [smem:$0x7DB];
	v26 =	vld.idx.msk [tilespmem:v6+s30+$0x0], $0xffff  }
0x27f: {  	s25 =	rddreg [dreg:$0xa];
	v14 =	vld [tilespmem:s9+$0x2300]  }
0x280: {  	v28 =	vld.idx.msk [tilespmem:v27+s25+$0x0], $0xffff;
	[tilespmem:s9+$0xB080] =	vst v30  }
0x281: {  	s28 =	rddreg [dreg:$0x17];
	v30 =	vld.idx.msk [tilespmem:v23+s26+$0x0], $0xffff;
	[tilespmem:s5+$0x10000] =	vst v31  }
0x282: {  	s14 =	simm.s32 $0x5C00;
	s29 =	sld [smem:$0x7E9];
	[tilespmem:s4+$0x9280] =	vst v32  }
0x283: {  	s30 =	sld [smem:$0x7FB];
	v31 =	vld.idx.msk [tilespmem:v1+s14+$0x0], $0xffff  }
0x284: {  	v32 =	vld.idx.msk [tilespmem:v25+s28+$0x0], $0xffff;
	[tilespmem:s31+$0xC380] =	vst v19  }
0x285: {  	v19 =	vld.idx.msk [tilespmem:v13+s29+$0x0], $0xffff;
	[tilespmem:s1+$0xE200] =	vst v26  }
0x286: {  	s26 =	sld [smem:$0x7DC];
	v26 =	vld.idx.msk [tilespmem:v6+s30+$0x0], $0xffff;
	[tilespmem:s8+$0x8080] =	vst v28  }
0x287: {  	s25 =	rddreg [dreg:$0xb];
	v28 =	vld [tilespmem:s9+$0x3000]  }
0x288: {  	v33 =	vld.idx.msk [tilespmem:v27+s25+$0x0], $0xffff;
	[tilespmem:s9+$0xB100] =	vst v30  }
0x289: {  	s28 =	rddreg [dreg:$0x18];
	v23 =	vld.idx.msk [tilespmem:v23+s26+$0x0], $0xffff;
	[tilespmem:s5+$0x10080] =	vst v31  }
0x28a: {  	s14 =	simm.s32 $0x6C00;
	s29 =	sld [smem:$0x7EA];
	[tilespmem:s4+$0x9300] =	vst v32  }
0x28b: {  	s30 =	sld [smem:$0x7FC];
	v30 =	vld.idx.msk [tilespmem:v1+s14+$0x0], $0xffff  }
0x28c: {  	v25 =	vld.idx.msk [tilespmem:v25+s28+$0x0], $0xffff;
	[tilespmem:s31+$0xD000] =	vst v19  }
0x28d: {  	v31 =	vld.idx.msk [tilespmem:v13+s29+$0x0], $0xffff;
	[tilespmem:s1+$0xE280] =	vst v26  }
0x28e: {  	s26 =	sld [smem:$0x7DD];
	v32 =	vld.idx.msk [tilespmem:v6+s30+$0x0], $0xffff;
	[tilespmem:s8+$0x8100] =	vst v33  }
0x28f: {  	s25 =	rddreg [dreg:$0xc];
	v19 =	vld [tilespmem:s9+$0x3080]  }
0x290: {  	v27 =	vld.idx.msk [tilespmem:v27+s25+$0x0], $0xffff;
	[tilespmem:s9+$0xB180] =	vst v23  }
0x291: {  	s17 =	sor.u32 $0x2380, s19;
	v23 =	vld.idx.msk [tilespmem:v22+s26+$0x0], $0xffff;
	[tilespmem:s5+$0x10100] =	vst v30  }
.Ltmp0:
0x292: {  	s28 =	sld [smem:$0x7EB];
	s30 =	simm.s32 $0x4C80;
	[tilespmem:s17+$0x7000] =	vst v25;
	(pc) =	sbr.rel @p0 .LBB2_2-.Ltmp0, $4  }
0x293: {  	s29 =	sld [smem:$0x7FD];
	v26 =	vld.idx.msk [tilespmem:v7+s30+$0x0], $0xffff  }
0x294: {  	v25 =	vld [tilespmem:s4+$0x1000];
	[tilespmem:s31+$0xD080] =	vst v31  }
0x295: {  	s22 =	sadd.s32 $0x80, s22;
	s6 =	simm.s32 $0x4000;
	v1 =	vmov v3;
	v3 =	vmov v10;
	v10 =	vmov v28;
	v28 =	vld.idx.msk [tilespmem:v13+s28+$0x0], $0xffff;
	[tilespmem:s1+$0xE300] =	vst v32  }
0x296: {  	s19 =	smov.u32 s24;
	s21 =	sor.u32 $0x1180, s18;
	v6 =	vmov v12;
	v12 =	vmov v29;
	s26 =	smov.u32 s23;
	v13 =	vmov v24;
	v29 =	vld.idx.msk [tilespmem:v11+s29+$0x0], $0xffff  }
0x297: {  	[tilespmem:s21+$0x7000] =	vst v27  }
0x298: {  	v24 =	vld [tilespmem:s8+$0x200];
	_ =	sdelay $0x5  }
0x299: {  	[tilespmem:s9+$0xB200] =	vst v23  }
0x29a: {  	v30 =	vld.idx.msk [tilespmem:v22+s2+$0x0], $0xffff;
	s24 =	rddreg [dreg:$0xd]  }
0x29b: {  	s10 =	rddreg [dreg:$0x19];
	v32 =	vld.idx.msk [tilespmem:v24+s24+$0x0], $0xffff  }
0x29c: {  	s22 =	sld [smem:$0x7ED]  }
0x29d: {  	s25 =	sld [smem:$0x7DF];
	v56 =	vld.idx.msk [tilespmem:v25+s10+$0x0], $0xffff  }
0x29e: {  	[tilespmem:s31+$0xD100] =	vst v28  }
0x29f: {  	v57 =	vld.idx.msk [tilespmem:v15+s22+$0x0], $0xffff;
	[tilespmem:s9+$0xB280] =	vst v30  }
0x2a0: {  	s6 =	rddreg [dreg:$0xe];
	v59 =	vld.idx.msk [tilespmem:v22+s25+$0x0], $0xffff;
	[tilespmem:s8+$0x8200] =	vst v32  }
0x2a1: {  	s26 =	rddreg [dreg:$0x1a];
	v61 =	vld.idx.msk [tilespmem:v24+s6+$0x0], $0xffff  }
0x2a2: {  	v55 =	vld [tilespmem:s4+$0x1080];
	s30 =	sld [smem:$0x7EF];
	[tilespmem:s4+$0xA000] =	vst v56  }
0x2a3: {  	[tilespmem:s1+$0xE380] =	vst v29;
	s23 =	sld [smem:$0x7E0];
	v28 =	vld.idx.msk [tilespmem:v25+s26+$0x0], $0xffff  }
0x2a4: {  	v63 =	vld [tilespmem:s8+$0x280];
	[tilespmem:s31+$0xD180] =	vst v57  }
0x2a5: {  	v29 =	vld.idx.msk [tilespmem:v15+s30+$0x0], $0xffff;
	[tilespmem:s9+$0xB300] =	vst v59  }
0x2a6: {  	v22 =	vld.idx.msk [tilespmem:v21+s23+$0x0], $0xffff;
	s30 =	rddreg [dreg:$0xf];
	[tilespmem:s8+$0x8280] =	vst v61  }
0x2a7: {  	s14 =	simm.s32 $0x5A80;
	s24 =	rddreg [dreg:$0x1b];
	v24 =	vld.idx.msk [tilespmem:v24+s30+$0x0], $0xffff  }
0x2a8: {  	v31 =	vld.idx.msk [tilespmem:v11+s14+$0x0], $0xffff;
	s26 =	sld [smem:$0x7F1];
	[tilespmem:s4+$0xA080] =	vst v28  }
0x2a9: {  	v33 =	vld.idx.msk [tilespmem:v25+s24+$0x0], $0xffff;
	s6 =	sld [smem:$0x7E1]  }
0x2aa: {  	[tilespmem:s31+$0xD200] =	vst v29  }
0x2ab: {  	v34 =	vld.idx.msk [tilespmem:v15+s26+$0x0], $0xffff;
	[tilespmem:s9+$0xB380] =	vst v22  }
0x2ac: {  	v35 =	vld.idx.msk [tilespmem:v21+s6+$0x0], $0xffff;
	s23 =	rddreg [dreg:$0x10];
	[tilespmem:s8+$0x8300] =	vst v24  }
0x2ad: {  	s25 =	simm.s32 $0x6A80;
	[tilespmem:s1+$0xF000] =	vst v31;
	s10 =	rddreg [dreg:$0x1c];
	v24 =	vld.idx.msk [tilespmem:v63+s23+$0x0], $0xffff  }
0x2ae: {  	v60 =	vld.idx.msk [tilespmem:v11+s25+$0x0], $0xffff;
	s22 =	sld [smem:$0x7F3];
	[tilespmem:s4+$0xA100] =	vst v33  }
0x2af: {  	[tilespmem:s5+$0x10180] =	vst v26;
	s6 =	simm.s32 $0x5C80;
	s24 =	sld [smem:$0x7E2];
	v25 =	vld.idx.msk [tilespmem:v55+s10+$0x0], $0xffff  }
0x2b0: {  	v26 =	vld.idx.msk [tilespmem:v7+s6+$0x0], $0xffff;
	[tilespmem:s31+$0xD280] =	vst v34  }
0x2b1: {  	v15 =	vld.idx.msk [tilespmem:v8+s22+$0x0], $0xffff;
	s22 =	sor.u32 $0x1380, s19;
	[tilespmem:s9+$0xC000] =	vst v35  }
0x2b2: {  	v11 =	vld.idx.msk [tilespmem:v21+s24+$0x0], $0xffff;
	s23 =	rddreg [dreg:$0x11];
	[tilespmem:s22+$0x7000] =	vst v24  }
0x2b3: {  	[tilespmem:s1+$0xF080] =	vst v60;
	s26 =	simm.s32 $0x4B00;
	v24 =	vld.idx.msk [tilespmem:v63+s23+$0x0], $0xffff  }
0x2b4: {  	v36 =	vld.idx.msk [tilespmem:v9+s26+$0x0], $0xffff;
	s30 =	rddreg [dreg:$0x1d];
	[tilespmem:s4+$0xA180] =	vst v25  }
0x2b5: {  	[tilespmem:s5+$0x10200] =	vst v26;
	s24 =	simm.s32 $0x6C80;
	v39 =	vld.idx.msk [tilespmem:v55+s30+$0x0], $0xffff;
	s30 =	sld [smem:$0x7E3]  }
0x2b6: {  	v38 =	vld.idx.msk [tilespmem:v7+s24+$0x0], $0xffff  }
0x2b7: {  	s10 =	sld [smem:$0x7F5];
	[tilespmem:s9+$0xC080] =	vst v11;
	v40 =	vld [tilespmem:s8+$0x300]  }
0x2b8: {  	v34 =	vld.idx.msk [tilespmem:v16+s30+$0x0], $0xffff;
	s30 =	rddreg [dreg:$0x12];
	[tilespmem:s8+$0x9000] =	vst v24  }
0x2b9: {  	[tilespmem:s31+$0xD300] =	vst v15;
	v42 =	vld.idx.msk [tilespmem:v63+s30+$0x0], $0xffff  }
0x2ba: {  	v15 =	vld.idx.msk [tilespmem:v8+s10+$0x0], $0xffff;
	_ =	sdelay $0x1  }
0x2bb: {  	[tilespmem:s1+$0xF100] =	vst v36  }
0x2bc: {  	s28 =	simm.s32 $0x5B00;
	[tilespmem:s5+$0x10280] =	vst v38  }
0x2bd: {  	v37 =	vld.idx.msk [tilespmem:v9+s28+$0x0], $0xffff;
	s10 =	rddreg [dreg:$0x13];
	[tilespmem:s8+$0x9080] =	vst v42  }
0x2be: {  	s5 =	sld [smem:$0x7F6];
	[tilespmem:s31+$0xD380] =	vst v15;
	v15 =	vld.idx.msk [tilespmem:v40+s10+$0x0], $0xffff  }
0x2bf: {  	v58 =	vld [tilespmem:s4+$0x1100]  }
0x2c0: {  	v62 =	vld [tilespmem:s4+$0x1200]  }
0x2c1: {  	v33 =	vld [tilespmem:s4+$0x1280];
	s23 =	rddreg [dreg:$0x1e];
	[tilespmem:s4+$0xA200] =	vst v39  }
0x2c2: {  	s29 =	simm.s32 $0x6B00;
	[tilespmem:s1+$0xF180] =	vst v37;
	v41 =	vld.idx.msk [tilespmem:v55+s23+$0x0], $0xffff;
	s23 =	sld [smem:$0x7E4]  }
0x2c3: {  	v7 =	vld.idx.msk [tilespmem:v9+s29+$0x0], $0xffff;
	s30 =	rddreg [dreg:$0x14];
	[tilespmem:s8+$0x9100] =	vst v15  }
0x2c4: {  	v15 =	vld.idx.msk [tilespmem:v40+s30+$0x0], $0xffff;
	_ =	sdelay $0x3  }
0x2c5: {  	s18 =	sor.u32 $0x2180, s18  }
0x2c6: {  	s10 =	rddreg [dreg:$0x15];
	[tilespmem:s18+$0x7000] =	vst v15  }
0x2c7: {  	v9 =	vld.idx.msk [tilespmem:v40+s10+$0x0], $0xffff;
	_ =	sdelay $0x4  }
0x2c8: {  	[tilespmem:s8+$0x9200] =	vst v9  }
0x2c9: {  	v9 =	vld [tilespmem:s20+$0x0];
	_ =	sdelay $0x6  }
0x2ca: {  	s20 =	rddreg [dreg:$0x16]  }
0x2cb: {  	v15 =	vld.idx.msk [tilespmem:v9+s20+$0x0], $0xffff;
	_ =	sdelay $0x4  }
0x2cc: {  	s30 =	rddreg [dreg:$0x17];
	[tilespmem:s8+$0x9280] =	vst v15  }
0x2cd: {  	v15 =	vld.idx.msk [tilespmem:v9+s30+$0x0], $0xffff;
	_ =	sdelay $0x4  }
0x2ce: {  	s10 =	rddreg [dreg:$0x18];
	[tilespmem:s8+$0x9300] =	vst v15  }
0x2cf: {  	v9 =	vld.idx.msk [tilespmem:v9+s10+$0x0], $0xffff;
	_ =	sdelay $0x3  }
0x2d0: {  	s2 =	sor.u32 $0x2380, s19  }
0x2d1: {  	[tilespmem:s2+$0x7000] =	vst v9  }
0x2d2: {  	v9 =	vld [tilespmem:s8+$0x1000];
	_ =	sdelay $0x6  }
0x2d3: {  	s20 =	rddreg [dreg:$0x19]  }
0x2d4: {  	v15 =	vld.idx.msk [tilespmem:v9+s20+$0x0], $0xffff;
	_ =	sdelay $0x4  }
0x2d5: {  	s30 =	rddreg [dreg:$0x1a];
	[tilespmem:s8+$0xA000] =	vst v15  }
0x2d6: {  	v15 =	vld.idx.msk [tilespmem:v9+s30+$0x0], $0xffff;
	_ =	sdelay $0x3  }
0x2d7: {  	v43 =	vld [tilespmem:s8+$0x1080]  }
0x2d8: {  	s19 =	rddreg [dreg:$0x1b];
	[tilespmem:s8+$0xA080] =	vst v15  }
0x2d9: {  	v9 =	vld.idx.msk [tilespmem:v9+s19+$0x0], $0xffff;
	_ =	sdelay $0x4  }
0x2da: {  	s20 =	rddreg [dreg:$0x1c];
	[tilespmem:s8+$0xA100] =	vst v9  }
0x2db: {  	v9 =	vld.idx.msk [tilespmem:v43+s20+$0x0], $0xffff;
	_ =	sdelay $0x4  }
0x2dc: {  	s30 =	rddreg [dreg:$0x1d];
	[tilespmem:s8+$0xA180] =	vst v9  }
0x2dd: {  	v9 =	vld.idx.msk [tilespmem:v43+s30+$0x0], $0xffff;
	_ =	sdelay $0x3  }
0x2de: {  	v44 =	vld [tilespmem:s8+$0x1100]  }
0x2df: {  	s19 =	rddreg [dreg:$0x1e];
	[tilespmem:s8+$0xA200] =	vst v9  }
0x2e0: {  	v9 =	vld.idx.msk [tilespmem:v43+s19+$0x0], $0xffff;
	_ =	sdelay $0x2  }
0x2e1: {  	s20 =	rddreg [dreg:$0x1f];
	[tilespmem:s4+$0xA280] =	vst v41  }
0x2e2: {  	v11 =	vld.idx.msk [tilespmem:v58+s20+$0x0], $0xffff  }
0x2e3: {  	s30 =	rddreg [dreg:$0x1f];
	[tilespmem:s8+$0xA280] =	vst v9  }
0x2e4: {  	v9 =	vld.idx.msk [tilespmem:v44+s30+$0x0], $0xffff  }
0x2e5: {  	s20 =	sld [smem:$0x7D8];
	_ =	sdelay $0x1  }
0x2e6: {  	[tilespmem:s4+$0xA300] =	vst v11;
	s30 =	sld [smem:$0x7D8]  }
0x2e7: {  	v11 =	vld.idx.msk [tilespmem:v58+s20+$0x0], $0xffff  }
0x2e8: {  	[tilespmem:s8+$0xA300] =	vst v9  }
0x2e9: {  	v9 =	vld.idx.msk [tilespmem:v44+s30+$0x0], $0xffff  }
0x2ea: {  	s20 =	sld [smem:$0x7D9];
	_ =	sdelay $0x1  }
0x2eb: {  	[tilespmem:s4+$0xA380] =	vst v11;
	s30 =	sld [smem:$0x7D9]  }
0x2ec: {  	v11 =	vld.idx.msk [tilespmem:v58+s20+$0x0], $0xffff  }
0x2ed: {  	[tilespmem:s8+$0xA380] =	vst v9  }
0x2ee: {  	v9 =	vld.idx.msk [tilespmem:v44+s30+$0x0], $0xffff;
	_ =	sdelay $0x2  }
0x2ef: {  	[tilespmem:s4+$0xB000] =	vst v11  }
0x2f0: {  	v11 =	vld [tilespmem:s12+$0x0]  }
0x2f1: {  	[tilespmem:s8+$0xB000] =	vst v9  }
0x2f2: {  	v9 =	vld [tilespmem:s21+$0x0];
	_ =	sdelay $0x2  }
0x2f3: {  	s19 =	sld [smem:$0x7DA];
	_ =	sdelay $0x1  }
0x2f4: {  	s20 =	sld [smem:$0x7DA]  }
0x2f5: {  	v49 =	vld.idx.msk [tilespmem:v11+s19+$0x0], $0xffff;
	_ =	sdelay $0x1  }
0x2f6: {  	v50 =	vld.idx.msk [tilespmem:v9+s20+$0x0], $0xffff  }
0x2f7: {  	s21 =	sld [smem:$0x7DB];
	_ =	sdelay $0x1  }
0x2f8: {  	s30 =	sld [smem:$0x7DB];
	[tilespmem:s4+$0xB080] =	vst v49  }
0x2f9: {  	v41 =	vld.idx.msk [tilespmem:v11+s21+$0x0], $0xffff  }
0x2fa: {  	[tilespmem:s8+$0xB080] =	vst v50  }
0x2fb: {  	v42 =	vld.idx.msk [tilespmem:v9+s30+$0x0], $0xffff  }
0x2fc: {  	s19 =	sld [smem:$0x7DC];
	_ =	sdelay $0x1  }
0x2fd: {  	v37 =	vld [tilespmem:s8+$0x1200];
	[tilespmem:s4+$0xB100] =	vst v41;
	s20 =	sld [smem:$0x7DC]  }
0x2fe: {  	v11 =	vld.idx.msk [tilespmem:v11+s19+$0x0], $0xffff  }
0x2ff: {  	[tilespmem:s8+$0xB100] =	vst v42  }
0x300: {  	v55 =	vld.idx.msk [tilespmem:v9+s20+$0x0], $0xffff  }
0x301: {  	s21 =	sld [smem:$0x7DD];
	_ =	sdelay $0x1  }
0x302: {  	[tilespmem:s4+$0xB180] =	vst v11;
	s30 =	sld [smem:$0x7DD]  }
0x303: {  	v56 =	vld.idx.msk [tilespmem:v62+s21+$0x0], $0xffff  }
0x304: {  	[tilespmem:s8+$0xB180] =	vst v55  }
0x305: {  	v41 =	vld.idx.msk [tilespmem:v37+s30+$0x0], $0xffff;
	_ =	sdelay $0x2  }
0x306: {  	[tilespmem:s4+$0xB200] =	vst v56  }
0x307: {  	v42 =	vld.idx.msk [tilespmem:v62+s3+$0x0], $0xffff  }
0x308: {  	[tilespmem:s8+$0xB200] =	vst v41  }
0x309: {  	v41 =	vld.idx.msk [tilespmem:v37+s16+$0x0], $0xffff  }
0x30a: {  	s12 =	sld [smem:$0x7DF];
	_ =	sdelay $0x1  }
0x30b: {  	v38 =	vld [tilespmem:s8+$0x1280];
	[tilespmem:s4+$0xB280] =	vst v42;
	s16 =	sld [smem:$0x7DF]  }
0x30c: {  	v30 =	vld.idx.msk [tilespmem:v62+s12+$0x0], $0xffff  }
0x30d: {  	[tilespmem:s8+$0xB280] =	vst v41  }
0x30e: {  	v37 =	vld.idx.msk [tilespmem:v37+s16+$0x0], $0xffff  }
0x30f: {  	s19 =	sld [smem:$0x7E0];
	_ =	sdelay $0x1  }
0x310: {  	[tilespmem:s4+$0xB300] =	vst v30;
	s20 =	sld [smem:$0x7E0]  }
0x311: {  	v30 =	vld.idx.msk [tilespmem:v33+s19+$0x0], $0xffff  }
0x312: {  	[tilespmem:s8+$0xB300] =	vst v37  }
0x313: {  	v37 =	vld.idx.msk [tilespmem:v38+s20+$0x0], $0xffff  }
0x314: {  	s21 =	sld [smem:$0x7E1];
	_ =	sdelay $0x1  }
0x315: {  	[tilespmem:s4+$0xB380] =	vst v30;
	s30 =	sld [smem:$0x7E1]  }
0x316: {  	v30 =	vld.idx.msk [tilespmem:v33+s21+$0x0], $0xffff  }
0x317: {  	[tilespmem:s8+$0xB380] =	vst v37  }
0x318: {  	v37 =	vld.idx.msk [tilespmem:v38+s30+$0x0], $0xffff  }
0x319: {  	s12 =	sld [smem:$0x7E2]  }
0x31a: {  	v39 =	vld [tilespmem:s4+$0x1300]  }
0x31b: {  	v40 =	vld [tilespmem:s8+$0x1300];
	[tilespmem:s4+$0xC000] =	vst v30;
	s16 =	sld [smem:$0x7E2]  }
0x31c: {  	v30 =	vld.idx.msk [tilespmem:v33+s12+$0x0], $0xffff  }
0x31d: {  	[tilespmem:s8+$0xC000] =	vst v37  }
0x31e: {  	v57 =	vld.idx.msk [tilespmem:v38+s16+$0x0], $0xffff  }
0x31f: {  	s19 =	sld [smem:$0x7E3];
	_ =	sdelay $0x1  }
0x320: {  	[tilespmem:s4+$0xC080] =	vst v30;
	s20 =	sld [smem:$0x7E3]  }
0x321: {  	v30 =	vld.idx.msk [tilespmem:v39+s19+$0x0], $0xffff  }
0x322: {  	[tilespmem:s8+$0xC080] =	vst v57  }
0x323: {  	v33 =	vld.idx.msk [tilespmem:v40+s20+$0x0], $0xffff  }
0x324: {  	s21 =	sld [smem:$0x7E4]  }
0x325: {  	[tilespmem:s9+$0xC100] =	vst v34  }
0x326: {  	v34 =	vld.idx.msk [tilespmem:v16+s23+$0x0], $0xffff;
	[tilespmem:s4+$0xC100] =	vst v30;
	s30 =	sld [smem:$0x7E4]  }
0x327: {  	v30 =	vld.idx.msk [tilespmem:v39+s21+$0x0], $0xffff  }
0x328: {  	[tilespmem:s8+$0xC100] =	vst v33  }
0x329: {  	s10 =	sld [smem:$0x7E5];
	v33 =	vld.idx.msk [tilespmem:v40+s30+$0x0], $0xffff  }
0x32a: {  	s12 =	sld [smem:$0x7E5]  }
0x32b: {  	[tilespmem:s9+$0xC180] =	vst v34  }
0x32c: {  	v58 =	vld.idx.msk [tilespmem:v16+s10+$0x0], $0xffff;
	[tilespmem:s4+$0xC180] =	vst v30;
	s16 =	sld [smem:$0x7E5]  }
0x32d: {  	v30 =	vld.idx.msk [tilespmem:v39+s12+$0x0], $0xffff  }
0x32e: {  	[tilespmem:s8+$0xC180] =	vst v33  }
0x32f: {  	v33 =	vld.idx.msk [tilespmem:v40+s16+$0x0], $0xffff;
	_ =	sdelay $0x1  }
0x330: {  	[tilespmem:s9+$0xC200] =	vst v58  }
0x331: {  	v16 =	vld [tilespmem:s0+$0x0];
	[tilespmem:s4+$0xC200] =	vst v30  }
0x332: {  	v30 =	vld [tilespmem:s13+$0x0]  }
0x333: {  	[tilespmem:s8+$0xC200] =	vst v33  }
0x334: {  	v33 =	vld [tilespmem:s22+$0x0];
	_ =	sdelay $0x1  }
0x335: {  	s19 =	sld [smem:$0x7E6]  }
0x336: {  	s20 =	sld [smem:$0x7E6];
	_ =	sdelay $0x1  }
0x337: {  	v34 =	vld.idx.msk [tilespmem:v16+s19+$0x0], $0xffff;
	s21 =	sld [smem:$0x7E6]  }
0x338: {  	v59 =	vld.idx.msk [tilespmem:v30+s20+$0x0], $0xffff;
	_ =	sdelay $0x1  }
0x339: {  	s22 =	sld [smem:$0x7E7];
	v60 =	vld.idx.msk [tilespmem:v33+s21+$0x0], $0xffff  }
0x33a: {  	s23 =	sld [smem:$0x7E7]  }
0x33b: {  	[tilespmem:s9+$0xC280] =	vst v34  }
0x33c: {  	s30 =	sld [smem:$0x7E7];
	[tilespmem:s4+$0xC280] =	vst v59;
	v34 =	vld.idx.msk [tilespmem:v16+s22+$0x0], $0xffff  }
0x33d: {  	v37 =	vld.idx.msk [tilespmem:v30+s23+$0x0], $0xffff  }
0x33e: {  	[tilespmem:s8+$0xC280] =	vst v60  }
0x33f: {  	s12 =	sld [smem:$0x7E8];
	v38 =	vld.idx.msk [tilespmem:v33+s30+$0x0], $0xffff  }
0x340: {  	v35 =	vld [tilespmem:s4+$0x2000];
	s13 =	sld [smem:$0x7E8]  }
0x341: {  	v36 =	vld [tilespmem:s8+$0x2000];
	[tilespmem:s9+$0xC300] =	vst v34  }
0x342: {  	[tilespmem:s4+$0xC300] =	vst v37;
	v16 =	vld.idx.msk [tilespmem:v16+s12+$0x0], $0xffff;
	s16 =	sld [smem:$0x7E8]  }
0x343: {  	v30 =	vld.idx.msk [tilespmem:v30+s13+$0x0], $0xffff  }
0x344: {  	[tilespmem:s8+$0xC300] =	vst v38  }
0x345: {  	s19 =	sld [smem:$0x7E9];
	v33 =	vld.idx.msk [tilespmem:v33+s16+$0x0], $0xffff  }
0x346: {  	s20 =	sld [smem:$0x7E9]  }
0x347: {  	[tilespmem:s9+$0xC380] =	vst v16  }
0x348: {  	[tilespmem:s4+$0xC380] =	vst v30;
	v16 =	vld.idx.msk [tilespmem:v13+s19+$0x0], $0xffff;
	s21 =	sld [smem:$0x7E9]  }
0x349: {  	v30 =	vld.idx.msk [tilespmem:v35+s20+$0x0], $0xffff  }
0x34a: {  	[tilespmem:s8+$0xC380] =	vst v33  }
0x34b: {  	s22 =	sld [smem:$0x7EA];
	v33 =	vld.idx.msk [tilespmem:v36+s21+$0x0], $0xffff  }
0x34c: {  	s23 =	sld [smem:$0x7EA]  }
0x34d: {  	[tilespmem:s9+$0xD000] =	vst v16  }
0x34e: {  	[tilespmem:s4+$0xD000] =	vst v30;
	v16 =	vld.idx.msk [tilespmem:v13+s22+$0x0], $0xffff;
	s30 =	sld [smem:$0x7EA]  }
0x34f: {  	v30 =	vld.idx.msk [tilespmem:v35+s23+$0x0], $0xffff  }
0x350: {  	[tilespmem:s8+$0xD000] =	vst v33  }
0x351: {  	s12 =	sld [smem:$0x7EB];
	v33 =	vld.idx.msk [tilespmem:v36+s30+$0x0], $0xffff  }
0x352: {  	v32 =	vld [tilespmem:s4+$0x2080];
	s13 =	sld [smem:$0x7EB]  }
0x353: {  	v45 =	vld [tilespmem:s8+$0x2080];
	[tilespmem:s9+$0xD080] =	vst v16  }
0x354: {  	[tilespmem:s4+$0xD080] =	vst v30;
	v61 =	vld.idx.msk [tilespmem:v13+s12+$0x0], $0xffff;
	s16 =	sld [smem:$0x7EB]  }
0x355: {  	v62 =	vld.idx.msk [tilespmem:v35+s13+$0x0], $0xffff  }
0x356: {  	[tilespmem:s8+$0xD080] =	vst v33  }
0x357: {  	s19 =	sld [smem:$0x7ED];
	v63 =	vld.idx.msk [tilespmem:v36+s16+$0x0], $0xffff  }
0x358: {  	s20 =	sld [smem:$0x7ED]  }
0x359: {  	[tilespmem:s9+$0xD100] =	vst v61  }
0x35a: {  	[tilespmem:s4+$0xD100] =	vst v62;
	v13 =	vld.idx.msk [tilespmem:v20+s19+$0x0], $0xffff;
	s21 =	sld [smem:$0x7ED]  }
0x35b: {  	v16 =	vld.idx.msk [tilespmem:v32+s20+$0x0], $0xffff  }
0x35c: {  	[tilespmem:s8+$0xD100] =	vst v63  }
0x35d: {  	s22 =	sld [smem:$0x7EF];
	v30 =	vld.idx.msk [tilespmem:v45+s21+$0x0], $0xffff  }
0x35e: {  	s23 =	sld [smem:$0x7EF]  }
0x35f: {  	[tilespmem:s9+$0xD180] =	vst v13  }
0x360: {  	[tilespmem:s4+$0xD180] =	vst v16;
	v13 =	vld.idx.msk [tilespmem:v20+s22+$0x0], $0xffff;
	s30 =	sld [smem:$0x7EF]  }
0x361: {  	v16 =	vld.idx.msk [tilespmem:v32+s23+$0x0], $0xffff  }
0x362: {  	[tilespmem:s8+$0xD180] =	vst v30  }
0x363: {  	s12 =	sld [smem:$0x7F1];
	v30 =	vld.idx.msk [tilespmem:v45+s30+$0x0], $0xffff  }
0x364: {  	v28 =	vld [tilespmem:s4+$0x2100];
	s13 =	sld [smem:$0x7F1]  }
0x365: {  	v46 =	vld [tilespmem:s8+$0x2100];
	[tilespmem:s9+$0xD200] =	vst v13  }
0x366: {  	[tilespmem:s4+$0xD200] =	vst v16;
	v13 =	vld.idx.msk [tilespmem:v20+s12+$0x0], $0xffff;
	s16 =	sld [smem:$0x7F1]  }
0x367: {  	v16 =	vld.idx.msk [tilespmem:v32+s13+$0x0], $0xffff  }
0x368: {  	[tilespmem:s8+$0xD200] =	vst v30  }
0x369: {  	s19 =	sld [smem:$0x7F3];
	v33 =	vld.idx.msk [tilespmem:v45+s16+$0x0], $0xffff  }
0x36a: {  	s20 =	sld [smem:$0x7F3]  }
0x36b: {  	[tilespmem:s9+$0xD280] =	vst v13  }
0x36c: {  	[tilespmem:s4+$0xD280] =	vst v16;
	v13 =	vld.idx.msk [tilespmem:v17+s19+$0x0], $0xffff;
	s21 =	sld [smem:$0x7F3]  }
0x36d: {  	v16 =	vld.idx.msk [tilespmem:v28+s20+$0x0], $0xffff  }
0x36e: {  	[tilespmem:s8+$0xD280] =	vst v33  }
0x36f: {  	s22 =	sld [smem:$0x7F5];
	v20 =	vld.idx.msk [tilespmem:v46+s21+$0x0], $0xffff  }
0x370: {  	s23 =	sld [smem:$0x7F5]  }
0x371: {  	[tilespmem:s9+$0xD300] =	vst v13  }
0x372: {  	[tilespmem:s4+$0xD300] =	vst v16;
	v13 =	vld.idx.msk [tilespmem:v17+s22+$0x0], $0xffff;
	s30 =	sld [smem:$0x7F5]  }
0x373: {  	v16 =	vld.idx.msk [tilespmem:v28+s23+$0x0], $0xffff  }
0x374: {  	[tilespmem:s8+$0xD300] =	vst v20  }
0x375: {  	s10 =	sld [smem:$0x7F6];
	v20 =	vld.idx.msk [tilespmem:v46+s30+$0x0], $0xffff  }
0x376: {  	s12 =	sld [smem:$0x7F6]  }
0x377: {  	v34 =	vld.idx.msk [tilespmem:v8+s5+$0x0], $0xffff;
	[tilespmem:s9+$0xD380] =	vst v13  }
0x378: {  	[tilespmem:s4+$0xD380] =	vst v16;
	v13 =	vld.idx.msk [tilespmem:v17+s10+$0x0], $0xffff;
	s13 =	sld [smem:$0x7F6]  }
0x379: {  	v16 =	vld.idx.msk [tilespmem:v28+s12+$0x0], $0xffff  }
0x37a: {  	[tilespmem:s8+$0xD380] =	vst v20  }
0x37b: {  	v35 =	vld.idx.msk [tilespmem:v46+s13+$0x0], $0xffff  }
0x37c: {  	[tilespmem:s31+$0xE000] =	vst v34  }
0x37d: {  	v8 =	vld [tilespmem:s7+$0x0];
	[tilespmem:s9+$0xE000] =	vst v13  }
0x37e: {  	[tilespmem:s4+$0xE000] =	vst v16;
	v13 =	vld [tilespmem:s15+$0x0]  }
0x37f: {  	v16 =	vld [tilespmem:s11+$0x0]  }
0x380: {  	[tilespmem:s8+$0xE000] =	vst v35  }
0x381: {  	v17 =	vld [tilespmem:s18+$0x0]  }
0x382: {  	s16 =	sld [smem:$0x7F7]  }
0x383: {  	s18 =	sld [smem:$0x7F7]  }
0x384: {  	s19 =	sld [smem:$0x7F7]  }
0x385: {  	v36 =	vld.idx.msk [tilespmem:v8+s16+$0x0], $0xffff  }
0x386: {  	s20 =	sld [smem:$0x7F7];
	v37 =	vld.idx.msk [tilespmem:v13+s18+$0x0], $0xffff  }
0x387: {  	v38 =	vld.idx.msk [tilespmem:v16+s19+$0x0], $0xffff  }
0x388: {  	s21 =	sld [smem:$0x7F8]  }
0x389: {  	s22 =	sld [smem:$0x7F8];
	v30 =	vld.idx.msk [tilespmem:v17+s20+$0x0], $0xffff  }
0x38a: {  	[tilespmem:s31+$0xE080] =	vst v36;
	s23 =	sld [smem:$0x7F8]  }
0x38b: {  	v20 =	vld.idx.msk [tilespmem:v8+s21+$0x0], $0xffff;
	[tilespmem:s9+$0xE080] =	vst v37  }
0x38c: {  	s30 =	sld [smem:$0x7F8];
	[tilespmem:s4+$0xE080] =	vst v38;
	v28 =	vld.idx.msk [tilespmem:v13+s22+$0x0], $0xffff  }
0x38d: {  	v29 =	vld.idx.msk [tilespmem:v16+s23+$0x0], $0xffff  }
0x38e: {  	v47 =	vld [tilespmem:s4+$0x2200];
	s5 =	sld [smem:$0x7F9];
	[tilespmem:s8+$0xE080] =	vst v30  }
0x38f: {  	s7 =	sld [smem:$0x7F9];
	v30 =	vld.idx.msk [tilespmem:v17+s30+$0x0], $0xffff  }
0x390: {  	v52 =	vld [tilespmem:s8+$0x2200];
	[tilespmem:s31+$0xE100] =	vst v20;
	s10 =	sld [smem:$0x7F9]  }
0x391: {  	v8 =	vld.idx.msk [tilespmem:v8+s5+$0x0], $0xffff;
	[tilespmem:s9+$0xE100] =	vst v28  }
0x392: {  	[tilespmem:s4+$0xE100] =	vst v29;
	s11 =	sld [smem:$0x7F9];
	v13 =	vld.idx.msk [tilespmem:v13+s7+$0x0], $0xffff  }
0x393: {  	v16 =	vld.idx.msk [tilespmem:v16+s10+$0x0], $0xffff  }
0x394: {  	s12 =	sld [smem:$0x7FA];
	[tilespmem:s8+$0xE100] =	vst v30  }
0x395: {  	s13 =	sld [smem:$0x7FA];
	v17 =	vld.idx.msk [tilespmem:v17+s11+$0x0], $0xffff  }
0x396: {  	[tilespmem:s31+$0xE180] =	vst v8;
	s15 =	sld [smem:$0x7FA]  }
0x397: {  	v8 =	vld.idx.msk [tilespmem:v6+s12+$0x0], $0xffff;
	[tilespmem:s9+$0xE180] =	vst v13  }
0x398: {  	[tilespmem:s4+$0xE180] =	vst v16;
	s16 =	sld [smem:$0x7FA];
	v13 =	vld.idx.msk [tilespmem:v12+s13+$0x0], $0xffff  }
0x399: {  	v16 =	vld.idx.msk [tilespmem:v47+s15+$0x0], $0xffff  }
0x39a: {  	s18 =	sld [smem:$0x7FB];
	[tilespmem:s8+$0xE180] =	vst v17  }
0x39b: {  	s19 =	sld [smem:$0x7FB];
	v17 =	vld.idx.msk [tilespmem:v52+s16+$0x0], $0xffff  }
0x39c: {  	v48 =	vld [tilespmem:s4+$0x2280];
	[tilespmem:s31+$0xE200] =	vst v8;
	s20 =	sld [smem:$0x7FB]  }
0x39d: {  	v8 =	vld.idx.msk [tilespmem:v6+s18+$0x0], $0xffff;
	[tilespmem:s9+$0xE200] =	vst v13  }
0x39e: {  	[tilespmem:s4+$0xE200] =	vst v16;
	s21 =	sld [smem:$0x7FB];
	v13 =	vld.idx.msk [tilespmem:v12+s19+$0x0], $0xffff  }
0x39f: {  	v16 =	vld.idx.msk [tilespmem:v47+s20+$0x0], $0xffff  }
0x3a0: {  	v51 =	vld [tilespmem:s4+$0x2300];
	s22 =	sld [smem:$0x7FC];
	[tilespmem:s8+$0xE200] =	vst v17  }
0x3a1: {  	s23 =	sld [smem:$0x7FC];
	v17 =	vld.idx.msk [tilespmem:v52+s21+$0x0], $0xffff  }
0x3a2: {  	v53 =	vld [tilespmem:s8+$0x2280];
	[tilespmem:s31+$0xE280] =	vst v8;
	s30 =	sld [smem:$0x7FC]  }
0x3a3: {  	v39 =	vld.idx.msk [tilespmem:v6+s22+$0x0], $0xffff;
	[tilespmem:s9+$0xE280] =	vst v13  }
0x3a4: {  	[tilespmem:s4+$0xE280] =	vst v16;
	s7 =	sld [smem:$0x7FC];
	v40 =	vld.idx.msk [tilespmem:v12+s23+$0x0], $0xffff  }
0x3a5: {  	v41 =	vld.idx.msk [tilespmem:v47+s30+$0x0], $0xffff  }
0x3a6: {  	v54 =	vld [tilespmem:s8+$0x2300];
	s10 =	sld [smem:$0x7FD];
	[tilespmem:s8+$0xE280] =	vst v17  }
0x3a7: {  	s11 =	sld [smem:$0x7FD];
	v42 =	vld.idx.msk [tilespmem:v52+s7+$0x0], $0xffff  }
0x3a8: {  	v15 =	vld [tilespmem:s4+$0x3000];
	[tilespmem:s31+$0xE300] =	vst v39;
	s12 =	sld [smem:$0x7FD]  }
0x3a9: {  	v6 =	vld.idx.msk [tilespmem:v5+s10+$0x0], $0xffff;
	[tilespmem:s9+$0xE300] =	vst v40  }
0x3aa: {  	[tilespmem:s4+$0xE300] =	vst v41;
	s13 =	sld [smem:$0x7FD];
	v8 =	vld.idx.msk [tilespmem:v18+s11+$0x0], $0xffff  }
0x3ab: {  	v12 =	vld.idx.msk [tilespmem:v48+s12+$0x0], $0xffff  }
0x3ac: {  	v21 =	vld [tilespmem:s8+$0x3000];
	[tilespmem:s8+$0xE300] =	vst v42  }
0x3ad: {  	v13 =	vld.idx.msk [tilespmem:v53+s13+$0x0], $0xffff  }
0x3ae: {  	v9 =	vld [tilespmem:s4+$0x3080];
	[tilespmem:s31+$0xE380] =	vst v6  }
0x3af: {  	v6 =	vld.idx.msk [tilespmem:v5+s14+$0x0], $0xffff;
	[tilespmem:s9+$0xE380] =	vst v8  }
0x3b0: {  	[tilespmem:s4+$0xE380] =	vst v12;
	v8 =	vld.idx.msk [tilespmem:v18+s14+$0x0], $0xffff  }
0x3b1: {  	v12 =	vld.idx.msk [tilespmem:v48+s14+$0x0], $0xffff  }
0x3b2: {  	v11 =	vld [tilespmem:s8+$0x3080];
	[tilespmem:s8+$0xE380] =	vst v13  }
0x3b3: {  	v13 =	vld.idx.msk [tilespmem:v53+s14+$0x0], $0xffff  }
0x3b4: {  	[tilespmem:s31+$0xF000] =	vst v6  }
0x3b5: {  	v43 =	vld.idx.msk [tilespmem:v5+s25+$0x0], $0xffff;
	[tilespmem:s9+$0xF000] =	vst v8  }
0x3b6: {  	[tilespmem:s4+$0xF000] =	vst v12;
	v44 =	vld.idx.msk [tilespmem:v18+s25+$0x0], $0xffff  }
0x3b7: {  	v45 =	vld.idx.msk [tilespmem:v48+s25+$0x0], $0xffff  }
0x3b8: {  	[tilespmem:s8+$0xF000] =	vst v13  }
0x3b9: {  	v46 =	vld.idx.msk [tilespmem:v53+s25+$0x0], $0xffff  }
0x3ba: {  	[tilespmem:s31+$0xF080] =	vst v43  }
0x3bb: {  	v5 =	vld.idx.msk [tilespmem:v4+s26+$0x0], $0xffff;
	[tilespmem:s9+$0xF080] =	vst v44  }
0x3bc: {  	[tilespmem:s4+$0xF080] =	vst v45;
	v6 =	vld.idx.msk [tilespmem:v14+s26+$0x0], $0xffff  }
0x3bd: {  	v8 =	vld.idx.msk [tilespmem:v51+s26+$0x0], $0xffff  }
0x3be: {  	[tilespmem:s8+$0xF080] =	vst v46  }
0x3bf: {  	v12 =	vld.idx.msk [tilespmem:v54+s26+$0x0], $0xffff  }
0x3c0: {  	[tilespmem:s31+$0xF100] =	vst v5  }
0x3c1: {  	v5 =	vld.idx.msk [tilespmem:v4+s28+$0x0], $0xffff;
	[tilespmem:s9+$0xF100] =	vst v6  }
0x3c2: {  	[tilespmem:s4+$0xF100] =	vst v8;
	v6 =	vld.idx.msk [tilespmem:v14+s28+$0x0], $0xffff  }
0x3c3: {  	v8 =	vld.idx.msk [tilespmem:v51+s28+$0x0], $0xffff  }
0x3c4: {  	[tilespmem:s8+$0xF100] =	vst v12  }
0x3c5: {  	v12 =	vld.idx.msk [tilespmem:v54+s28+$0x0], $0xffff  }
0x3c6: {  	[tilespmem:s31+$0xF180] =	vst v5  }
0x3c7: {  	v47 =	vld.idx.msk [tilespmem:v4+s29+$0x0], $0xffff;
	[tilespmem:s9+$0xF180] =	vst v6  }
0x3c8: {  	[tilespmem:s4+$0xF180] =	vst v8;
	v48 =	vld.idx.msk [tilespmem:v14+s29+$0x0], $0xffff  }
0x3c9: {  	[tilespmem:s1+$0xF200] =	vst v7;
	v49 =	vld.idx.msk [tilespmem:v51+s29+$0x0], $0xffff  }
0x3ca: {  	[tilespmem:s8+$0xF180] =	vst v12  }
0x3cb: {  	s14 =	sld [smem:$0x7D3]  }
0x3cc: {  	v50 =	vld.idx.msk [tilespmem:v54+s29+$0x0], $0xffff;
	[tilespmem:s31+$0xF200] =	vst v47  }
0x3cd: {  	s15 =	sld [smem:$0x7D4];
	[tilespmem:s9+$0xF200] =	vst v48  }
0x3ce: {  	s16 =	sld [smem:$0x7D5];
	[tilespmem:s4+$0xF200] =	vst v49;
	v7 =	vld [tilespmem:s14+$0x0]  }
0x3cf: {  	v6 =	vld [tilespmem:s17+$0x0]  }
0x3d0: {  	v4 =	vld [tilespmem:s15+$0x0]  }
0x3d1: {  	v5 =	vld [tilespmem:s16+$0x0];
	[tilespmem:s8+$0xF200] =	vst v50  }
0x3d2: {  	v8 =	vld [tilespmem:s2+$0x0];
	_ =	sdelay $0x2  }
0x3d3: {  	s17 =	simm.s32 $0x4B80  }
0x3d4: {  	v51 =	vld.idx.msk [tilespmem:v7+s17+$0x0], $0xffff  }
0x3d5: {  	v16 =	vld.idx.msk [tilespmem:v6+s17+$0x0], $0xffff  }
0x3d6: {  	v52 =	vld.idx.msk [tilespmem:v4+s17+$0x0], $0xffff  }
0x3d7: {  	v53 =	vld.idx.msk [tilespmem:v5+s17+$0x0], $0xffff  }
0x3d8: {  	v17 =	vld.idx.msk [tilespmem:v8+s17+$0x0], $0xffff  }
0x3d9: {  	s18 =	simm.s32 $0x5B80;
	[tilespmem:s1+$0xF280] =	vst v51  }
0x3da: {  	[tilespmem:s4+$0xF280] =	vst v16;
	v12 =	vld.idx.msk [tilespmem:v7+s18+$0x0], $0xffff  }
0x3db: {  	[tilespmem:s31+$0xF280] =	vst v52;
	v16 =	vld.idx.msk [tilespmem:v6+s18+$0x0], $0xffff  }
0x3dc: {  	v13 =	vld.idx.msk [tilespmem:v4+s18+$0x0], $0xffff;
	[tilespmem:s9+$0xF280] =	vst v53  }
0x3dd: {  	v14 =	vld.idx.msk [tilespmem:v5+s18+$0x0], $0xffff;
	[tilespmem:s8+$0xF280] =	vst v17  }
0x3de: {  	v17 =	vld.idx.msk [tilespmem:v8+s18+$0x0], $0xffff  }
0x3df: {  	s19 =	simm.s32 $0x6B80;
	[tilespmem:s1+$0xF300] =	vst v12  }
0x3e0: {  	[tilespmem:s4+$0xF300] =	vst v16;
	v7 =	vld.idx.msk [tilespmem:v7+s19+$0x0], $0xffff  }
0x3e1: {  	[tilespmem:s31+$0xF300] =	vst v13;
	v6 =	vld.idx.msk [tilespmem:v6+s19+$0x0], $0xffff  }
0x3e2: {  	v4 =	vld.idx.msk [tilespmem:v4+s19+$0x0], $0xffff;
	[tilespmem:s9+$0xF300] =	vst v14  }
0x3e3: {  	v5 =	vld.idx.msk [tilespmem:v5+s19+$0x0], $0xffff;
	[tilespmem:s8+$0xF300] =	vst v17  }
0x3e4: {  	v8 =	vld.idx.msk [tilespmem:v8+s19+$0x0], $0xffff  }
0x3e5: {  	s20 =	simm.s32 $0x4C00;
	[tilespmem:s1+$0xF380] =	vst v7  }
0x3e6: {  	[tilespmem:s4+$0xF380] =	vst v6;
	v7 =	vld.idx.msk [tilespmem:v1+s20+$0x0], $0xffff  }
0x3e7: {  	[tilespmem:s31+$0xF380] =	vst v4;
	v6 =	vld.idx.msk [tilespmem:v15+s20+$0x0], $0xffff  }
0x3e8: {  	v4 =	vld.idx.msk [tilespmem:v3+s20+$0x0], $0xffff;
	[tilespmem:s9+$0xF380] =	vst v5  }
0x3e9: {  	v5 =	vld.idx.msk [tilespmem:v10+s20+$0x0], $0xffff;
	[tilespmem:s8+$0xF380] =	vst v8  }
0x3ea: {  	v8 =	vld.idx.msk [tilespmem:v21+s20+$0x0], $0xffff  }
0x3eb: {  	s21 =	simm.s32 $0x5C00;
	[tilespmem:s1+$0x10000] =	vst v7  }
0x3ec: {  	[tilespmem:s4+$0x10000] =	vst v6;
	v7 =	vld.idx.msk [tilespmem:v1+s21+$0x0], $0xffff  }
0x3ed: {  	[tilespmem:s31+$0x10000] =	vst v4;
	v6 =	vld.idx.msk [tilespmem:v15+s21+$0x0], $0xffff  }
0x3ee: {  	v4 =	vld.idx.msk [tilespmem:v3+s21+$0x0], $0xffff;
	[tilespmem:s9+$0x10000] =	vst v5  }
0x3ef: {  	v5 =	vld.idx.msk [tilespmem:v10+s21+$0x0], $0xffff;
	[tilespmem:s8+$0x10000] =	vst v8  }
0x3f0: {  	v8 =	vld.idx.msk [tilespmem:v21+s21+$0x0], $0xffff  }
0x3f1: {  	s22 =	simm.s32 $0x6C00;
	[tilespmem:s1+$0x10080] =	vst v7  }
0x3f2: {  	[tilespmem:s4+$0x10080] =	vst v6;
	v54 =	vld.idx.msk [tilespmem:v1+s22+$0x0], $0xffff  }
0x3f3: {  	[tilespmem:s31+$0x10080] =	vst v4;
	v57 =	vld.idx.msk [tilespmem:v15+s22+$0x0], $0xffff  }
0x3f4: {  	v55 =	vld.idx.msk [tilespmem:v3+s22+$0x0], $0xffff;
	[tilespmem:s9+$0x10080] =	vst v5  }
0x3f5: {  	v56 =	vld.idx.msk [tilespmem:v10+s22+$0x0], $0xffff;
	[tilespmem:s8+$0x10080] =	vst v8  }
0x3f6: {  	v58 =	vld.idx.msk [tilespmem:v21+s22+$0x0], $0xffff  }
0x3f7: {  	s23 =	simm.s32 $0x4C80;
	[tilespmem:s1+$0x10100] =	vst v54  }
0x3f8: {  	[tilespmem:s4+$0x10100] =	vst v57;
	v1 =	vld.idx.msk [tilespmem:v0+s23+$0x0], $0xffff  }
0x3f9: {  	[tilespmem:s31+$0x10100] =	vst v55;
	v5 =	vld.idx.msk [tilespmem:v9+s23+$0x0], $0xffff  }
0x3fa: {  	v3 =	vld.idx.msk [tilespmem:v2+s23+$0x0], $0xffff;
	[tilespmem:s9+$0x10100] =	vst v56  }
0x3fb: {  	v4 =	vld.idx.msk [tilespmem:v19+s23+$0x0], $0xffff;
	[tilespmem:s8+$0x10100] =	vst v58  }
0x3fc: {  	v6 =	vld.idx.msk [tilespmem:v11+s23+$0x0], $0xffff  }
0x3fd: {  	[tilespmem:s1+$0x10180] =	vst v1  }
0x3fe: {  	[tilespmem:s4+$0x10180] =	vst v5;
	v1 =	vld.idx.msk [tilespmem:v0+s6+$0x0], $0xffff  }
0x3ff: {  	[tilespmem:s31+$0x10180] =	vst v3;
	v5 =	vld.idx.msk [tilespmem:v9+s6+$0x0], $0xffff  }
0x400: {  	v3 =	vld.idx.msk [tilespmem:v2+s6+$0x0], $0xffff;
	[tilespmem:s9+$0x10180] =	vst v4  }
0x401: {  	v4 =	vld.idx.msk [tilespmem:v19+s6+$0x0], $0xffff;
	[tilespmem:s8+$0x10180] =	vst v6  }
0x402: {  	v6 =	vld.idx.msk [tilespmem:v11+s6+$0x0], $0xffff  }
0x403: {  	[tilespmem:s1+$0x10200] =	vst v1  }
0x404: {  	[tilespmem:s4+$0x10200] =	vst v5;
	v59 =	vld.idx.msk [tilespmem:v0+s24+$0x0], $0xffff  }
0x405: {  	[tilespmem:s31+$0x10200] =	vst v3;
	v62 =	vld.idx.msk [tilespmem:v9+s24+$0x0], $0xffff  }
0x406: {  	v60 =	vld.idx.msk [tilespmem:v2+s24+$0x0], $0xffff;
	[tilespmem:s9+$0x10200] =	vst v4  }
0x407: {  	v61 =	vld.idx.msk [tilespmem:v19+s24+$0x0], $0xffff;
	[tilespmem:s8+$0x10200] =	vst v6  }
0x408: {  	v63 =	vld.idx.msk [tilespmem:v11+s24+$0x0], $0xffff  }
0x409: {  	[tilespmem:s1+$0x10280] =	vst v59  }
0x40a: {  	[tilespmem:s4+$0x10280] =	vst v62  }
0x40b: {  	[tilespmem:s31+$0x10280] =	vst v60  }
0x40c: {  	[tilespmem:s9+$0x10280] =	vst v61  }
0x40d: {  	[tilespmem:s8+$0x10280] =	vst v63  }
0x40e: {  	s24 =	sld [smem:$0x7EE]  }
0x40f: {  	s25 =	simm.s32 $0x7000  }
0x410: {  	s26 =	simm.s32 $0x3;
	s2 =	simm.s32 $0x20000;
	s1 =	simm.s32 $0x1000  }
0x411: {  	[hbm4b:s24+s1] =	stream.strided.scatter [tilespmem:s25], [sflag:$0x3], $0xA000, s2, s1, $0x38;
	[tilespmem:$0x11000] =	vst v63  }
0x412: {  	_ =	swait.ge [sflag:s26], $0xA000  }
0x413: {  	s30 =	sld [smem:$0x7D2]  }
0x414: {  	s31 =	sld [smem:$0x7F0];
	_ =	sdelay $0x1  }
0x415: {  	s4 =	sadd.s32 $0x1, s30  }
0x416: {  	p0 =	sne.s32 s4, s31  }
.Ltmp1:
0x417: {  	_ = 	snop;
	(pc) =	sbr.rel @p0 .LBB2_1-.Ltmp1, $3  }
0x418: {  	_ =	sdelay $0x1  }
0x419: {  	[sflag:s26] =	ssyncset.done $0x0  }
0x41a: {  	s28 =	simm.s32 $0x5000;
	s29 =	simm.s32 $0x6000;
	[sflag:s26] =	ssyncadd.s32 $0xFFFF6000  }
0x41b: {  	_ =	sfence.sel $0x180000  }
0x41c: {  	[bflag:$0x0] =	sbarrier.arrive $0xFFFF  }
0x41d: {  	_ =	strace $0x90000047  }
0x41e: {  	s0 =	stileid.u32;
	[bflag:$0x2] =	sbarrier.arrive $0xFFFF  }
0x41f: {  	p0 =	sne.s32 s0, $0x0;
	s0 =	rddreg [dreg:$0x3]  }
0x420: {  	s0 =	sadd.s32 @!p0 $0x100000, s0  }
0x421: {  	[sflag:s0] =	ssyncadd.tile.s32 @!p0 $0x1;
	_ =	shalt  }
.Lfunc_end2:
_tile_overlayer_lowered:
.L_overlay_start_2:
0x422: {  	(tag) =	ssettag $0x2  }
0x423: {  	s0 =	rddreg [dreg:$0x0];
	s2 =	stileid.u32  }
0x424: {  	s1 =	rddreg [dreg:$0x1];
	p0 =	sne.s32 s2, $0x0  }
0x425: {  	s3 =	rddreg [dreg:$0x2];
	[bflag:$0x3] =	sbarrier.arrive $0xFFFF;
	s2 =	simm.s32 @!p0 $0x1C03  }
0x426: {  	[timem:s3], [sflag:s2] =	dma.local @!p0 [hbm:s0], s1  }
0x427: {  	s0 =	simm.s32 @!p0 $0x3  }
0x428: {  	_ =	swait.ge @!p0 [sflag:s0], s1  }
0x429: {  	s1 =	ssub.s32 @!p0 $0x0, s1;
	[sflag:s0] =	ssyncset.done @!p0 $0x0  }
0x42a: {  	[sflag:s0] =	ssyncadd.s32 @!p0 s1  }
0x42b: {  	[bflag:$0x3] =	sbarrier.arrive $0xFFFF  }
0x42c: {  	_ =	shalt  }

</sc_bundles>
